<compile_context>
chip_gen: v7x
topology: tpu7x:2x2x1
jax: 0.10.2.dev20260603
libtpu: 0.0.44.dev20260713+nightly
codegen_flags: <defaults>
</compile_context>

<pallas_src>
import jax
import jax.numpy as jnp
from jax import lax
from jax.experimental import pallas as pl
from jax.experimental.pallas import tpu as pltpu
from jax.experimental.pallas import tpu_sc as plsc

_NF, _CARD, _DIM, _B = 26, 100000, 24, 16384
_ROWS = _B * _NF
_NC, _NS = 2, 16
_NW = _NC * _NS
_RPW = _ROWS // _NW
_CHUNK = 128
_K = 8
_GROUPS = _RPW // (_CHUNK * _K)

_NCB = _CARD // 128
_TAIL = _CARD - _NCB * 128
_UNITS = _NF * (_NCB + 1)
_FW = _DIM * 128
_TW = _DIM * _TAIL


_FULL = _NF * _NCB
_NT = (_FULL + _NW - 1) // _NW


_NSL = 4


def _tr_body(tt_hbm, tail_hbm, out_hbm,
             in_a, in_b, in_c, in_d, out_a, out_b, out_c, out_d,
             is0, is1, is2, is3, os0, os1, os2, os3):
    in_v = (in_a, in_b, in_c, in_d)
    out_v = (out_a, out_b, out_c, out_d)
    isem = (is0, is1, is2, is3)
    osem = (os0, os1, os2, os3)
    wid = lax.axis_index("s") * _NC + lax.axis_index("c")
    iota24 = lax.iota(jnp.int32, 16) * _DIM

    def fetch(t, slot, isem):
        u = wid + t * _NW

        @pl.when(u < _FULL)
        def _():
            i = u // _NCB
            c = u % _NCB
            pltpu.async_copy(
                tt_hbm.at[i, :, pl.ds(c * 128, 128)], in_v[slot], isem)

    def wait_in(t, slot, isem):
        u = wid + t * _NW

        @pl.when(u < _FULL)
        def _():
            pltpu.make_async_copy(
                tt_hbm.at[0, :, pl.ds(0, 128)], in_v[slot], isem).wait()

    def shuffle(t, slot, osem):
        u = wid + t * _NW

        @pl.when(u < _FULL)
        def _():
            @plsc.parallel_loop(0, _DIM * 8, step=1, unroll=8)
            def _(k):
                d = k >> 3
                g = k & 7
                vec = in_v[slot][d, pl.ds(g * 16, 16)]
                idx = iota24 + (g * 16 * _DIM + d)
                plsc.store_scatter(out_v[slot], [idx], vec)
            i = u // _NCB
            c = u % _NCB
            base = i * (_CARD * _DIM) + c * _FW
            pltpu.async_copy(out_v[slot], out_hbm.at[pl.ds(base, _FW)],
                             osem)

    def drain_out(t, slot, osem):
        u = wid + t * _NW

        @pl.when(u < _FULL)
        def _():
            pltpu.make_async_copy(
                out_v[slot], out_hbm.at[pl.ds(0, _FW)], osem).wait()

    for b in range(_NSL - 1):
        fetch(b, b, isem[b])

    nq = (_NT + _NSL - 1) // _NSL

    def quad(q, carry):
        tq = _NSL * q
        for b in range(_NSL):
            t = tq + b
            fetch(t + _NSL - 1, (b + _NSL - 1) % _NSL,
                  isem[(b + _NSL - 1) % _NSL])
            wait_in(t, b, isem[b])

            @pl.when(t >= _NSL)
            def _(t=t, b=b):
                drain_out(t - _NSL, b, osem[b])
            shuffle(t, b, osem[b])
        return carry

    lax.fori_loop(0, nq, quad, 0)
    for b in range(_NSL - 1):
        drain_out(_NSL * nq - _NSL + b, b, osem[b])
    drain_out(_NSL * nq - 1, _NSL - 1, osem[_NSL - 1])

    @pl.when(wid < _NF)
    def _():
        pltpu.sync_copy(tail_hbm.at[wid], in_v[0])
        @plsc.parallel_loop(0, _DIM * 2, step=1, unroll=8)
        def _(k):
            d = k >> 1
            g = k & 1
            vec = in_v[0][d, pl.ds(g * 16, 16)]
            idx = iota24 + (g * 16 * _DIM + d)
            plsc.store_scatter(out_v[0], [idx], vec)
        base = wid * (_CARD * _DIM) + _NCB * _FW
        pltpu.sync_copy(out_v[0].at[pl.ds(0, _TW)],
                        out_hbm.at[pl.ds(base, _TW)])


def _transpose_tables(tt, tail_p):
    mesh = plsc.VectorSubcoreMesh(core_axis_name="c", subcore_axis_name="s")
    return pl.kernel(
        _tr_body,
        out_type=jax.ShapeDtypeStruct((_NF * _CARD * _DIM,), jnp.float32),
        mesh=mesh,
        scratch_types=(
            [pltpu.VMEM((_DIM, 128), jnp.float32)] * _NSL
            + [pltpu.VMEM((_FW,), jnp.float32)] * _NSL
            + [pltpu.SemaphoreType.DMA] * (2 * _NSL)
        ),
        compiler_params=pltpu.CompilerParams(needs_layout_passes=False),
    )(tt, tail_p)


def _gather_body(idx_hbm, table_hbm, out_hbm, idx_v, rows_a, rows_b,
                 gs0, gs1, os0, os1):
    rows_v = (rows_a, rows_b)
    gsem = (gs0, gs1)
    osem = (os0, os1)
    wid = lax.axis_index("s") * _NC + lax.axis_index("c")
    base = wid * _RPW
    pltpu.sync_copy(idx_hbm.at[wid], idx_v)

    def fire(g, p):
        @pl.when(g < _GROUPS)
        def _():
            for b in range(_K):
                pltpu.async_copy(
                    table_hbm.at[idx_v.at[g * _K + b]],
                    rows_v[p].at[pl.ds(b * _CHUNK, _CHUNK)],
                    gsem[p],
                )

    def drain_gathers(p):
        for b in range(_K):
            pltpu.make_async_copy(
                table_hbm.at[idx_v.at[0]],
                rows_v[p].at[pl.ds(b * _CHUNK, _CHUNK)], gsem[p]).wait()

    def put(g, p):
        pltpu.async_copy(
            rows_v[p],
            out_hbm.at[pl.ds(base + g * (_K * _CHUNK), _K * _CHUNK)],
            osem[p],
        )

    def drain_put(p):
        pltpu.make_async_copy(
            rows_v[p], out_hbm.at[pl.ds(base, _K * _CHUNK)], osem[p]).wait()

    fire(0, 0)

    def pair(h, carry):
        g0 = 2 * h
        fire(g0 + 1, 1)
        drain_gathers(0)

        @pl.when(h >= 1)
        def _():
            drain_put(0)
        put(g0, 0)
        fire(g0 + 2, 0)
        drain_gathers(1)

        @pl.when(h >= 1)
        def _():
            drain_put(1)
        put(g0 + 1, 1)
        return carry

    lax.fori_loop(0, _GROUPS // 2, pair, 0)
    drain_gathers(0)
    drain_put(0)
    put(_GROUPS - 1, 0)
    drain_put(1)
    drain_put(0)


@jax.jit
def _cat_embed(x_cat, tables):
    tt = jnp.transpose(tables, (0, 2, 1))
    tail_p = jnp.pad(tt[:, :, _NCB * 128:], ((0, 0), (0, 0), (0, 128 - _TAIL)))
    flat1d = _transpose_tables(tt, tail_p)
    flat_tables = flat1d.reshape(_NF * _CARD, _DIM)
    offs = (jnp.arange(_NF, dtype=jnp.int32) * _CARD)[None, :]
    idx = (x_cat + offs).reshape(_NW, _RPW // _CHUNK, _CHUNK)
    mesh = plsc.VectorSubcoreMesh(core_axis_name="c", subcore_axis_name="s")
    out = pl.kernel(
        _gather_body,
        out_type=jax.ShapeDtypeStruct((_ROWS, _DIM), jnp.float32),
        mesh=mesh,
        scratch_types=[
            pltpu.VMEM((_RPW // _CHUNK, _CHUNK), jnp.int32),
            pltpu.VMEM((_K * _CHUNK, _DIM), jnp.float32),
            pltpu.VMEM((_K * _CHUNK, _DIM), jnp.float32),
            pltpu.SemaphoreType.DMA,
            pltpu.SemaphoreType.DMA,
            pltpu.SemaphoreType.DMA,
            pltpu.SemaphoreType.DMA,
        ],
        compiler_params=pltpu.CompilerParams(use_tc_tiling_on_sc=False),
    )(idx, flat_tables)
    return out.reshape(_B, _NF * _DIM)


def kernel(x_cat, tables):
    return _cat_embed(x_cat, tables)

# --- scband reference (transcript-rebuilt; emitter-appended) ---
"""Pipeline reference for scband-cat-embed-31619549233513 (READ-ONLY COPY).

The authoritative reference and input builder live on the scoring server;
editing this copy changes nothing except your own understanding.
"""

import jax, jax.numpy as jnp
import numpy as np

N_FIELDS = 26
CARD = 100000
DIM = 24  # emb_dim_from_card(100000) = clip(round(1.8*100000**0.25),4,24) = 24
BATCH = 16384


def setup_inputs(seed: int = 0) -> dict:
    key = jax.random.key(seed)
    k1, k2 = jax.random.split(key)
    x_cat = jax.random.randint(k1, (BATCH, N_FIELDS), 0, CARD, dtype=jnp.int32)
    # all 26 fields share cardinality 100000 and dim 24, so stack tables into one array
    tables = 0.02 * jax.random.normal(k2, (N_FIELDS, CARD, DIM), dtype=jnp.float32)
    return {"x_cat": x_cat, "tables": tables}


def reference(x_cat, tables):
    # CatEmbed.forward: concat per-field embedding lookups along feature dim
    outs = [jnp.take(tables[i], x_cat[:, i], axis=0) for i in range(N_FIELDS)]
    return jnp.concatenate(outs, axis=1)  # [BATCH, N_FIELDS*DIM] = [16384, 624]

if __name__ == "__main__":
    import jax
    _d = setup_inputs()
    print(jax.jit(kernel)(*tuple(_d.values())))

</pallas_src>

<mosaic_0001>
#map = affine_map<(d0, d1) -> (0, 0, 0)>
#map1 = affine_map<(d0, d1) -> (0)>
module attributes {stable_mosaic.version = 14 : i64} {
  func.func @_tr_body(%arg0: i32, %arg1: i32, %arg2: memref<26x24x100000xf32, #tpu.memory_space<hbm>>, %arg3: memref<26x24x128xf32, #tpu.memory_space<hbm>>, %arg4: memref<62400000xf32, #tpu.memory_space<hbm>>, %arg5: memref<24x128xf32, #tpu.memory_space<vmem>>, %arg6: memref<24x128xf32, #tpu.memory_space<vmem>>, %arg7: memref<24x128xf32, #tpu.memory_space<vmem>>, %arg8: memref<24x128xf32, #tpu.memory_space<vmem>>, %arg9: memref<3072xf32, #tpu.memory_space<vmem>>, %arg10: memref<3072xf32, #tpu.memory_space<vmem>>, %arg11: memref<3072xf32, #tpu.memory_space<vmem>>, %arg12: memref<3072xf32, #tpu.memory_space<vmem>>, %arg13: memref<!tpu.dma_semaphore, #tpu.memory_space<semaphore_mem>>, %arg14: memref<!tpu.dma_semaphore, #tpu.memory_space<semaphore_mem>>, %arg15: memref<!tpu.dma_semaphore, #tpu.memory_space<semaphore_mem>>, %arg16: memref<!tpu.dma_semaphore, #tpu.memory_space<semaphore_mem>>, %arg17: memref<!tpu.dma_semaphore, #tpu.memory_space<semaphore_mem>>, %arg18: memref<!tpu.dma_semaphore, #tpu.memory_space<semaphore_mem>>, %arg19: memref<!tpu.dma_semaphore, #tpu.memory_space<semaphore_mem>>, %arg20: memref<!tpu.dma_semaphore, #tpu.memory_space<semaphore_mem>>) attributes {dimension_semantics = [#tpu.dimension_semantics<core_parallel>, #tpu.dimension_semantics<subcore_parallel>], iteration_bounds = array<i64: 2, 16>, scalar_prefetch = 0 : i64, scratch_operands = 16 : i64, tpu.core_type = #tpu.core_type<sc_vector_subcore>, window_params = [{transform_indices = #map}, {transform_indices = #map}, {transform_indices = #map1}]} {
    %mul3A = arith.constant 2 : i32
    %mul3A_0 = arith.muli %arg1, %mul3A : i32
    %add3A = arith.addi %mul3A_0, %arg0 : i32
    %iota3A = tpu.iota {dimensions = array<i32: 0>} : vector<16xi32>
    %mul3A_1 = arith.constant 24 : i32
    %mul3A_2 = vector.broadcast %mul3A_1 : i32 to vector<16xi32>
    %mul3A_3 = arith.muli %iota3A, %mul3A_2 : vector<16xi32>
    %add3A_4 = arith.constant 0 : i32
    %add3A_5 = arith.addi %add3A, %add3A_4 : i32
    %lt3A = arith.constant 20306 : i32
    %lt3A_6 = arith.cmpi slt, %add3A_5, %lt3A : i32
    %convert_element_type3A = arith.extui %lt3A_6 : i1 to i32
    %cond3A = arith.constant 0 : i32
    %cond3A_7 = arith.cmpi ne, %convert_element_type3A, %cond3A : i32
    scf.if %cond3A_7 {
      %jit3A = arith.constant 781 : i32
      %div3A = arith.divsi %add3A_5, %jit3A : i32
      %sign3A = arith.constant 0 : i32
      %sign3A_60 = arith.cmpi sgt, %add3A_5, %sign3A : i32
      %sign3A_61 = arith.extui %sign3A_60 : i1 to i32
      %sign3A_62 = arith.constant 0 : i32
      %sign3A_63 = arith.cmpi slt, %add3A_5, %sign3A_62 : i32
      %sign3A_64 = arith.extui %sign3A_63 : i1 to i32
      %sign3A_65 = arith.subi %sign3A_61, %sign3A_64 : i32
      %sign3A_66 = arith.constant 0 : i32
      %sign3A_67 = arith.cmpi sgt, %jit3A, %sign3A_66 : i32
      %sign3A_68 = arith.extui %sign3A_67 : i1 to i32
      %sign3A_69 = arith.constant 0 : i32
      %sign3A_70 = arith.cmpi slt, %jit3A, %sign3A_69 : i32
      %sign3A_71 = arith.extui %sign3A_70 : i1 to i32
      %sign3A_72 = arith.subi %sign3A_68, %sign3A_71 : i32
      %ne3A = arith.cmpi ne, %sign3A_65, %sign3A_72 : i32
      %rem3A = arith.remsi %add3A_5, %jit3A : i32
      %ne3A_73 = arith.constant 0 : i32
      %ne3A_74 = arith.cmpi ne, %rem3A, %ne3A_73 : i32
      %and3A = arith.andi %ne3A, %ne3A_74 : i1
      %sub3A = arith.constant 1 : i32
      %sub3A_75 = arith.subi %div3A, %sub3A : i32
      %select_n3A = arith.select %and3A, %sub3A_75, %div3A : i32
      %jit3A_76 = arith.constant 781 : i32
      %eq3A = arith.constant 0 : i32
      %eq3A_77 = arith.cmpi eq, %jit3A_76, %eq3A : i32
      %jit3A_78 = arith.constant 1 : i32
      %select_n3A_79 = arith.select %eq3A_77, %jit3A_78, %jit3A_76 : i32
      %rem3A_80 = arith.remsi %add3A_5, %select_n3A_79 : i32
      %ne3A_81 = arith.constant 0 : i32
      %ne3A_82 = arith.cmpi ne, %rem3A_80, %ne3A_81 : i32
      %lt3A_83 = arith.constant 0 : i32
      %lt3A_84 = arith.cmpi slt, %rem3A_80, %lt3A_83 : i32
      %lt3A_85 = arith.constant 0 : i32
      %lt3A_86 = arith.cmpi slt, %select_n3A_79, %lt3A_85 : i32
      %ne3A_87 = arith.xori %lt3A_84, %lt3A_86 : i1
      %and3A_88 = arith.andi %ne3A_87, %ne3A_82 : i1
      %add3A_89 = arith.addi %rem3A_80, %select_n3A_79 : i32
      %select_n3A_90 = arith.select %and3A_88, %add3A_89, %rem3A_80 : i32
      %mul3A_91 = arith.constant 128 : i32
      %mul3A_92 = arith.muli %select_n3A_90, %mul3A_91 : i32
      %dma_start3A = arith.constant 0 : i32
      %dma_start3A_93 = tpu.memref_slice %arg2[%select_n3A, %dma_start3A, %mul3A_92] : memref<26x24x100000xf32, #tpu.memory_space<hbm>> -> memref<1x24x128xf32, #tpu.memory_space<hbm>>
      %dma_start3A_94 = tpu.memref_squeeze %dma_start3A_93 : memref<1x24x128xf32, #tpu.memory_space<hbm>> -> memref<24x128xf32, #tpu.memory_space<hbm>>
      %dma_start3A_95 = arith.constant 0 : i32
      %dma_start3A_96 = tpu.memref_slice %arg2[%select_n3A, %dma_start3A_95, %mul3A_92] : memref<26x24x100000xf32, #tpu.memory_space<hbm>> -> memref<1x24x128xf32, #tpu.memory_space<hbm>>
      %dma_start3A_97 = tpu.memref_squeeze %dma_start3A_96 : memref<1x24x128xf32, #tpu.memory_space<hbm>> -> memref<24x128xf32, #tpu.memory_space<hbm>>
      tpu.enqueue_dma source(%dma_start3A_97 : memref<24x128xf32, #tpu.memory_space<hbm>>) target(%arg5 : memref<24x128xf32, #tpu.memory_space<vmem>>) target_semaphore(%arg13 : memref<!tpu.dma_semaphore, #tpu.memory_space<semaphore_mem>>)
    } else {
    }
    %add3A_8 = arith.constant 32 : i32
    %add3A_9 = arith.addi %add3A, %add3A_8 : i32
    %lt3A_10 = arith.constant 20306 : i32
    %lt3A_11 = arith.cmpi slt, %add3A_9, %lt3A_10 : i32
    %convert_element_type3A_12 = arith.extui %lt3A_11 : i1 to i32
    %cond3A_13 = arith.constant 0 : i32
    %cond3A_14 = arith.cmpi ne, %convert_element_type3A_12, %cond3A_13 : i32
    scf.if %cond3A_14 {
      %jit3A = arith.constant 781 : i32
      %div3A = arith.divsi %add3A_9, %jit3A : i32
      %sign3A = arith.constant 0 : i32
      %sign3A_60 = arith.cmpi sgt, %add3A_9, %sign3A : i32
      %sign3A_61 = arith.extui %sign3A_60 : i1 to i32
      %sign3A_62 = arith.constant 0 : i32
      %sign3A_63 = arith.cmpi slt, %add3A_9, %sign3A_62 : i32
      %sign3A_64 = arith.extui %sign3A_63 : i1 to i32
      %sign3A_65 = arith.subi %sign3A_61, %sign3A_64 : i32
      %sign3A_66 = arith.constant 0 : i32
      %sign3A_67 = arith.cmpi sgt, %jit3A, %sign3A_66 : i32
      %sign3A_68 = arith.extui %sign3A_67 : i1 to i32
      %sign3A_69 = arith.constant 0 : i32
      %sign3A_70 = arith.cmpi slt, %jit3A, %sign3A_69 : i32
      %sign3A_71 = arith.extui %sign3A_70 : i1 to i32
      %sign3A_72 = arith.subi %sign3A_68, %sign3A_71 : i32
      %ne3A = arith.cmpi ne, %sign3A_65, %sign3A_72 : i32
      %rem3A = arith.remsi %add3A_9, %jit3A : i32
      %ne3A_73 = arith.constant 0 : i32
      %ne3A_74 = arith.cmpi ne, %rem3A, %ne3A_73 : i32
      %and3A = arith.andi %ne3A, %ne3A_74 : i1
      %sub3A = arith.constant 1 : i32
      %sub3A_75 = arith.subi %div3A, %sub3A : i32
      %select_n3A = arith.select %and3A, %sub3A_75, %div3A : i32
      %jit3A_76 = arith.constant 781 : i32
      %eq3A = arith.constant 0 : i32
      %eq3A_77 = arith.cmpi eq, %jit3A_76, %eq3A : i32
      %jit3A_78 = arith.constant 1 : i32
      %select_n3A_79 = arith.select %eq3A_77, %jit3A_78, %jit3A_76 : i32
      %rem3A_80 = arith.remsi %add3A_9, %select_n3A_79 : i32
      %ne3A_81 = arith.constant 0 : i32
      %ne3A_82 = arith.cmpi ne, %rem3A_80, %ne3A_81 : i32
      %lt3A_83 = arith.constant 0 : i32
      %lt3A_84 = arith.cmpi slt, %rem3A_80, %lt3A_83 : i32
      %lt3A_85 = arith.constant 0 : i32
      %lt3A_86 = arith.cmpi slt, %select_n3A_79, %lt3A_85 : i32
      %ne3A_87 = arith.xori %lt3A_84, %lt3A_86 : i1
      %and3A_88 = arith.andi %ne3A_87, %ne3A_82 : i1
      %add3A_89 = arith.addi %rem3A_80, %select_n3A_79 : i32
      %select_n3A_90 = arith.select %and3A_88, %add3A_89, %rem3A_80 : i32
      %mul3A_91 = arith.constant 128 : i32
      %mul3A_92 = arith.muli %select_n3A_90, %mul3A_91 : i32
      %dma_start3A = arith.constant 0 : i32
      %dma_start3A_93 = tpu.memref_slice %arg2[%select_n3A, %dma_start3A, %mul3A_92] : memref<26x24x100000xf32, #tpu.memory_space<hbm>> -> memref<1x24x128xf32, #tpu.memory_space<hbm>>
      %dma_start3A_94 = tpu.memref_squeeze %dma_start3A_93 : memref<1x24x128xf32, #tpu.memory_space<hbm>> -> memref<24x128xf32, #tpu.memory_space<hbm>>
      %dma_start3A_95 = arith.constant 0 : i32
      %dma_start3A_96 = tpu.memref_slice %arg2[%select_n3A, %dma_start3A_95, %mul3A_92] : memref<26x24x100000xf32, #tpu.memory_space<hbm>> -> memref<1x24x128xf32, #tpu.memory_space<hbm>>
      %dma_start3A_97 = tpu.memref_squeeze %dma_start3A_96 : memref<1x24x128xf32, #tpu.memory_space<hbm>> -> memref<24x128xf32, #tpu.memory_space<hbm>>
      tpu.enqueue_dma source(%dma_start3A_97 : memref<24x128xf32, #tpu.memory_space<hbm>>) target(%arg6 : memref<24x128xf32, #tpu.memory_space<vmem>>) target_semaphore(%arg14 : memref<!tpu.dma_semaphore, #tpu.memory_space<semaphore_mem>>)
    } else {
    }
    %add3A_15 = arith.constant 64 : i32
    %add3A_16 = arith.addi %add3A, %add3A_15 : i32
    %lt3A_17 = arith.constant 20306 : i32
    %lt3A_18 = arith.cmpi slt, %add3A_16, %lt3A_17 : i32
    %convert_element_type3A_19 = arith.extui %lt3A_18 : i1 to i32
    %cond3A_20 = arith.constant 0 : i32
    %cond3A_21 = arith.cmpi ne, %convert_element_type3A_19, %cond3A_20 : i32
    scf.if %cond3A_21 {
      %jit3A = arith.constant 781 : i32
      %div3A = arith.divsi %add3A_16, %jit3A : i32
      %sign3A = arith.constant 0 : i32
      %sign3A_60 = arith.cmpi sgt, %add3A_16, %sign3A : i32
      %sign3A_61 = arith.extui %sign3A_60 : i1 to i32
      %sign3A_62 = arith.constant 0 : i32
      %sign3A_63 = arith.cmpi slt, %add3A_16, %sign3A_62 : i32
      %sign3A_64 = arith.extui %sign3A_63 : i1 to i32
      %sign3A_65 = arith.subi %sign3A_61, %sign3A_64 : i32
      %sign3A_66 = arith.constant 0 : i32
      %sign3A_67 = arith.cmpi sgt, %jit3A, %sign3A_66 : i32
      %sign3A_68 = arith.extui %sign3A_67 : i1 to i32
      %sign3A_69 = arith.constant 0 : i32
      %sign3A_70 = arith.cmpi slt, %jit3A, %sign3A_69 : i32
      %sign3A_71 = arith.extui %sign3A_70 : i1 to i32
      %sign3A_72 = arith.subi %sign3A_68, %sign3A_71 : i32
      %ne3A = arith.cmpi ne, %sign3A_65, %sign3A_72 : i32
      %rem3A = arith.remsi %add3A_16, %jit3A : i32
      %ne3A_73 = arith.constant 0 : i32
      %ne3A_74 = arith.cmpi ne, %rem3A, %ne3A_73 : i32
      %and3A = arith.andi %ne3A, %ne3A_74 : i1
      %sub3A = arith.constant 1 : i32
      %sub3A_75 = arith.subi %div3A, %sub3A : i32
      %select_n3A = arith.select %and3A, %sub3A_75, %div3A : i32
      %jit3A_76 = arith.constant 781 : i32
      %eq3A = arith.constant 0 : i32
      %eq3A_77 = arith.cmpi eq, %jit3A_76, %eq3A : i32
      %jit3A_78 = arith.constant 1 : i32
      %select_n3A_79 = arith.select %eq3A_77, %jit3A_78, %jit3A_76 : i32
      %rem3A_80 = arith.remsi %add3A_16, %select_n3A_79 : i32
      %ne3A_81 = arith.constant 0 : i32
      %ne3A_82 = arith.cmpi ne, %rem3A_80, %ne3A_81 : i32
      %lt3A_83 = arith.constant 0 : i32
      %lt3A_84 = arith.cmpi slt, %rem3A_80, %lt3A_83 : i32
      %lt3A_85 = arith.constant 0 : i32
      %lt3A_86 = arith.cmpi slt, %select_n3A_79, %lt3A_85 : i32
      %ne3A_87 = arith.xori %lt3A_84, %lt3A_86 : i1
      %and3A_88 = arith.andi %ne3A_87, %ne3A_82 : i1
      %add3A_89 = arith.addi %rem3A_80, %select_n3A_79 : i32
      %select_n3A_90 = arith.select %and3A_88, %add3A_89, %rem3A_80 : i32
      %mul3A_91 = arith.constant 128 : i32
      %mul3A_92 = arith.muli %select_n3A_90, %mul3A_91 : i32
      %dma_start3A = arith.constant 0 : i32
      %dma_start3A_93 = tpu.memref_slice %arg2[%select_n3A, %dma_start3A, %mul3A_92] : memref<26x24x100000xf32, #tpu.memory_space<hbm>> -> memref<1x24x128xf32, #tpu.memory_space<hbm>>
      %dma_start3A_94 = tpu.memref_squeeze %dma_start3A_93 : memref<1x24x128xf32, #tpu.memory_space<hbm>> -> memref<24x128xf32, #tpu.memory_space<hbm>>
      %dma_start3A_95 = arith.constant 0 : i32
      %dma_start3A_96 = tpu.memref_slice %arg2[%select_n3A, %dma_start3A_95, %mul3A_92] : memref<26x24x100000xf32, #tpu.memory_space<hbm>> -> memref<1x24x128xf32, #tpu.memory_space<hbm>>
      %dma_start3A_97 = tpu.memref_squeeze %dma_start3A_96 : memref<1x24x128xf32, #tpu.memory_space<hbm>> -> memref<24x128xf32, #tpu.memory_space<hbm>>
      tpu.enqueue_dma source(%dma_start3A_97 : memref<24x128xf32, #tpu.memory_space<hbm>>) target(%arg7 : memref<24x128xf32, #tpu.memory_space<vmem>>) target_semaphore(%arg15 : memref<!tpu.dma_semaphore, #tpu.memory_space<semaphore_mem>>)
    } else {
    }
    %scan3A = arith.constant 0 : i32
    %scan3A_22 = arith.constant 0 : i32
    %scan3A_23 = arith.constant 159 : i32
    %scan3A_24 = arith.addi %scan3A_22, %scan3A_23 : i32
    %scan3A_25 = arith.constant 1 : i32
    scf.for %scan3A_60 = %scan3A_22 to %scan3A_24 step %scan3A_25  : i32 {
      %mul3A_61 = arith.constant 4 : i32
      %mul3A_62 = arith.muli %mul3A_61, %scan3A_60 : i32
      %add3A_63 = arith.constant 0 : i32
      %add3A_64 = arith.addi %mul3A_62, %add3A_63 : i32
      %add3A_65 = arith.constant 4 : i32
      %add3A_66 = arith.addi %add3A_64, %add3A_65 : i32
      %sub3A = arith.constant 1 : i32
      %sub3A_67 = arith.subi %add3A_66, %sub3A : i32
      %mul3A_68 = arith.constant 32 : i32
      %mul3A_69 = arith.muli %sub3A_67, %mul3A_68 : i32
      %add3A_70 = arith.addi %add3A, %mul3A_69 : i32
      %lt3A_71 = arith.constant 20306 : i32
      %lt3A_72 = arith.cmpi slt, %add3A_70, %lt3A_71 : i32
      %convert_element_type3A_73 = arith.extui %lt3A_72 : i1 to i32
      %cond3A_74 = arith.constant 0 : i32
      %cond3A_75 = arith.cmpi ne, %convert_element_type3A_73, %cond3A_74 : i32
      scf.if %cond3A_75 {
        %jit3A = arith.constant 781 : i32
        %div3A = arith.divsi %add3A_70, %jit3A : i32
        %sign3A = arith.constant 0 : i32
        %sign3A_201 = arith.cmpi sgt, %add3A_70, %sign3A : i32
        %sign3A_202 = arith.extui %sign3A_201 : i1 to i32
        %sign3A_203 = arith.constant 0 : i32
        %sign3A_204 = arith.cmpi slt, %add3A_70, %sign3A_203 : i32
        %sign3A_205 = arith.extui %sign3A_204 : i1 to i32
        %sign3A_206 = arith.subi %sign3A_202, %sign3A_205 : i32
        %sign3A_207 = arith.constant 0 : i32
        %sign3A_208 = arith.cmpi sgt, %jit3A, %sign3A_207 : i32
        %sign3A_209 = arith.extui %sign3A_208 : i1 to i32
        %sign3A_210 = arith.constant 0 : i32
        %sign3A_211 = arith.cmpi slt, %jit3A, %sign3A_210 : i32
        %sign3A_212 = arith.extui %sign3A_211 : i1 to i32
        %sign3A_213 = arith.subi %sign3A_209, %sign3A_212 : i32
        %ne3A = arith.cmpi ne, %sign3A_206, %sign3A_213 : i32
        %rem3A = arith.remsi %add3A_70, %jit3A : i32
        %ne3A_214 = arith.constant 0 : i32
        %ne3A_215 = arith.cmpi ne, %rem3A, %ne3A_214 : i32
        %and3A = arith.andi %ne3A, %ne3A_215 : i1
        %sub3A_216 = arith.constant 1 : i32
        %sub3A_217 = arith.subi %div3A, %sub3A_216 : i32
        %select_n3A = arith.select %and3A, %sub3A_217, %div3A : i32
        %jit3A_218 = arith.constant 781 : i32
        %eq3A = arith.constant 0 : i32
        %eq3A_219 = arith.cmpi eq, %jit3A_218, %eq3A : i32
        %jit3A_220 = arith.constant 1 : i32
        %select_n3A_221 = arith.select %eq3A_219, %jit3A_220, %jit3A_218 : i32
        %rem3A_222 = arith.remsi %add3A_70, %select_n3A_221 : i32
        %ne3A_223 = arith.constant 0 : i32
        %ne3A_224 = arith.cmpi ne, %rem3A_222, %ne3A_223 : i32
        %lt3A_225 = arith.constant 0 : i32
        %lt3A_226 = arith.cmpi slt, %rem3A_222, %lt3A_225 : i32
        %lt3A_227 = arith.constant 0 : i32
        %lt3A_228 = arith.cmpi slt, %select_n3A_221, %lt3A_227 : i32
        %ne3A_229 = arith.xori %lt3A_226, %lt3A_228 : i1
        %and3A_230 = arith.andi %ne3A_229, %ne3A_224 : i1
        %add3A_231 = arith.addi %rem3A_222, %select_n3A_221 : i32
        %select_n3A_232 = arith.select %and3A_230, %add3A_231, %rem3A_222 : i32
        %mul3A_233 = arith.constant 128 : i32
        %mul3A_234 = arith.muli %select_n3A_232, %mul3A_233 : i32
        %dma_start3A = arith.constant 0 : i32
        %dma_start3A_235 = tpu.memref_slice %arg2[%select_n3A, %dma_start3A, %mul3A_234] : memref<26x24x100000xf32, #tpu.memory_space<hbm>> -> memref<1x24x128xf32, #tpu.memory_space<hbm>>
        %dma_start3A_236 = tpu.memref_squeeze %dma_start3A_235 : memref<1x24x128xf32, #tpu.memory_space<hbm>> -> memref<24x128xf32, #tpu.memory_space<hbm>>
        %dma_start3A_237 = arith.constant 0 : i32
        %dma_start3A_238 = tpu.memref_slice %arg2[%select_n3A, %dma_start3A_237, %mul3A_234] : memref<26x24x100000xf32, #tpu.memory_space<hbm>> -> memref<1x24x128xf32, #tpu.memory_space<hbm>>
        %dma_start3A_239 = tpu.memref_squeeze %dma_start3A_238 : memref<1x24x128xf32, #tpu.memory_space<hbm>> -> memref<24x128xf32, #tpu.memory_space<hbm>>
        tpu.enqueue_dma source(%dma_start3A_239 : memref<24x128xf32, #tpu.memory_space<hbm>>) target(%arg8 : memref<24x128xf32, #tpu.memory_space<vmem>>) target_semaphore(%arg16 : memref<!tpu.dma_semaphore, #tpu.memory_space<semaphore_mem>>)
      } else {
      }
      %mul3A_76 = arith.constant 32 : i32
      %mul3A_77 = arith.muli %add3A_64, %mul3A_76 : i32
      %add3A_78 = arith.addi %add3A, %mul3A_77 : i32
      %lt3A_79 = arith.constant 20306 : i32
      %lt3A_80 = arith.cmpi slt, %add3A_78, %lt3A_79 : i32
      %convert_element_type3A_81 = arith.extui %lt3A_80 : i1 to i32
      %cond3A_82 = arith.constant 0 : i32
      %cond3A_83 = arith.cmpi ne, %convert_element_type3A_81, %cond3A_82 : i32
      scf.if %cond3A_83 {
        %dma_wait3A = arith.constant 0 : i32
        %dma_wait3A_201 = arith.constant 0 : i32
        %dma_wait3A_202 = arith.constant 0 : i32
        %dma_wait3A_203 = tpu.memref_slice %arg2[%dma_wait3A, %dma_wait3A_201, %dma_wait3A_202] : memref<26x24x100000xf32, #tpu.memory_space<hbm>> -> memref<1x24x128xf32, #tpu.memory_space<hbm>>
        %dma_wait3A_204 = tpu.memref_squeeze %dma_wait3A_203 : memref<1x24x128xf32, #tpu.memory_space<hbm>> -> memref<24x128xf32, #tpu.memory_space<hbm>>
        %dma_wait3A_205 = arith.constant 0 : i32
        %dma_wait3A_206 = arith.constant 0 : i32
        %dma_wait3A_207 = tpu.memref_slice %arg2[%dma_wait3A, %dma_wait3A_205, %dma_wait3A_206] : memref<26x24x100000xf32, #tpu.memory_space<hbm>> -> memref<1x24x128xf32, #tpu.memory_space<hbm>>
        %dma_wait3A_208 = tpu.memref_squeeze %dma_wait3A_207 : memref<1x24x128xf32, #tpu.memory_space<hbm>> -> memref<24x128xf32, #tpu.memory_space<hbm>>
        tpu.wait_dma2 semaphore(%arg13 : memref<!tpu.dma_semaphore, #tpu.memory_space<semaphore_mem>>) src(%dma_wait3A_208 : memref<24x128xf32, #tpu.memory_space<hbm>>) dst(%arg5 : memref<24x128xf32, #tpu.memory_space<vmem>>)
      } else {
      }
      %ge3A = arith.constant 4 : i32
      %ge3A_84 = arith.cmpi sge, %add3A_64, %ge3A : i32
      %convert_element_type3A_85 = arith.extui %ge3A_84 : i1 to i32
      %cond3A_86 = arith.constant 0 : i32
      %cond3A_87 = arith.cmpi ne, %convert_element_type3A_85, %cond3A_86 : i32
      scf.if %cond3A_87 {
        %sub3A_201 = arith.constant 4 : i32
        %sub3A_202 = arith.subi %add3A_64, %sub3A_201 : i32
        %mul3A_203 = arith.constant 32 : i32
        %mul3A_204 = arith.muli %sub3A_202, %mul3A_203 : i32
        %add3A_205 = arith.addi %add3A, %mul3A_204 : i32
        %lt3A_206 = arith.constant 20306 : i32
        %lt3A_207 = arith.cmpi slt, %add3A_205, %lt3A_206 : i32
        %convert_element_type3A_208 = arith.extui %lt3A_207 : i1 to i32
        %cond3A_209 = arith.constant 0 : i32
        %cond3A_210 = arith.cmpi ne, %convert_element_type3A_208, %cond3A_209 : i32
        scf.if %cond3A_210 {
          %dma_wait3A = arith.constant 0 : i32
          %dma_wait3A_211 = tpu.memref_slice %arg4[%dma_wait3A] : memref<62400000xf32, #tpu.memory_space<hbm>> -> memref<3072xf32, #tpu.memory_space<hbm>>
          %dma_wait3A_212 = arith.constant 0 : i32
          %dma_wait3A_213 = tpu.memref_slice %arg4[%dma_wait3A_212] : memref<62400000xf32, #tpu.memory_space<hbm>> -> memref<3072xf32, #tpu.memory_space<hbm>>
          tpu.wait_dma2 semaphore(%arg17 : memref<!tpu.dma_semaphore, #tpu.memory_space<semaphore_mem>>) src(%arg9 : memref<3072xf32, #tpu.memory_space<vmem>>) dst(%dma_wait3A_213 : memref<3072xf32, #tpu.memory_space<hbm>>)
        } else {
        }
      } else {
      }
      %mul3A_88 = arith.constant 32 : i32
      %mul3A_89 = arith.muli %add3A_64, %mul3A_88 : i32
      %add3A_90 = arith.addi %add3A, %mul3A_89 : i32
      %lt3A_91 = arith.constant 20306 : i32
      %lt3A_92 = arith.cmpi slt, %add3A_90, %lt3A_91 : i32
      %convert_element_type3A_93 = arith.extui %lt3A_92 : i1 to i32
      %cond3A_94 = arith.constant 0 : i32
      %cond3A_95 = arith.cmpi ne, %convert_element_type3A_93, %cond3A_94 : i32
      scf.if %cond3A_95 {
        %parallel_loop3A = arith.constant 0 : i32
        %parallel_loop3A_201 = arith.constant 192 : i32
        %parallel_loop3A_202 = arith.constant 1 : i32
        scf.for %parallel_loop3A_241 = %parallel_loop3A to %parallel_loop3A_201 step %parallel_loop3A_202  : i32 {
          %parallel_loop3A_242 = arith.constant 3 : i32
          %parallel_loop3A_243 = arith.shrsi %parallel_loop3A_241, %parallel_loop3A_242 : i32
          %parallel_loop3A_244 = arith.constant 7 : i32
          %parallel_loop3A_245 = arith.andi %parallel_loop3A_241, %parallel_loop3A_244 : i32
          %parallel_loop3A_246 = arith.constant 16 : i32
          %parallel_loop3A_247 = arith.muli %parallel_loop3A_245, %parallel_loop3A_246 : i32
          %parallel_loop3A_248 = arith.index_cast %parallel_loop3A_243 : i32 to index
          %parallel_loop3A_249 = arith.index_cast %parallel_loop3A_247 : i32 to index
          %parallel_loop3A_250 = tpu.vector_load %arg5[%parallel_loop3A_248, %parallel_loop3A_249] {strides = array<i32>} : memref<24x128xf32, #tpu.memory_space<vmem>>, vector<16xf32>,
          %parallel_loop3A_251 = arith.constant 16 : i32
          %parallel_loop3A_252 = arith.muli %parallel_loop3A_245, %parallel_loop3A_251 : i32
          %parallel_loop3A_253 = arith.constant 24 : i32
          %parallel_loop3A_254 = arith.muli %parallel_loop3A_252, %parallel_loop3A_253 : i32
          %parallel_loop3A_255 = arith.addi %parallel_loop3A_254, %parallel_loop3A_243 : i32
          %parallel_loop3A_256 = vector.broadcast %parallel_loop3A_255 : i32 to vector<16xi32>
          %parallel_loop3A_257 = arith.addi %mul3A_3, %parallel_loop3A_256 : vector<16xi32>
          tpu.vector_store_idx %arg9[%parallel_loop3A_257], %parallel_loop3A_250 : memref<3072xf32, #tpu.memory_space<vmem>>[vector<16xi32>], vector<16xf32>,
        } {sc.loop_unroll_factor = 8 : i64, sc.parallel_access}
        %jit3A = arith.constant 781 : i32
        %div3A = arith.divsi %add3A_90, %jit3A : i32
        %sign3A = arith.constant 0 : i32
        %sign3A_203 = arith.cmpi sgt, %add3A_90, %sign3A : i32
        %sign3A_204 = arith.extui %sign3A_203 : i1 to i32
        %sign3A_205 = arith.constant 0 : i32
        %sign3A_206 = arith.cmpi slt, %add3A_90, %sign3A_205 : i32
        %sign3A_207 = arith.extui %sign3A_206 : i1 to i32
        %sign3A_208 = arith.subi %sign3A_204, %sign3A_207 : i32
        %sign3A_209 = arith.constant 0 : i32
        %sign3A_210 = arith.cmpi sgt, %jit3A, %sign3A_209 : i32
        %sign3A_211 = arith.extui %sign3A_210 : i1 to i32
        %sign3A_212 = arith.constant 0 : i32
        %sign3A_213 = arith.cmpi slt, %jit3A, %sign3A_212 : i32
        %sign3A_214 = arith.extui %sign3A_213 : i1 to i32
        %sign3A_215 = arith.subi %sign3A_211, %sign3A_214 : i32
        %ne3A = arith.cmpi ne, %sign3A_208, %sign3A_215 : i32
        %rem3A = arith.remsi %add3A_90, %jit3A : i32
        %ne3A_216 = arith.constant 0 : i32
        %ne3A_217 = arith.cmpi ne, %rem3A, %ne3A_216 : i32
        %and3A = arith.andi %ne3A, %ne3A_217 : i1
        %sub3A_218 = arith.constant 1 : i32
        %sub3A_219 = arith.subi %div3A, %sub3A_218 : i32
        %select_n3A = arith.select %and3A, %sub3A_219, %div3A : i32
        %jit3A_220 = arith.constant 781 : i32
        %eq3A = arith.constant 0 : i32
        %eq3A_221 = arith.cmpi eq, %jit3A_220, %eq3A : i32
        %jit3A_222 = arith.constant 1 : i32
        %select_n3A_223 = arith.select %eq3A_221, %jit3A_222, %jit3A_220 : i32
        %rem3A_224 = arith.remsi %add3A_90, %select_n3A_223 : i32
        %ne3A_225 = arith.constant 0 : i32
        %ne3A_226 = arith.cmpi ne, %rem3A_224, %ne3A_225 : i32
        %lt3A_227 = arith.constant 0 : i32
        %lt3A_228 = arith.cmpi slt, %rem3A_224, %lt3A_227 : i32
        %lt3A_229 = arith.constant 0 : i32
        %lt3A_230 = arith.cmpi slt, %select_n3A_223, %lt3A_229 : i32
        %ne3A_231 = arith.xori %lt3A_228, %lt3A_230 : i1
        %and3A_232 = arith.andi %ne3A_231, %ne3A_226 : i1
        %add3A_233 = arith.addi %rem3A_224, %select_n3A_223 : i32
        %select_n3A_234 = arith.select %and3A_232, %add3A_233, %rem3A_224 : i32
        %mul3A_235 = arith.constant 2400000 : i32
        %mul3A_236 = arith.muli %select_n3A, %mul3A_235 : i32
        %mul3A_237 = arith.constant 3072 : i32
        %mul3A_238 = arith.muli %select_n3A_234, %mul3A_237 : i32
        %add3A_239 = arith.addi %mul3A_236, %mul3A_238 : i32
        %dma_start3A = tpu.memref_slice %arg4[%add3A_239] : memref<62400000xf32, #tpu.memory_space<hbm>> -> memref<3072xf32, #tpu.memory_space<hbm>>
        %dma_start3A_240 = tpu.memref_slice %arg4[%add3A_239] : memref<62400000xf32, #tpu.memory_space<hbm>> -> memref<3072xf32, #tpu.memory_space<hbm>>
        tpu.enqueue_dma source(%arg9 : memref<3072xf32, #tpu.memory_space<vmem>>) target(%dma_start3A_240 : memref<3072xf32, #tpu.memory_space<hbm>>) target_semaphore(%arg17 : memref<!tpu.dma_semaphore, #tpu.memory_space<semaphore_mem>>)
      } else {
      }
      %add3A_96 = arith.constant 1 : i32
      %add3A_97 = arith.addi %mul3A_62, %add3A_96 : i32
      %add3A_98 = arith.constant 4 : i32
      %add3A_99 = arith.addi %add3A_97, %add3A_98 : i32
      %sub3A_100 = arith.constant 1 : i32
      %sub3A_101 = arith.subi %add3A_99, %sub3A_100 : i32
      %mul3A_102 = arith.constant 32 : i32
      %mul3A_103 = arith.muli %sub3A_101, %mul3A_102 : i32
      %add3A_104 = arith.addi %add3A, %mul3A_103 : i32
      %lt3A_105 = arith.constant 20306 : i32
      %lt3A_106 = arith.cmpi slt, %add3A_104, %lt3A_105 : i32
      %convert_element_type3A_107 = arith.extui %lt3A_106 : i1 to i32
      %cond3A_108 = arith.constant 0 : i32
      %cond3A_109 = arith.cmpi ne, %convert_element_type3A_107, %cond3A_108 : i32
      scf.if %cond3A_109 {
        %jit3A = arith.constant 781 : i32
        %div3A = arith.divsi %add3A_104, %jit3A : i32
        %sign3A = arith.constant 0 : i32
        %sign3A_201 = arith.cmpi sgt, %add3A_104, %sign3A : i32
        %sign3A_202 = arith.extui %sign3A_201 : i1 to i32
        %sign3A_203 = arith.constant 0 : i32
        %sign3A_204 = arith.cmpi slt, %add3A_104, %sign3A_203 : i32
        %sign3A_205 = arith.extui %sign3A_204 : i1 to i32
        %sign3A_206 = arith.subi %sign3A_202, %sign3A_205 : i32
        %sign3A_207 = arith.constant 0 : i32
        %sign3A_208 = arith.cmpi sgt, %jit3A, %sign3A_207 : i32
        %sign3A_209 = arith.extui %sign3A_208 : i1 to i32
        %sign3A_210 = arith.constant 0 : i32
        %sign3A_211 = arith.cmpi slt, %jit3A, %sign3A_210 : i32
        %sign3A_212 = arith.extui %sign3A_211 : i1 to i32
        %sign3A_213 = arith.subi %sign3A_209, %sign3A_212 : i32
        %ne3A = arith.cmpi ne, %sign3A_206, %sign3A_213 : i32
        %rem3A = arith.remsi %add3A_104, %jit3A : i32
        %ne3A_214 = arith.constant 0 : i32
        %ne3A_215 = arith.cmpi ne, %rem3A, %ne3A_214 : i32
        %and3A = arith.andi %ne3A, %ne3A_215 : i1
        %sub3A_216 = arith.constant 1 : i32
        %sub3A_217 = arith.subi %div3A, %sub3A_216 : i32
        %select_n3A = arith.select %and3A, %sub3A_217, %div3A : i32
        %jit3A_218 = arith.constant 781 : i32
        %eq3A = arith.constant 0 : i32
        %eq3A_219 = arith.cmpi eq, %jit3A_218, %eq3A : i32
        %jit3A_220 = arith.constant 1 : i32
        %select_n3A_221 = arith.select %eq3A_219, %jit3A_220, %jit3A_218 : i32
        %rem3A_222 = arith.remsi %add3A_104, %select_n3A_221 : i32
        %ne3A_223 = arith.constant 0 : i32
        %ne3A_224 = arith.cmpi ne, %rem3A_222, %ne3A_223 : i32
        %lt3A_225 = arith.constant 0 : i32
        %lt3A_226 = arith.cmpi slt, %rem3A_222, %lt3A_225 : i32
        %lt3A_227 = arith.constant 0 : i32
        %lt3A_228 = arith.cmpi slt, %select_n3A_221, %lt3A_227 : i32
        %ne3A_229 = arith.xori %lt3A_226, %lt3A_228 : i1
        %and3A_230 = arith.andi %ne3A_229, %ne3A_224 : i1
        %add3A_231 = arith.addi %rem3A_222, %select_n3A_221 : i32
        %select_n3A_232 = arith.select %and3A_230, %add3A_231, %rem3A_222 : i32
        %mul3A_233 = arith.constant 128 : i32
        %mul3A_234 = arith.muli %select_n3A_232, %mul3A_233 : i32
        %dma_start3A = arith.constant 0 : i32
        %dma_start3A_235 = tpu.memref_slice %arg2[%select_n3A, %dma_start3A, %mul3A_234] : memref<26x24x100000xf32, #tpu.memory_space<hbm>> -> memref<1x24x128xf32, #tpu.memory_space<hbm>>
        %dma_start3A_236 = tpu.memref_squeeze %dma_start3A_235 : memref<1x24x128xf32, #tpu.memory_space<hbm>> -> memref<24x128xf32, #tpu.memory_space<hbm>>
        %dma_start3A_237 = arith.constant 0 : i32
        %dma_start3A_238 = tpu.memref_slice %arg2[%select_n3A, %dma_start3A_237, %mul3A_234] : memref<26x24x100000xf32, #tpu.memory_space<hbm>> -> memref<1x24x128xf32, #tpu.memory_space<hbm>>
        %dma_start3A_239 = tpu.memref_squeeze %dma_start3A_238 : memref<1x24x128xf32, #tpu.memory_space<hbm>> -> memref<24x128xf32, #tpu.memory_space<hbm>>
        tpu.enqueue_dma source(%dma_start3A_239 : memref<24x128xf32, #tpu.memory_space<hbm>>) target(%arg5 : memref<24x128xf32, #tpu.memory_space<vmem>>) target_semaphore(%arg13 : memref<!tpu.dma_semaphore, #tpu.memory_space<semaphore_mem>>)
      } else {
      }
      %mul3A_110 = arith.constant 32 : i32
      %mul3A_111 = arith.muli %add3A_97, %mul3A_110 : i32
      %add3A_112 = arith.addi %add3A, %mul3A_111 : i32
      %lt3A_113 = arith.constant 20306 : i32
      %lt3A_114 = arith.cmpi slt, %add3A_112, %lt3A_113 : i32
      %convert_element_type3A_115 = arith.extui %lt3A_114 : i1 to i32
      %cond3A_116 = arith.constant 0 : i32
      %cond3A_117 = arith.cmpi ne, %convert_element_type3A_115, %cond3A_116 : i32
      scf.if %cond3A_117 {
        %dma_wait3A = arith.constant 0 : i32
        %dma_wait3A_201 = arith.constant 0 : i32
        %dma_wait3A_202 = arith.constant 0 : i32
        %dma_wait3A_203 = tpu.memref_slice %arg2[%dma_wait3A, %dma_wait3A_201, %dma_wait3A_202] : memref<26x24x100000xf32, #tpu.memory_space<hbm>> -> memref<1x24x128xf32, #tpu.memory_space<hbm>>
        %dma_wait3A_204 = tpu.memref_squeeze %dma_wait3A_203 : memref<1x24x128xf32, #tpu.memory_space<hbm>> -> memref<24x128xf32, #tpu.memory_space<hbm>>
        %dma_wait3A_205 = arith.constant 0 : i32
        %dma_wait3A_206 = arith.constant 0 : i32
        %dma_wait3A_207 = tpu.memref_slice %arg2[%dma_wait3A, %dma_wait3A_205, %dma_wait3A_206] : memref<26x24x100000xf32, #tpu.memory_space<hbm>> -> memref<1x24x128xf32, #tpu.memory_space<hbm>>
        %dma_wait3A_208 = tpu.memref_squeeze %dma_wait3A_207 : memref<1x24x128xf32, #tpu.memory_space<hbm>> -> memref<24x128xf32, #tpu.memory_space<hbm>>
        tpu.wait_dma2 semaphore(%arg14 : memref<!tpu.dma_semaphore, #tpu.memory_space<semaphore_mem>>) src(%dma_wait3A_208 : memref<24x128xf32, #tpu.memory_space<hbm>>) dst(%arg6 : memref<24x128xf32, #tpu.memory_space<vmem>>)
      } else {
      }
      %ge3A_118 = arith.constant 4 : i32
      %ge3A_119 = arith.cmpi sge, %add3A_97, %ge3A_118 : i32
      %convert_element_type3A_120 = arith.extui %ge3A_119 : i1 to i32
      %cond3A_121 = arith.constant 0 : i32
      %cond3A_122 = arith.cmpi ne, %convert_element_type3A_120, %cond3A_121 : i32
      scf.if %cond3A_122 {
        %sub3A_201 = arith.constant 4 : i32
        %sub3A_202 = arith.subi %add3A_97, %sub3A_201 : i32
        %mul3A_203 = arith.constant 32 : i32
        %mul3A_204 = arith.muli %sub3A_202, %mul3A_203 : i32
        %add3A_205 = arith.addi %add3A, %mul3A_204 : i32
        %lt3A_206 = arith.constant 20306 : i32
        %lt3A_207 = arith.cmpi slt, %add3A_205, %lt3A_206 : i32
        %convert_element_type3A_208 = arith.extui %lt3A_207 : i1 to i32
        %cond3A_209 = arith.constant 0 : i32
        %cond3A_210 = arith.cmpi ne, %convert_element_type3A_208, %cond3A_209 : i32
        scf.if %cond3A_210 {
          %dma_wait3A = arith.constant 0 : i32
          %dma_wait3A_211 = tpu.memref_slice %arg4[%dma_wait3A] : memref<62400000xf32, #tpu.memory_space<hbm>> -> memref<3072xf32, #tpu.memory_space<hbm>>
          %dma_wait3A_212 = arith.constant 0 : i32
          %dma_wait3A_213 = tpu.memref_slice %arg4[%dma_wait3A_212] : memref<62400000xf32, #tpu.memory_space<hbm>> -> memref<3072xf32, #tpu.memory_space<hbm>>
          tpu.wait_dma2 semaphore(%arg18 : memref<!tpu.dma_semaphore, #tpu.memory_space<semaphore_mem>>) src(%arg10 : memref<3072xf32, #tpu.memory_space<vmem>>) dst(%dma_wait3A_213 : memref<3072xf32, #tpu.memory_space<hbm>>)
        } else {
        }
      } else {
      }
      %mul3A_123 = arith.constant 32 : i32
      %mul3A_124 = arith.muli %add3A_97, %mul3A_123 : i32
      %add3A_125 = arith.addi %add3A, %mul3A_124 : i32
      %lt3A_126 = arith.constant 20306 : i32
      %lt3A_127 = arith.cmpi slt, %add3A_125, %lt3A_126 : i32
      %convert_element_type3A_128 = arith.extui %lt3A_127 : i1 to i32
      %cond3A_129 = arith.constant 0 : i32
      %cond3A_130 = arith.cmpi ne, %convert_element_type3A_128, %cond3A_129 : i32
      scf.if %cond3A_130 {
        %parallel_loop3A = arith.constant 0 : i32
        %parallel_loop3A_201 = arith.constant 192 : i32
        %parallel_loop3A_202 = arith.constant 1 : i32
        scf.for %parallel_loop3A_241 = %parallel_loop3A to %parallel_loop3A_201 step %parallel_loop3A_202  : i32 {
          %parallel_loop3A_242 = arith.constant 3 : i32
          %parallel_loop3A_243 = arith.shrsi %parallel_loop3A_241, %parallel_loop3A_242 : i32
          %parallel_loop3A_244 = arith.constant 7 : i32
          %parallel_loop3A_245 = arith.andi %parallel_loop3A_241, %parallel_loop3A_244 : i32
          %parallel_loop3A_246 = arith.constant 16 : i32
          %parallel_loop3A_247 = arith.muli %parallel_loop3A_245, %parallel_loop3A_246 : i32
          %parallel_loop3A_248 = arith.index_cast %parallel_loop3A_243 : i32 to index
          %parallel_loop3A_249 = arith.index_cast %parallel_loop3A_247 : i32 to index
          %parallel_loop3A_250 = tpu.vector_load %arg6[%parallel_loop3A_248, %parallel_loop3A_249] {strides = array<i32>} : memref<24x128xf32, #tpu.memory_space<vmem>>, vector<16xf32>,
          %parallel_loop3A_251 = arith.constant 16 : i32
          %parallel_loop3A_252 = arith.muli %parallel_loop3A_245, %parallel_loop3A_251 : i32
          %parallel_loop3A_253 = arith.constant 24 : i32
          %parallel_loop3A_254 = arith.muli %parallel_loop3A_252, %parallel_loop3A_253 : i32
          %parallel_loop3A_255 = arith.addi %parallel_loop3A_254, %parallel_loop3A_243 : i32
          %parallel_loop3A_256 = vector.broadcast %parallel_loop3A_255 : i32 to vector<16xi32>
          %parallel_loop3A_257 = arith.addi %mul3A_3, %parallel_loop3A_256 : vector<16xi32>
          tpu.vector_store_idx %arg10[%parallel_loop3A_257], %parallel_loop3A_250 : memref<3072xf32, #tpu.memory_space<vmem>>[vector<16xi32>], vector<16xf32>,
        } {sc.loop_unroll_factor = 8 : i64, sc.parallel_access}
        %jit3A = arith.constant 781 : i32
        %div3A = arith.divsi %add3A_125, %jit3A : i32
        %sign3A = arith.constant 0 : i32
        %sign3A_203 = arith.cmpi sgt, %add3A_125, %sign3A : i32
        %sign3A_204 = arith.extui %sign3A_203 : i1 to i32
        %sign3A_205 = arith.constant 0 : i32
        %sign3A_206 = arith.cmpi slt, %add3A_125, %sign3A_205 : i32
        %sign3A_207 = arith.extui %sign3A_206 : i1 to i32
        %sign3A_208 = arith.subi %sign3A_204, %sign3A_207 : i32
        %sign3A_209 = arith.constant 0 : i32
        %sign3A_210 = arith.cmpi sgt, %jit3A, %sign3A_209 : i32
        %sign3A_211 = arith.extui %sign3A_210 : i1 to i32
        %sign3A_212 = arith.constant 0 : i32
        %sign3A_213 = arith.cmpi slt, %jit3A, %sign3A_212 : i32
        %sign3A_214 = arith.extui %sign3A_213 : i1 to i32
        %sign3A_215 = arith.subi %sign3A_211, %sign3A_214 : i32
        %ne3A = arith.cmpi ne, %sign3A_208, %sign3A_215 : i32
        %rem3A = arith.remsi %add3A_125, %jit3A : i32
        %ne3A_216 = arith.constant 0 : i32
        %ne3A_217 = arith.cmpi ne, %rem3A, %ne3A_216 : i32
        %and3A = arith.andi %ne3A, %ne3A_217 : i1
        %sub3A_218 = arith.constant 1 : i32
        %sub3A_219 = arith.subi %div3A, %sub3A_218 : i32
        %select_n3A = arith.select %and3A, %sub3A_219, %div3A : i32
        %jit3A_220 = arith.constant 781 : i32
        %eq3A = arith.constant 0 : i32
        %eq3A_221 = arith.cmpi eq, %jit3A_220, %eq3A : i32
        %jit3A_222 = arith.constant 1 : i32
        %select_n3A_223 = arith.select %eq3A_221, %jit3A_222, %jit3A_220 : i32
        %rem3A_224 = arith.remsi %add3A_125, %select_n3A_223 : i32
        %ne3A_225 = arith.constant 0 : i32
        %ne3A_226 = arith.cmpi ne, %rem3A_224, %ne3A_225 : i32
        %lt3A_227 = arith.constant 0 : i32
        %lt3A_228 = arith.cmpi slt, %rem3A_224, %lt3A_227 : i32
        %lt3A_229 = arith.constant 0 : i32
        %lt3A_230 = arith.cmpi slt, %select_n3A_223, %lt3A_229 : i32
        %ne3A_231 = arith.xori %lt3A_228, %lt3A_230 : i1
        %and3A_232 = arith.andi %ne3A_231, %ne3A_226 : i1
        %add3A_233 = arith.addi %rem3A_224, %select_n3A_223 : i32
        %select_n3A_234 = arith.select %and3A_232, %add3A_233, %rem3A_224 : i32
        %mul3A_235 = arith.constant 2400000 : i32
        %mul3A_236 = arith.muli %select_n3A, %mul3A_235 : i32
        %mul3A_237 = arith.constant 3072 : i32
        %mul3A_238 = arith.muli %select_n3A_234, %mul3A_237 : i32
        %add3A_239 = arith.addi %mul3A_236, %mul3A_238 : i32
        %dma_start3A = tpu.memref_slice %arg4[%add3A_239] : memref<62400000xf32, #tpu.memory_space<hbm>> -> memref<3072xf32, #tpu.memory_space<hbm>>
        %dma_start3A_240 = tpu.memref_slice %arg4[%add3A_239] : memref<62400000xf32, #tpu.memory_space<hbm>> -> memref<3072xf32, #tpu.memory_space<hbm>>
        tpu.enqueue_dma source(%arg10 : memref<3072xf32, #tpu.memory_space<vmem>>) target(%dma_start3A_240 : memref<3072xf32, #tpu.memory_space<hbm>>) target_semaphore(%arg18 : memref<!tpu.dma_semaphore, #tpu.memory_space<semaphore_mem>>)
      } else {
      }
      %add3A_131 = arith.constant 2 : i32
      %add3A_132 = arith.addi %mul3A_62, %add3A_131 : i32
      %add3A_133 = arith.constant 4 : i32
      %add3A_134 = arith.addi %add3A_132, %add3A_133 : i32
      %sub3A_135 = arith.constant 1 : i32
      %sub3A_136 = arith.subi %add3A_134, %sub3A_135 : i32
      %mul3A_137 = arith.constant 32 : i32
      %mul3A_138 = arith.muli %sub3A_136, %mul3A_137 : i32
      %add3A_139 = arith.addi %add3A, %mul3A_138 : i32
      %lt3A_140 = arith.constant 20306 : i32
      %lt3A_141 = arith.cmpi slt, %add3A_139, %lt3A_140 : i32
      %convert_element_type3A_142 = arith.extui %lt3A_141 : i1 to i32
      %cond3A_143 = arith.constant 0 : i32
      %cond3A_144 = arith.cmpi ne, %convert_element_type3A_142, %cond3A_143 : i32
      scf.if %cond3A_144 {
        %jit3A = arith.constant 781 : i32
        %div3A = arith.divsi %add3A_139, %jit3A : i32
        %sign3A = arith.constant 0 : i32
        %sign3A_201 = arith.cmpi sgt, %add3A_139, %sign3A : i32
        %sign3A_202 = arith.extui %sign3A_201 : i1 to i32
        %sign3A_203 = arith.constant 0 : i32
        %sign3A_204 = arith.cmpi slt, %add3A_139, %sign3A_203 : i32
        %sign3A_205 = arith.extui %sign3A_204 : i1 to i32
        %sign3A_206 = arith.subi %sign3A_202, %sign3A_205 : i32
        %sign3A_207 = arith.constant 0 : i32
        %sign3A_208 = arith.cmpi sgt, %jit3A, %sign3A_207 : i32
        %sign3A_209 = arith.extui %sign3A_208 : i1 to i32
        %sign3A_210 = arith.constant 0 : i32
        %sign3A_211 = arith.cmpi slt, %jit3A, %sign3A_210 : i32
        %sign3A_212 = arith.extui %sign3A_211 : i1 to i32
        %sign3A_213 = arith.subi %sign3A_209, %sign3A_212 : i32
        %ne3A = arith.cmpi ne, %sign3A_206, %sign3A_213 : i32
        %rem3A = arith.remsi %add3A_139, %jit3A : i32
        %ne3A_214 = arith.constant 0 : i32
        %ne3A_215 = arith.cmpi ne, %rem3A, %ne3A_214 : i32
        %and3A = arith.andi %ne3A, %ne3A_215 : i1
        %sub3A_216 = arith.constant 1 : i32
        %sub3A_217 = arith.subi %div3A, %sub3A_216 : i32
        %select_n3A = arith.select %and3A, %sub3A_217, %div3A : i32
        %jit3A_218 = arith.constant 781 : i32
        %eq3A = arith.constant 0 : i32
        %eq3A_219 = arith.cmpi eq, %jit3A_218, %eq3A : i32
        %jit3A_220 = arith.constant 1 : i32
        %select_n3A_221 = arith.select %eq3A_219, %jit3A_220, %jit3A_218 : i32
        %rem3A_222 = arith.remsi %add3A_139, %select_n3A_221 : i32
        %ne3A_223 = arith.constant 0 : i32
        %ne3A_224 = arith.cmpi ne, %rem3A_222, %ne3A_223 : i32
        %lt3A_225 = arith.constant 0 : i32
        %lt3A_226 = arith.cmpi slt, %rem3A_222, %lt3A_225 : i32
        %lt3A_227 = arith.constant 0 : i32
        %lt3A_228 = arith.cmpi slt, %select_n3A_221, %lt3A_227 : i32
        %ne3A_229 = arith.xori %lt3A_226, %lt3A_228 : i1
        %and3A_230 = arith.andi %ne3A_229, %ne3A_224 : i1
        %add3A_231 = arith.addi %rem3A_222, %select_n3A_221 : i32
        %select_n3A_232 = arith.select %and3A_230, %add3A_231, %rem3A_222 : i32
        %mul3A_233 = arith.constant 128 : i32
        %mul3A_234 = arith.muli %select_n3A_232, %mul3A_233 : i32
        %dma_start3A = arith.constant 0 : i32
        %dma_start3A_235 = tpu.memref_slice %arg2[%select_n3A, %dma_start3A, %mul3A_234] : memref<26x24x100000xf32, #tpu.memory_space<hbm>> -> memref<1x24x128xf32, #tpu.memory_space<hbm>>
        %dma_start3A_236 = tpu.memref_squeeze %dma_start3A_235 : memref<1x24x128xf32, #tpu.memory_space<hbm>> -> memref<24x128xf32, #tpu.memory_space<hbm>>
        %dma_start3A_237 = arith.constant 0 : i32
        %dma_start3A_238 = tpu.memref_slice %arg2[%select_n3A, %dma_start3A_237, %mul3A_234] : memref<26x24x100000xf32, #tpu.memory_space<hbm>> -> memref<1x24x128xf32, #tpu.memory_space<hbm>>
        %dma_start3A_239 = tpu.memref_squeeze %dma_start3A_238 : memref<1x24x128xf32, #tpu.memory_space<hbm>> -> memref<24x128xf32, #tpu.memory_space<hbm>>
        tpu.enqueue_dma source(%dma_start3A_239 : memref<24x128xf32, #tpu.memory_space<hbm>>) target(%arg6 : memref<24x128xf32, #tpu.memory_space<vmem>>) target_semaphore(%arg14 : memref<!tpu.dma_semaphore, #tpu.memory_space<semaphore_mem>>)
      } else {
      }
      %mul3A_145 = arith.constant 32 : i32
      %mul3A_146 = arith.muli %add3A_132, %mul3A_145 : i32
      %add3A_147 = arith.addi %add3A, %mul3A_146 : i32
      %lt3A_148 = arith.constant 20306 : i32
      %lt3A_149 = arith.cmpi slt, %add3A_147, %lt3A_148 : i32
      %convert_element_type3A_150 = arith.extui %lt3A_149 : i1 to i32
      %cond3A_151 = arith.constant 0 : i32
      %cond3A_152 = arith.cmpi ne, %convert_element_type3A_150, %cond3A_151 : i32
      scf.if %cond3A_152 {
        %dma_wait3A = arith.constant 0 : i32
        %dma_wait3A_201 = arith.constant 0 : i32
        %dma_wait3A_202 = arith.constant 0 : i32
        %dma_wait3A_203 = tpu.memref_slice %arg2[%dma_wait3A, %dma_wait3A_201, %dma_wait3A_202] : memref<26x24x100000xf32, #tpu.memory_space<hbm>> -> memref<1x24x128xf32, #tpu.memory_space<hbm>>
        %dma_wait3A_204 = tpu.memref_squeeze %dma_wait3A_203 : memref<1x24x128xf32, #tpu.memory_space<hbm>> -> memref<24x128xf32, #tpu.memory_space<hbm>>
        %dma_wait3A_205 = arith.constant 0 : i32
        %dma_wait3A_206 = arith.constant 0 : i32
        %dma_wait3A_207 = tpu.memref_slice %arg2[%dma_wait3A, %dma_wait3A_205, %dma_wait3A_206] : memref<26x24x100000xf32, #tpu.memory_space<hbm>> -> memref<1x24x128xf32, #tpu.memory_space<hbm>>
        %dma_wait3A_208 = tpu.memref_squeeze %dma_wait3A_207 : memref<1x24x128xf32, #tpu.memory_space<hbm>> -> memref<24x128xf32, #tpu.memory_space<hbm>>
        tpu.wait_dma2 semaphore(%arg15 : memref<!tpu.dma_semaphore, #tpu.memory_space<semaphore_mem>>) src(%dma_wait3A_208 : memref<24x128xf32, #tpu.memory_space<hbm>>) dst(%arg7 : memref<24x128xf32, #tpu.memory_space<vmem>>)
      } else {
      }
      %ge3A_153 = arith.constant 4 : i32
      %ge3A_154 = arith.cmpi sge, %add3A_132, %ge3A_153 : i32
      %convert_element_type3A_155 = arith.extui %ge3A_154 : i1 to i32
      %cond3A_156 = arith.constant 0 : i32
      %cond3A_157 = arith.cmpi ne, %convert_element_type3A_155, %cond3A_156 : i32
      scf.if %cond3A_157 {
        %sub3A_201 = arith.constant 4 : i32
        %sub3A_202 = arith.subi %add3A_132, %sub3A_201 : i32
        %mul3A_203 = arith.constant 32 : i32
        %mul3A_204 = arith.muli %sub3A_202, %mul3A_203 : i32
        %add3A_205 = arith.addi %add3A, %mul3A_204 : i32
        %lt3A_206 = arith.constant 20306 : i32
        %lt3A_207 = arith.cmpi slt, %add3A_205, %lt3A_206 : i32
        %convert_element_type3A_208 = arith.extui %lt3A_207 : i1 to i32
        %cond3A_209 = arith.constant 0 : i32
        %cond3A_210 = arith.cmpi ne, %convert_element_type3A_208, %cond3A_209 : i32
        scf.if %cond3A_210 {
          %dma_wait3A = arith.constant 0 : i32
          %dma_wait3A_211 = tpu.memref_slice %arg4[%dma_wait3A] : memref<62400000xf32, #tpu.memory_space<hbm>> -> memref<3072xf32, #tpu.memory_space<hbm>>
          %dma_wait3A_212 = arith.constant 0 : i32
          %dma_wait3A_213 = tpu.memref_slice %arg4[%dma_wait3A_212] : memref<62400000xf32, #tpu.memory_space<hbm>> -> memref<3072xf32, #tpu.memory_space<hbm>>
          tpu.wait_dma2 semaphore(%arg19 : memref<!tpu.dma_semaphore, #tpu.memory_space<semaphore_mem>>) src(%arg11 : memref<3072xf32, #tpu.memory_space<vmem>>) dst(%dma_wait3A_213 : memref<3072xf32, #tpu.memory_space<hbm>>)
        } else {
        }
      } else {
      }
      %mul3A_158 = arith.constant 32 : i32
      %mul3A_159 = arith.muli %add3A_132, %mul3A_158 : i32
      %add3A_160 = arith.addi %add3A, %mul3A_159 : i32
      %lt3A_161 = arith.constant 20306 : i32
      %lt3A_162 = arith.cmpi slt, %add3A_160, %lt3A_161 : i32
      %convert_element_type3A_163 = arith.extui %lt3A_162 : i1 to i32
      %cond3A_164 = arith.constant 0 : i32
      %cond3A_165 = arith.cmpi ne, %convert_element_type3A_163, %cond3A_164 : i32
      scf.if %cond3A_165 {
        %parallel_loop3A = arith.constant 0 : i32
        %parallel_loop3A_201 = arith.constant 192 : i32
        %parallel_loop3A_202 = arith.constant 1 : i32
        scf.for %parallel_loop3A_241 = %parallel_loop3A to %parallel_loop3A_201 step %parallel_loop3A_202  : i32 {
          %parallel_loop3A_242 = arith.constant 3 : i32
          %parallel_loop3A_243 = arith.shrsi %parallel_loop3A_241, %parallel_loop3A_242 : i32
          %parallel_loop3A_244 = arith.constant 7 : i32
          %parallel_loop3A_245 = arith.andi %parallel_loop3A_241, %parallel_loop3A_244 : i32
          %parallel_loop3A_246 = arith.constant 16 : i32
          %parallel_loop3A_247 = arith.muli %parallel_loop3A_245, %parallel_loop3A_246 : i32
          %parallel_loop3A_248 = arith.index_cast %parallel_loop3A_243 : i32 to index
          %parallel_loop3A_249 = arith.index_cast %parallel_loop3A_247 : i32 to index
          %parallel_loop3A_250 = tpu.vector_load %arg7[%parallel_loop3A_248, %parallel_loop3A_249] {strides = array<i32>} : memref<24x128xf32, #tpu.memory_space<vmem>>, vector<16xf32>,
          %parallel_loop3A_251 = arith.constant 16 : i32
          %parallel_loop3A_252 = arith.muli %parallel_loop3A_245, %parallel_loop3A_251 : i32
          %parallel_loop3A_253 = arith.constant 24 : i32
          %parallel_loop3A_254 = arith.muli %parallel_loop3A_252, %parallel_loop3A_253 : i32
          %parallel_loop3A_255 = arith.addi %parallel_loop3A_254, %parallel_loop3A_243 : i32
          %parallel_loop3A_256 = vector.broadcast %parallel_loop3A_255 : i32 to vector<16xi32>
          %parallel_loop3A_257 = arith.addi %mul3A_3, %parallel_loop3A_256 : vector<16xi32>
          tpu.vector_store_idx %arg11[%parallel_loop3A_257], %parallel_loop3A_250 : memref<3072xf32, #tpu.memory_space<vmem>>[vector<16xi32>], vector<16xf32>,
        } {sc.loop_unroll_factor = 8 : i64, sc.parallel_access}
        %jit3A = arith.constant 781 : i32
        %div3A = arith.divsi %add3A_160, %jit3A : i32
        %sign3A = arith.constant 0 : i32
        %sign3A_203 = arith.cmpi sgt, %add3A_160, %sign3A : i32
        %sign3A_204 = arith.extui %sign3A_203 : i1 to i32
        %sign3A_205 = arith.constant 0 : i32
        %sign3A_206 = arith.cmpi slt, %add3A_160, %sign3A_205 : i32
        %sign3A_207 = arith.extui %sign3A_206 : i1 to i32
        %sign3A_208 = arith.subi %sign3A_204, %sign3A_207 : i32
        %sign3A_209 = arith.constant 0 : i32
        %sign3A_210 = arith.cmpi sgt, %jit3A, %sign3A_209 : i32
        %sign3A_211 = arith.extui %sign3A_210 : i1 to i32
        %sign3A_212 = arith.constant 0 : i32
        %sign3A_213 = arith.cmpi slt, %jit3A, %sign3A_212 : i32
        %sign3A_214 = arith.extui %sign3A_213 : i1 to i32
        %sign3A_215 = arith.subi %sign3A_211, %sign3A_214 : i32
        %ne3A = arith.cmpi ne, %sign3A_208, %sign3A_215 : i32
        %rem3A = arith.remsi %add3A_160, %jit3A : i32
        %ne3A_216 = arith.constant 0 : i32
        %ne3A_217 = arith.cmpi ne, %rem3A, %ne3A_216 : i32
        %and3A = arith.andi %ne3A, %ne3A_217 : i1
        %sub3A_218 = arith.constant 1 : i32
        %sub3A_219 = arith.subi %div3A, %sub3A_218 : i32
        %select_n3A = arith.select %and3A, %sub3A_219, %div3A : i32
        %jit3A_220 = arith.constant 781 : i32
        %eq3A = arith.constant 0 : i32
        %eq3A_221 = arith.cmpi eq, %jit3A_220, %eq3A : i32
        %jit3A_222 = arith.constant 1 : i32
        %select_n3A_223 = arith.select %eq3A_221, %jit3A_222, %jit3A_220 : i32
        %rem3A_224 = arith.remsi %add3A_160, %select_n3A_223 : i32
        %ne3A_225 = arith.constant 0 : i32
        %ne3A_226 = arith.cmpi ne, %rem3A_224, %ne3A_225 : i32
        %lt3A_227 = arith.constant 0 : i32
        %lt3A_228 = arith.cmpi slt, %rem3A_224, %lt3A_227 : i32
        %lt3A_229 = arith.constant 0 : i32
        %lt3A_230 = arith.cmpi slt, %select_n3A_223, %lt3A_229 : i32
        %ne3A_231 = arith.xori %lt3A_228, %lt3A_230 : i1
        %and3A_232 = arith.andi %ne3A_231, %ne3A_226 : i1
        %add3A_233 = arith.addi %rem3A_224, %select_n3A_223 : i32
        %select_n3A_234 = arith.select %and3A_232, %add3A_233, %rem3A_224 : i32
        %mul3A_235 = arith.constant 2400000 : i32
        %mul3A_236 = arith.muli %select_n3A, %mul3A_235 : i32
        %mul3A_237 = arith.constant 3072 : i32
        %mul3A_238 = arith.muli %select_n3A_234, %mul3A_237 : i32
        %add3A_239 = arith.addi %mul3A_236, %mul3A_238 : i32
        %dma_start3A = tpu.memref_slice %arg4[%add3A_239] : memref<62400000xf32, #tpu.memory_space<hbm>> -> memref<3072xf32, #tpu.memory_space<hbm>>
        %dma_start3A_240 = tpu.memref_slice %arg4[%add3A_239] : memref<62400000xf32, #tpu.memory_space<hbm>> -> memref<3072xf32, #tpu.memory_space<hbm>>
        tpu.enqueue_dma source(%arg11 : memref<3072xf32, #tpu.memory_space<vmem>>) target(%dma_start3A_240 : memref<3072xf32, #tpu.memory_space<hbm>>) target_semaphore(%arg19 : memref<!tpu.dma_semaphore, #tpu.memory_space<semaphore_mem>>)
      } else {
      }
      %add3A_166 = arith.constant 3 : i32
      %add3A_167 = arith.addi %mul3A_62, %add3A_166 : i32
      %add3A_168 = arith.constant 4 : i32
      %add3A_169 = arith.addi %add3A_167, %add3A_168 : i32
      %sub3A_170 = arith.constant 1 : i32
      %sub3A_171 = arith.subi %add3A_169, %sub3A_170 : i32
      %mul3A_172 = arith.constant 32 : i32
      %mul3A_173 = arith.muli %sub3A_171, %mul3A_172 : i32
      %add3A_174 = arith.addi %add3A, %mul3A_173 : i32
      %lt3A_175 = arith.constant 20306 : i32
      %lt3A_176 = arith.cmpi slt, %add3A_174, %lt3A_175 : i32
      %convert_element_type3A_177 = arith.extui %lt3A_176 : i1 to i32
      %cond3A_178 = arith.constant 0 : i32
      %cond3A_179 = arith.cmpi ne, %convert_element_type3A_177, %cond3A_178 : i32
      scf.if %cond3A_179 {
        %jit3A = arith.constant 781 : i32
        %div3A = arith.divsi %add3A_174, %jit3A : i32
        %sign3A = arith.constant 0 : i32
        %sign3A_201 = arith.cmpi sgt, %add3A_174, %sign3A : i32
        %sign3A_202 = arith.extui %sign3A_201 : i1 to i32
        %sign3A_203 = arith.constant 0 : i32
        %sign3A_204 = arith.cmpi slt, %add3A_174, %sign3A_203 : i32
        %sign3A_205 = arith.extui %sign3A_204 : i1 to i32
        %sign3A_206 = arith.subi %sign3A_202, %sign3A_205 : i32
        %sign3A_207 = arith.constant 0 : i32
        %sign3A_208 = arith.cmpi sgt, %jit3A, %sign3A_207 : i32
        %sign3A_209 = arith.extui %sign3A_208 : i1 to i32
        %sign3A_210 = arith.constant 0 : i32
        %sign3A_211 = arith.cmpi slt, %jit3A, %sign3A_210 : i32
        %sign3A_212 = arith.extui %sign3A_211 : i1 to i32
        %sign3A_213 = arith.subi %sign3A_209, %sign3A_212 : i32
        %ne3A = arith.cmpi ne, %sign3A_206, %sign3A_213 : i32
        %rem3A = arith.remsi %add3A_174, %jit3A : i32
        %ne3A_214 = arith.constant 0 : i32
        %ne3A_215 = arith.cmpi ne, %rem3A, %ne3A_214 : i32
        %and3A = arith.andi %ne3A, %ne3A_215 : i1
        %sub3A_216 = arith.constant 1 : i32
        %sub3A_217 = arith.subi %div3A, %sub3A_216 : i32
        %select_n3A = arith.select %and3A, %sub3A_217, %div3A : i32
        %jit3A_218 = arith.constant 781 : i32
        %eq3A = arith.constant 0 : i32
        %eq3A_219 = arith.cmpi eq, %jit3A_218, %eq3A : i32
        %jit3A_220 = arith.constant 1 : i32
        %select_n3A_221 = arith.select %eq3A_219, %jit3A_220, %jit3A_218 : i32
        %rem3A_222 = arith.remsi %add3A_174, %select_n3A_221 : i32
        %ne3A_223 = arith.constant 0 : i32
        %ne3A_224 = arith.cmpi ne, %rem3A_222, %ne3A_223 : i32
        %lt3A_225 = arith.constant 0 : i32
        %lt3A_226 = arith.cmpi slt, %rem3A_222, %lt3A_225 : i32
        %lt3A_227 = arith.constant 0 : i32
        %lt3A_228 = arith.cmpi slt, %select_n3A_221, %lt3A_227 : i32
        %ne3A_229 = arith.xori %lt3A_226, %lt3A_228 : i1
        %and3A_230 = arith.andi %ne3A_229, %ne3A_224 : i1
        %add3A_231 = arith.addi %rem3A_222, %select_n3A_221 : i32
        %select_n3A_232 = arith.select %and3A_230, %add3A_231, %rem3A_222 : i32
        %mul3A_233 = arith.constant 128 : i32
        %mul3A_234 = arith.muli %select_n3A_232, %mul3A_233 : i32
        %dma_start3A = arith.constant 0 : i32
        %dma_start3A_235 = tpu.memref_slice %arg2[%select_n3A, %dma_start3A, %mul3A_234] : memref<26x24x100000xf32, #tpu.memory_space<hbm>> -> memref<1x24x128xf32, #tpu.memory_space<hbm>>
        %dma_start3A_236 = tpu.memref_squeeze %dma_start3A_235 : memref<1x24x128xf32, #tpu.memory_space<hbm>> -> memref<24x128xf32, #tpu.memory_space<hbm>>
        %dma_start3A_237 = arith.constant 0 : i32
        %dma_start3A_238 = tpu.memref_slice %arg2[%select_n3A, %dma_start3A_237, %mul3A_234] : memref<26x24x100000xf32, #tpu.memory_space<hbm>> -> memref<1x24x128xf32, #tpu.memory_space<hbm>>
        %dma_start3A_239 = tpu.memref_squeeze %dma_start3A_238 : memref<1x24x128xf32, #tpu.memory_space<hbm>> -> memref<24x128xf32, #tpu.memory_space<hbm>>
        tpu.enqueue_dma source(%dma_start3A_239 : memref<24x128xf32, #tpu.memory_space<hbm>>) target(%arg7 : memref<24x128xf32, #tpu.memory_space<vmem>>) target_semaphore(%arg15 : memref<!tpu.dma_semaphore, #tpu.memory_space<semaphore_mem>>)
      } else {
      }
      %mul3A_180 = arith.constant 32 : i32
      %mul3A_181 = arith.muli %add3A_167, %mul3A_180 : i32
      %add3A_182 = arith.addi %add3A, %mul3A_181 : i32
      %lt3A_183 = arith.constant 20306 : i32
      %lt3A_184 = arith.cmpi slt, %add3A_182, %lt3A_183 : i32
      %convert_element_type3A_185 = arith.extui %lt3A_184 : i1 to i32
      %cond3A_186 = arith.constant 0 : i32
      %cond3A_187 = arith.cmpi ne, %convert_element_type3A_185, %cond3A_186 : i32
      scf.if %cond3A_187 {
        %dma_wait3A = arith.constant 0 : i32
        %dma_wait3A_201 = arith.constant 0 : i32
        %dma_wait3A_202 = arith.constant 0 : i32
        %dma_wait3A_203 = tpu.memref_slice %arg2[%dma_wait3A, %dma_wait3A_201, %dma_wait3A_202] : memref<26x24x100000xf32, #tpu.memory_space<hbm>> -> memref<1x24x128xf32, #tpu.memory_space<hbm>>
        %dma_wait3A_204 = tpu.memref_squeeze %dma_wait3A_203 : memref<1x24x128xf32, #tpu.memory_space<hbm>> -> memref<24x128xf32, #tpu.memory_space<hbm>>
        %dma_wait3A_205 = arith.constant 0 : i32
        %dma_wait3A_206 = arith.constant 0 : i32
        %dma_wait3A_207 = tpu.memref_slice %arg2[%dma_wait3A, %dma_wait3A_205, %dma_wait3A_206] : memref<26x24x100000xf32, #tpu.memory_space<hbm>> -> memref<1x24x128xf32, #tpu.memory_space<hbm>>
        %dma_wait3A_208 = tpu.memref_squeeze %dma_wait3A_207 : memref<1x24x128xf32, #tpu.memory_space<hbm>> -> memref<24x128xf32, #tpu.memory_space<hbm>>
        tpu.wait_dma2 semaphore(%arg16 : memref<!tpu.dma_semaphore, #tpu.memory_space<semaphore_mem>>) src(%dma_wait3A_208 : memref<24x128xf32, #tpu.memory_space<hbm>>) dst(%arg8 : memref<24x128xf32, #tpu.memory_space<vmem>>)
      } else {
      }
      %ge3A_188 = arith.constant 4 : i32
      %ge3A_189 = arith.cmpi sge, %add3A_167, %ge3A_188 : i32
      %convert_element_type3A_190 = arith.extui %ge3A_189 : i1 to i32
      %cond3A_191 = arith.constant 0 : i32
      %cond3A_192 = arith.cmpi ne, %convert_element_type3A_190, %cond3A_191 : i32
      scf.if %cond3A_192 {
        %sub3A_201 = arith.constant 4 : i32
        %sub3A_202 = arith.subi %add3A_167, %sub3A_201 : i32
        %mul3A_203 = arith.constant 32 : i32
        %mul3A_204 = arith.muli %sub3A_202, %mul3A_203 : i32
        %add3A_205 = arith.addi %add3A, %mul3A_204 : i32
        %lt3A_206 = arith.constant 20306 : i32
        %lt3A_207 = arith.cmpi slt, %add3A_205, %lt3A_206 : i32
        %convert_element_type3A_208 = arith.extui %lt3A_207 : i1 to i32
        %cond3A_209 = arith.constant 0 : i32
        %cond3A_210 = arith.cmpi ne, %convert_element_type3A_208, %cond3A_209 : i32
        scf.if %cond3A_210 {
          %dma_wait3A = arith.constant 0 : i32
          %dma_wait3A_211 = tpu.memref_slice %arg4[%dma_wait3A] : memref<62400000xf32, #tpu.memory_space<hbm>> -> memref<3072xf32, #tpu.memory_space<hbm>>
          %dma_wait3A_212 = arith.constant 0 : i32
          %dma_wait3A_213 = tpu.memref_slice %arg4[%dma_wait3A_212] : memref<62400000xf32, #tpu.memory_space<hbm>> -> memref<3072xf32, #tpu.memory_space<hbm>>
          tpu.wait_dma2 semaphore(%arg20 : memref<!tpu.dma_semaphore, #tpu.memory_space<semaphore_mem>>) src(%arg12 : memref<3072xf32, #tpu.memory_space<vmem>>) dst(%dma_wait3A_213 : memref<3072xf32, #tpu.memory_space<hbm>>)
        } else {
        }
      } else {
      }
      %mul3A_193 = arith.constant 32 : i32
      %mul3A_194 = arith.muli %add3A_167, %mul3A_193 : i32
      %add3A_195 = arith.addi %add3A, %mul3A_194 : i32
      %lt3A_196 = arith.constant 20306 : i32
      %lt3A_197 = arith.cmpi slt, %add3A_195, %lt3A_196 : i32
      %convert_element_type3A_198 = arith.extui %lt3A_197 : i1 to i32
      %cond3A_199 = arith.constant 0 : i32
      %cond3A_200 = arith.cmpi ne, %convert_element_type3A_198, %cond3A_199 : i32
      scf.if %cond3A_200 {
        %parallel_loop3A = arith.constant 0 : i32
        %parallel_loop3A_201 = arith.constant 192 : i32
        %parallel_loop3A_202 = arith.constant 1 : i32
        scf.for %parallel_loop3A_241 = %parallel_loop3A to %parallel_loop3A_201 step %parallel_loop3A_202  : i32 {
          %parallel_loop3A_242 = arith.constant 3 : i32
          %parallel_loop3A_243 = arith.shrsi %parallel_loop3A_241, %parallel_loop3A_242 : i32
          %parallel_loop3A_244 = arith.constant 7 : i32
          %parallel_loop3A_245 = arith.andi %parallel_loop3A_241, %parallel_loop3A_244 : i32
          %parallel_loop3A_246 = arith.constant 16 : i32
          %parallel_loop3A_247 = arith.muli %parallel_loop3A_245, %parallel_loop3A_246 : i32
          %parallel_loop3A_248 = arith.index_cast %parallel_loop3A_243 : i32 to index
          %parallel_loop3A_249 = arith.index_cast %parallel_loop3A_247 : i32 to index
          %parallel_loop3A_250 = tpu.vector_load %arg8[%parallel_loop3A_248, %parallel_loop3A_249] {strides = array<i32>} : memref<24x128xf32, #tpu.memory_space<vmem>>, vector<16xf32>,
          %parallel_loop3A_251 = arith.constant 16 : i32
          %parallel_loop3A_252 = arith.muli %parallel_loop3A_245, %parallel_loop3A_251 : i32
          %parallel_loop3A_253 = arith.constant 24 : i32
          %parallel_loop3A_254 = arith.muli %parallel_loop3A_252, %parallel_loop3A_253 : i32
          %parallel_loop3A_255 = arith.addi %parallel_loop3A_254, %parallel_loop3A_243 : i32
          %parallel_loop3A_256 = vector.broadcast %parallel_loop3A_255 : i32 to vector<16xi32>
          %parallel_loop3A_257 = arith.addi %mul3A_3, %parallel_loop3A_256 : vector<16xi32>
          tpu.vector_store_idx %arg12[%parallel_loop3A_257], %parallel_loop3A_250 : memref<3072xf32, #tpu.memory_space<vmem>>[vector<16xi32>], vector<16xf32>,
        } {sc.loop_unroll_factor = 8 : i64, sc.parallel_access}
        %jit3A = arith.constant 781 : i32
        %div3A = arith.divsi %add3A_195, %jit3A : i32
        %sign3A = arith.constant 0 : i32
        %sign3A_203 = arith.cmpi sgt, %add3A_195, %sign3A : i32
        %sign3A_204 = arith.extui %sign3A_203 : i1 to i32
        %sign3A_205 = arith.constant 0 : i32
        %sign3A_206 = arith.cmpi slt, %add3A_195, %sign3A_205 : i32
        %sign3A_207 = arith.extui %sign3A_206 : i1 to i32
        %sign3A_208 = arith.subi %sign3A_204, %sign3A_207 : i32
        %sign3A_209 = arith.constant 0 : i32
        %sign3A_210 = arith.cmpi sgt, %jit3A, %sign3A_209 : i32
        %sign3A_211 = arith.extui %sign3A_210 : i1 to i32
        %sign3A_212 = arith.constant 0 : i32
        %sign3A_213 = arith.cmpi slt, %jit3A, %sign3A_212 : i32
        %sign3A_214 = arith.extui %sign3A_213 : i1 to i32
        %sign3A_215 = arith.subi %sign3A_211, %sign3A_214 : i32
        %ne3A = arith.cmpi ne, %sign3A_208, %sign3A_215 : i32
        %rem3A = arith.remsi %add3A_195, %jit3A : i32
        %ne3A_216 = arith.constant 0 : i32
        %ne3A_217 = arith.cmpi ne, %rem3A, %ne3A_216 : i32
        %and3A = arith.andi %ne3A, %ne3A_217 : i1
        %sub3A_218 = arith.constant 1 : i32
        %sub3A_219 = arith.subi %div3A, %sub3A_218 : i32
        %select_n3A = arith.select %and3A, %sub3A_219, %div3A : i32
        %jit3A_220 = arith.constant 781 : i32
        %eq3A = arith.constant 0 : i32
        %eq3A_221 = arith.cmpi eq, %jit3A_220, %eq3A : i32
        %jit3A_222 = arith.constant 1 : i32
        %select_n3A_223 = arith.select %eq3A_221, %jit3A_222, %jit3A_220 : i32
        %rem3A_224 = arith.remsi %add3A_195, %select_n3A_223 : i32
        %ne3A_225 = arith.constant 0 : i32
        %ne3A_226 = arith.cmpi ne, %rem3A_224, %ne3A_225 : i32
        %lt3A_227 = arith.constant 0 : i32
        %lt3A_228 = arith.cmpi slt, %rem3A_224, %lt3A_227 : i32
        %lt3A_229 = arith.constant 0 : i32
        %lt3A_230 = arith.cmpi slt, %select_n3A_223, %lt3A_229 : i32
        %ne3A_231 = arith.xori %lt3A_228, %lt3A_230 : i1
        %and3A_232 = arith.andi %ne3A_231, %ne3A_226 : i1
        %add3A_233 = arith.addi %rem3A_224, %select_n3A_223 : i32
        %select_n3A_234 = arith.select %and3A_232, %add3A_233, %rem3A_224 : i32
        %mul3A_235 = arith.constant 2400000 : i32
        %mul3A_236 = arith.muli %select_n3A, %mul3A_235 : i32
        %mul3A_237 = arith.constant 3072 : i32
        %mul3A_238 = arith.muli %select_n3A_234, %mul3A_237 : i32
        %add3A_239 = arith.addi %mul3A_236, %mul3A_238 : i32
        %dma_start3A = tpu.memref_slice %arg4[%add3A_239] : memref<62400000xf32, #tpu.memory_space<hbm>> -> memref<3072xf32, #tpu.memory_space<hbm>>
        %dma_start3A_240 = tpu.memref_slice %arg4[%add3A_239] : memref<62400000xf32, #tpu.memory_space<hbm>> -> memref<3072xf32, #tpu.memory_space<hbm>>
        tpu.enqueue_dma source(%arg12 : memref<3072xf32, #tpu.memory_space<vmem>>) target(%dma_start3A_240 : memref<3072xf32, #tpu.memory_space<hbm>>) target_semaphore(%arg20 : memref<!tpu.dma_semaphore, #tpu.memory_space<semaphore_mem>>)
      } else {
      }
    }
    %scan3A_26 = arith.constant 159 : i32
    %add3A_27 = arith.constant 20224 : i32
    %add3A_28 = arith.addi %add3A, %add3A_27 : i32
    %lt3A_29 = arith.constant 20306 : i32
    %lt3A_30 = arith.cmpi slt, %add3A_28, %lt3A_29 : i32
    %convert_element_type3A_31 = arith.extui %lt3A_30 : i1 to i32
    %cond3A_32 = arith.constant 0 : i32
    %cond3A_33 = arith.cmpi ne, %convert_element_type3A_31, %cond3A_32 : i32
    scf.if %cond3A_33 {
      %dma_wait3A = arith.constant 0 : i32
      %dma_wait3A_60 = tpu.memref_slice %arg4[%dma_wait3A] : memref<62400000xf32, #tpu.memory_space<hbm>> -> memref<3072xf32, #tpu.memory_space<hbm>>
      %dma_wait3A_61 = arith.constant 0 : i32
      %dma_wait3A_62 = tpu.memref_slice %arg4[%dma_wait3A_61] : memref<62400000xf32, #tpu.memory_space<hbm>> -> memref<3072xf32, #tpu.memory_space<hbm>>
      tpu.wait_dma2 semaphore(%arg17 : memref<!tpu.dma_semaphore, #tpu.memory_space<semaphore_mem>>) src(%arg9 : memref<3072xf32, #tpu.memory_space<vmem>>) dst(%dma_wait3A_62 : memref<3072xf32, #tpu.memory_space<hbm>>)
    } else {
    }
    %add3A_34 = arith.constant 20256 : i32
    %add3A_35 = arith.addi %add3A, %add3A_34 : i32
    %lt3A_36 = arith.constant 20306 : i32
    %lt3A_37 = arith.cmpi slt, %add3A_35, %lt3A_36 : i32
    %convert_element_type3A_38 = arith.extui %lt3A_37 : i1 to i32
    %cond3A_39 = arith.constant 0 : i32
    %cond3A_40 = arith.cmpi ne, %convert_element_type3A_38, %cond3A_39 : i32
    scf.if %cond3A_40 {
      %dma_wait3A = arith.constant 0 : i32
      %dma_wait3A_60 = tpu.memref_slice %arg4[%dma_wait3A] : memref<62400000xf32, #tpu.memory_space<hbm>> -> memref<3072xf32, #tpu.memory_space<hbm>>
      %dma_wait3A_61 = arith.constant 0 : i32
      %dma_wait3A_62 = tpu.memref_slice %arg4[%dma_wait3A_61] : memref<62400000xf32, #tpu.memory_space<hbm>> -> memref<3072xf32, #tpu.memory_space<hbm>>
      tpu.wait_dma2 semaphore(%arg18 : memref<!tpu.dma_semaphore, #tpu.memory_space<semaphore_mem>>) src(%arg10 : memref<3072xf32, #tpu.memory_space<vmem>>) dst(%dma_wait3A_62 : memref<3072xf32, #tpu.memory_space<hbm>>)
    } else {
    }
    %add3A_41 = arith.constant 20288 : i32
    %add3A_42 = arith.addi %add3A, %add3A_41 : i32
    %lt3A_43 = arith.constant 20306 : i32
    %lt3A_44 = arith.cmpi slt, %add3A_42, %lt3A_43 : i32
    %convert_element_type3A_45 = arith.extui %lt3A_44 : i1 to i32
    %cond3A_46 = arith.constant 0 : i32
    %cond3A_47 = arith.cmpi ne, %convert_element_type3A_45, %cond3A_46 : i32
    scf.if %cond3A_47 {
      %dma_wait3A = arith.constant 0 : i32
      %dma_wait3A_60 = tpu.memref_slice %arg4[%dma_wait3A] : memref<62400000xf32, #tpu.memory_space<hbm>> -> memref<3072xf32, #tpu.memory_space<hbm>>
      %dma_wait3A_61 = arith.constant 0 : i32
      %dma_wait3A_62 = tpu.memref_slice %arg4[%dma_wait3A_61] : memref<62400000xf32, #tpu.memory_space<hbm>> -> memref<3072xf32, #tpu.memory_space<hbm>>
      tpu.wait_dma2 semaphore(%arg19 : memref<!tpu.dma_semaphore, #tpu.memory_space<semaphore_mem>>) src(%arg11 : memref<3072xf32, #tpu.memory_space<vmem>>) dst(%dma_wait3A_62 : memref<3072xf32, #tpu.memory_space<hbm>>)
    } else {
    }
    %add3A_48 = arith.constant 20320 : i32
    %add3A_49 = arith.addi %add3A, %add3A_48 : i32
    %lt3A_50 = arith.constant 20306 : i32
    %lt3A_51 = arith.cmpi slt, %add3A_49, %lt3A_50 : i32
    %convert_element_type3A_52 = arith.extui %lt3A_51 : i1 to i32
    %cond3A_53 = arith.constant 0 : i32
    %cond3A_54 = arith.cmpi ne, %convert_element_type3A_52, %cond3A_53 : i32
    scf.if %cond3A_54 {
      %dma_wait3A = arith.constant 0 : i32
      %dma_wait3A_60 = tpu.memref_slice %arg4[%dma_wait3A] : memref<62400000xf32, #tpu.memory_space<hbm>> -> memref<3072xf32, #tpu.memory_space<hbm>>
      %dma_wait3A_61 = arith.constant 0 : i32
      %dma_wait3A_62 = tpu.memref_slice %arg4[%dma_wait3A_61] : memref<62400000xf32, #tpu.memory_space<hbm>> -> memref<3072xf32, #tpu.memory_space<hbm>>
      tpu.wait_dma2 semaphore(%arg20 : memref<!tpu.dma_semaphore, #tpu.memory_space<semaphore_mem>>) src(%arg12 : memref<3072xf32, #tpu.memory_space<vmem>>) dst(%dma_wait3A_62 : memref<3072xf32, #tpu.memory_space<hbm>>)
    } else {
    }
    %lt3A_55 = arith.constant 26 : i32
    %lt3A_56 = arith.cmpi slt, %add3A, %lt3A_55 : i32
    %convert_element_type3A_57 = arith.extui %lt3A_56 : i1 to i32
    %cond3A_58 = arith.constant 0 : i32
    %cond3A_59 = arith.cmpi ne, %convert_element_type3A_57, %cond3A_58 : i32
    scf.if %cond3A_59 {
      "tpu.region"() ({
        %run_scoped3A = tpu.sem_alloc : memref<!tpu.dma_semaphore, #tpu.memory_space<semaphore_mem>>
        %dma_start3A = arith.constant 0 : i32
        %dma_start3A_66 = arith.constant 0 : i32
        %dma_start3A_67 = tpu.memref_slice %arg3[%add3A, %dma_start3A, %dma_start3A_66] : memref<26x24x128xf32, #tpu.memory_space<hbm>> -> memref<1x24x128xf32, #tpu.memory_space<hbm>>
        %dma_start3A_68 = tpu.memref_squeeze %dma_start3A_67 : memref<1x24x128xf32, #tpu.memory_space<hbm>> -> memref<24x128xf32, #tpu.memory_space<hbm>>
        %dma_start3A_69 = arith.constant 0 : i32
        %dma_start3A_70 = arith.constant 0 : i32
        %dma_start3A_71 = tpu.memref_slice %arg3[%add3A, %dma_start3A_69, %dma_start3A_70] : memref<26x24x128xf32, #tpu.memory_space<hbm>> -> memref<1x24x128xf32, #tpu.memory_space<hbm>>
        %dma_start3A_72 = tpu.memref_squeeze %dma_start3A_71 : memref<1x24x128xf32, #tpu.memory_space<hbm>> -> memref<24x128xf32, #tpu.memory_space<hbm>>
        tpu.enqueue_dma source(%dma_start3A_72 : memref<24x128xf32, #tpu.memory_space<hbm>>) target(%arg5 : memref<24x128xf32, #tpu.memory_space<vmem>>) target_semaphore(%run_scoped3A : memref<!tpu.dma_semaphore, #tpu.memory_space<semaphore_mem>>)
        %dma_wait3A = arith.constant 0 : i32
        %dma_wait3A_73 = arith.constant 0 : i32
        %dma_wait3A_74 = tpu.memref_slice %arg3[%add3A, %dma_wait3A, %dma_wait3A_73] : memref<26x24x128xf32, #tpu.memory_space<hbm>> -> memref<1x24x128xf32, #tpu.memory_space<hbm>>
        %dma_wait3A_75 = tpu.memref_squeeze %dma_wait3A_74 : memref<1x24x128xf32, #tpu.memory_space<hbm>> -> memref<24x128xf32, #tpu.memory_space<hbm>>
        %dma_wait3A_76 = arith.constant 0 : i32
        %dma_wait3A_77 = arith.constant 0 : i32
        %dma_wait3A_78 = tpu.memref_slice %arg3[%add3A, %dma_wait3A_76, %dma_wait3A_77] : memref<26x24x128xf32, #tpu.memory_space<hbm>> -> memref<1x24x128xf32, #tpu.memory_space<hbm>>
        %dma_wait3A_79 = tpu.memref_squeeze %dma_wait3A_78 : memref<1x24x128xf32, #tpu.memory_space<hbm>> -> memref<24x128xf32, #tpu.memory_space<hbm>>
        tpu.wait_dma2 semaphore(%run_scoped3A : memref<!tpu.dma_semaphore, #tpu.memory_space<semaphore_mem>>) src(%dma_wait3A_79 : memref<24x128xf32, #tpu.memory_space<hbm>>) dst(%arg5 : memref<24x128xf32, #tpu.memory_space<vmem>>)
        tpu.yield
      }) : () -> ()
      %parallel_loop3A = arith.constant 0 : i32
      %parallel_loop3A_60 = arith.constant 48 : i32
      %parallel_loop3A_61 = arith.constant 1 : i32
      scf.for %parallel_loop3A_66 = %parallel_loop3A to %parallel_loop3A_60 step %parallel_loop3A_61  : i32 {
        %parallel_loop3A_67 = arith.constant 1 : i32
        %parallel_loop3A_68 = arith.shrsi %parallel_loop3A_66, %parallel_loop3A_67 : i32
        %parallel_loop3A_69 = arith.constant 1 : i32
        %parallel_loop3A_70 = arith.andi %parallel_loop3A_66, %parallel_loop3A_69 : i32
        %parallel_loop3A_71 = arith.constant 16 : i32
        %parallel_loop3A_72 = arith.muli %parallel_loop3A_70, %parallel_loop3A_71 : i32
        %parallel_loop3A_73 = arith.index_cast %parallel_loop3A_68 : i32 to index
        %parallel_loop3A_74 = arith.index_cast %parallel_loop3A_72 : i32 to index
        %parallel_loop3A_75 = tpu.vector_load %arg5[%parallel_loop3A_73, %parallel_loop3A_74] {strides = array<i32>} : memref<24x128xf32, #tpu.memory_space<vmem>>, vector<16xf32>,
        %parallel_loop3A_76 = arith.constant 16 : i32
        %parallel_loop3A_77 = arith.muli %parallel_loop3A_70, %parallel_loop3A_76 : i32
        %parallel_loop3A_78 = arith.constant 24 : i32
        %parallel_loop3A_79 = arith.muli %parallel_loop3A_77, %parallel_loop3A_78 : i32
        %parallel_loop3A_80 = arith.addi %parallel_loop3A_79, %parallel_loop3A_68 : i32
        %parallel_loop3A_81 = vector.broadcast %parallel_loop3A_80 : i32 to vector<16xi32>
        %parallel_loop3A_82 = arith.addi %mul3A_3, %parallel_loop3A_81 : vector<16xi32>
        tpu.vector_store_idx %arg9[%parallel_loop3A_82], %parallel_loop3A_75 : memref<3072xf32, #tpu.memory_space<vmem>>[vector<16xi32>], vector<16xf32>,
      } {sc.loop_unroll_factor = 8 : i64, sc.parallel_access}
      %mul3A_62 = arith.constant 2400000 : i32
      %mul3A_63 = arith.muli %add3A, %mul3A_62 : i32
      %add3A_64 = arith.constant 2399232 : i32
      %add3A_65 = arith.addi %mul3A_63, %add3A_64 : i32
      "tpu.region"() ({
        %run_scoped3A = tpu.sem_alloc : memref<!tpu.dma_semaphore, #tpu.memory_space<semaphore_mem>>
        %dma_start3A = arith.constant 0 : i32
        %dma_start3A_66 = tpu.memref_slice %arg9[%dma_start3A] : memref<3072xf32, #tpu.memory_space<vmem>> -> memref<768xf32, #tpu.memory_space<vmem>>
        %dma_start3A_67 = tpu.memref_slice %arg4[%add3A_65] : memref<62400000xf32, #tpu.memory_space<hbm>> -> memref<768xf32, #tpu.memory_space<hbm>>
        %dma_start3A_68 = tpu.memref_slice %arg4[%add3A_65] : memref<62400000xf32, #tpu.memory_space<hbm>> -> memref<768xf32, #tpu.memory_space<hbm>>
        %dma_start3A_69 = arith.constant 0 : i32
        %dma_start3A_70 = tpu.memref_slice %arg9[%dma_start3A_69] : memref<3072xf32, #tpu.memory_space<vmem>> -> memref<768xf32, #tpu.memory_space<vmem>>
        tpu.enqueue_dma source(%dma_start3A_70 : memref<768xf32, #tpu.memory_space<vmem>>) target(%dma_start3A_68 : memref<768xf32, #tpu.memory_space<hbm>>) target_semaphore(%run_scoped3A : memref<!tpu.dma_semaphore, #tpu.memory_space<semaphore_mem>>)
        %dma_wait3A = arith.constant 0 : i32
        %dma_wait3A_71 = tpu.memref_slice %arg9[%dma_wait3A] : memref<3072xf32, #tpu.memory_space<vmem>> -> memref<768xf32, #tpu.memory_space<vmem>>
        %dma_wait3A_72 = tpu.memref_slice %arg4[%add3A_65] : memref<62400000xf32, #tpu.memory_space<hbm>> -> memref<768xf32, #tpu.memory_space<hbm>>
        %dma_wait3A_73 = tpu.memref_slice %arg4[%add3A_65] : memref<62400000xf32, #tpu.memory_space<hbm>> -> memref<768xf32, #tpu.memory_space<hbm>>
        %dma_wait3A_74 = arith.constant 0 : i32
        %dma_wait3A_75 = tpu.memref_slice %arg9[%dma_wait3A_74] : memref<3072xf32, #tpu.memory_space<vmem>> -> memref<768xf32, #tpu.memory_space<vmem>>
        tpu.wait_dma2 semaphore(%run_scoped3A : memref<!tpu.dma_semaphore, #tpu.memory_space<semaphore_mem>>) src(%dma_wait3A_75 : memref<768xf32, #tpu.memory_space<vmem>>) dst(%dma_wait3A_73 : memref<768xf32, #tpu.memory_space<hbm>>)
        tpu.yield
      }) : () -> ()
    } else {
    }
    return
  }
}

#map = affine_map<(d0, d1) -> (0, 0, 0)>
#map1 = affine_map<(d0, d1) -> (0, 0)>
module attributes {stable_mosaic.version = 14 : i64} {
  func.func @_gather_body(%arg0: i32, %arg1: i32, %arg2: memref<32x104x128xi32, #tpu.memory_space<hbm>>, %arg3: memref<2600000x24xf32, #tpu.memory_space<hbm>>, %arg4: memref<425984x24xf32, #tpu.memory_space<hbm>>, %arg5: memref<104x128xi32, #tpu.memory_space<vmem>>, %arg6: memref<1024x24xf32, #tpu.memory_space<vmem>>, %arg7: memref<1024x24xf32, #tpu.memory_space<vmem>>, %arg8: memref<!tpu.dma_semaphore, #tpu.memory_space<semaphore_mem>>, %arg9: memref<!tpu.dma_semaphore, #tpu.memory_space<semaphore_mem>>, %arg10: memref<!tpu.dma_semaphore, #tpu.memory_space<semaphore_mem>>, %arg11: memref<!tpu.dma_semaphore, #tpu.memory_space<semaphore_mem>>) attributes {dimension_semantics = [#tpu.dimension_semantics<core_parallel>, #tpu.dimension_semantics<subcore_parallel>], iteration_bounds = array<i64: 2, 16>, scalar_prefetch = 0 : i64, scratch_operands = 7 : i64, tpu.core_type = #tpu.core_type<sc_vector_subcore>, window_params = [{transform_indices = #map}, {transform_indices = #map1}, {transform_indices = #map1}]} {
    %mul3A = arith.constant 2 : i32
    %mul3A_0 = arith.muli %arg1, %mul3A : i32
    %add3A = arith.addi %mul3A_0, %arg0 : i32
    %mul3A_1 = arith.constant 13312 : i32
    %mul3A_2 = arith.muli %add3A, %mul3A_1 : i32
    "tpu.region"() ({
      %run_scoped3A = tpu.sem_alloc : memref<!tpu.dma_semaphore, #tpu.memory_space<semaphore_mem>>
      %dma_start3A_184 = arith.constant 0 : i32
      %dma_start3A_185 = arith.constant 0 : i32
      %dma_start3A_186 = tpu.memref_slice %arg2[%add3A, %dma_start3A_184, %dma_start3A_185] : memref<32x104x128xi32, #tpu.memory_space<hbm>> -> memref<1x104x128xi32, #tpu.memory_space<hbm>>
      %dma_start3A_187 = tpu.memref_squeeze %dma_start3A_186 : memref<1x104x128xi32, #tpu.memory_space<hbm>> -> memref<104x128xi32, #tpu.memory_space<hbm>>
      %dma_start3A_188 = arith.constant 0 : i32
      %dma_start3A_189 = arith.constant 0 : i32
      %dma_start3A_190 = tpu.memref_slice %arg2[%add3A, %dma_start3A_188, %dma_start3A_189] : memref<32x104x128xi32, #tpu.memory_space<hbm>> -> memref<1x104x128xi32, #tpu.memory_space<hbm>>
      %dma_start3A_191 = tpu.memref_squeeze %dma_start3A_190 : memref<1x104x128xi32, #tpu.memory_space<hbm>> -> memref<104x128xi32, #tpu.memory_space<hbm>>
      tpu.enqueue_dma source(%dma_start3A_191 : memref<104x128xi32, #tpu.memory_space<hbm>>) target(%arg5 : memref<104x128xi32, #tpu.memory_space<vmem>>) target_semaphore(%run_scoped3A : memref<!tpu.dma_semaphore, #tpu.memory_space<semaphore_mem>>)
      %dma_wait3A_192 = arith.constant 0 : i32
      %dma_wait3A_193 = arith.constant 0 : i32
      %dma_wait3A_194 = tpu.memref_slice %arg2[%add3A, %dma_wait3A_192, %dma_wait3A_193] : memref<32x104x128xi32, #tpu.memory_space<hbm>> -> memref<1x104x128xi32, #tpu.memory_space<hbm>>
      %dma_wait3A_195 = tpu.memref_squeeze %dma_wait3A_194 : memref<1x104x128xi32, #tpu.memory_space<hbm>> -> memref<104x128xi32, #tpu.memory_space<hbm>>
      %dma_wait3A_196 = arith.constant 0 : i32
      %dma_wait3A_197 = arith.constant 0 : i32
      %dma_wait3A_198 = tpu.memref_slice %arg2[%add3A, %dma_wait3A_196, %dma_wait3A_197] : memref<32x104x128xi32, #tpu.memory_space<hbm>> -> memref<1x104x128xi32, #tpu.memory_space<hbm>>
      %dma_wait3A_199 = tpu.memref_squeeze %dma_wait3A_198 : memref<1x104x128xi32, #tpu.memory_space<hbm>> -> memref<104x128xi32, #tpu.memory_space<hbm>>
      tpu.wait_dma2 semaphore(%run_scoped3A : memref<!tpu.dma_semaphore, #tpu.memory_space<semaphore_mem>>) src(%dma_wait3A_199 : memref<104x128xi32, #tpu.memory_space<hbm>>) dst(%arg5 : memref<104x128xi32, #tpu.memory_space<vmem>>)
      tpu.yield
    }) : () -> ()
    %dma_start3A = arith.constant 0 : i32
    %dma_start3A_3 = arith.constant 0 : i32
    %dma_start3A_4 = arith.constant 0 : i32
    %dma_start3A_5 = tpu.memref_slice %arg6[%dma_start3A_3, %dma_start3A_4] : memref<1024x24xf32, #tpu.memory_space<vmem>> -> memref<128x24xf32, #tpu.memory_space<vmem>>
    %dma_start3A_6 = arith.constant 0 : i32
    %dma_start3A_7 = tpu.memref_slice %arg5[%dma_start3A, %dma_start3A_6] : memref<104x128xi32, #tpu.memory_space<vmem>> -> memref<1x128xi32, #tpu.memory_space<vmem>>
    %dma_start3A_8 = tpu.memref_squeeze %dma_start3A_7 : memref<1x128xi32, #tpu.memory_space<vmem>> -> memref<128xi32, #tpu.memory_space<vmem>>
    %dma_start3A_9 = arith.constant 0 : i32
    %dma_start3A_10 = arith.constant 0 : i32
    %dma_start3A_11 = tpu.memref_slice %arg3[%dma_start3A_9, %dma_start3A_10] : memref<2600000x24xf32, #tpu.memory_space<hbm>> -> memref<2600000x24xf32, #tpu.memory_space<hbm>>
    tpu.enqueue_indirect_dma source(%dma_start3A_11 : memref<2600000x24xf32, #tpu.memory_space<hbm>>) target(%dma_start3A_5 : memref<128x24xf32, #tpu.memory_space<vmem>>) offsets(%dma_start3A_8 : memref<128xi32, #tpu.memory_space<vmem>>) semaphore(%arg8 : memref<!tpu.dma_semaphore, #tpu.memory_space<semaphore_mem>>)
    %dma_start3A_12 = arith.constant 1 : i32
    %dma_start3A_13 = arith.constant 128 : i32
    %dma_start3A_14 = arith.constant 0 : i32
    %dma_start3A_15 = tpu.memref_slice %arg6[%dma_start3A_13, %dma_start3A_14] : memref<1024x24xf32, #tpu.memory_space<vmem>> -> memref<128x24xf32, #tpu.memory_space<vmem>>
    %dma_start3A_16 = arith.constant 0 : i32
    %dma_start3A_17 = tpu.memref_slice %arg5[%dma_start3A_12, %dma_start3A_16] : memref<104x128xi32, #tpu.memory_space<vmem>> -> memref<1x128xi32, #tpu.memory_space<vmem>>
    %dma_start3A_18 = tpu.memref_squeeze %dma_start3A_17 : memref<1x128xi32, #tpu.memory_space<vmem>> -> memref<128xi32, #tpu.memory_space<vmem>>
    %dma_start3A_19 = arith.constant 0 : i32
    %dma_start3A_20 = arith.constant 0 : i32
    %dma_start3A_21 = tpu.memref_slice %arg3[%dma_start3A_19, %dma_start3A_20] : memref<2600000x24xf32, #tpu.memory_space<hbm>> -> memref<2600000x24xf32, #tpu.memory_space<hbm>>
    tpu.enqueue_indirect_dma source(%dma_start3A_21 : memref<2600000x24xf32, #tpu.memory_space<hbm>>) target(%dma_start3A_15 : memref<128x24xf32, #tpu.memory_space<vmem>>) offsets(%dma_start3A_18 : memref<128xi32, #tpu.memory_space<vmem>>) semaphore(%arg8 : memref<!tpu.dma_semaphore, #tpu.memory_space<semaphore_mem>>)
    %dma_start3A_22 = arith.constant 2 : i32
    %dma_start3A_23 = arith.constant 256 : i32
    %dma_start3A_24 = arith.constant 0 : i32
    %dma_start3A_25 = tpu.memref_slice %arg6[%dma_start3A_23, %dma_start3A_24] : memref<1024x24xf32, #tpu.memory_space<vmem>> -> memref<128x24xf32, #tpu.memory_space<vmem>>
    %dma_start3A_26 = arith.constant 0 : i32
    %dma_start3A_27 = tpu.memref_slice %arg5[%dma_start3A_22, %dma_start3A_26] : memref<104x128xi32, #tpu.memory_space<vmem>> -> memref<1x128xi32, #tpu.memory_space<vmem>>
    %dma_start3A_28 = tpu.memref_squeeze %dma_start3A_27 : memref<1x128xi32, #tpu.memory_space<vmem>> -> memref<128xi32, #tpu.memory_space<vmem>>
    %dma_start3A_29 = arith.constant 0 : i32
    %dma_start3A_30 = arith.constant 0 : i32
    %dma_start3A_31 = tpu.memref_slice %arg3[%dma_start3A_29, %dma_start3A_30] : memref<2600000x24xf32, #tpu.memory_space<hbm>> -> memref<2600000x24xf32, #tpu.memory_space<hbm>>
    tpu.enqueue_indirect_dma source(%dma_start3A_31 : memref<2600000x24xf32, #tpu.memory_space<hbm>>) target(%dma_start3A_25 : memref<128x24xf32, #tpu.memory_space<vmem>>) offsets(%dma_start3A_28 : memref<128xi32, #tpu.memory_space<vmem>>) semaphore(%arg8 : memref<!tpu.dma_semaphore, #tpu.memory_space<semaphore_mem>>)
    %dma_start3A_32 = arith.constant 3 : i32
    %dma_start3A_33 = arith.constant 384 : i32
    %dma_start3A_34 = arith.constant 0 : i32
    %dma_start3A_35 = tpu.memref_slice %arg6[%dma_start3A_33, %dma_start3A_34] : memref<1024x24xf32, #tpu.memory_space<vmem>> -> memref<128x24xf32, #tpu.memory_space<vmem>>
    %dma_start3A_36 = arith.constant 0 : i32
    %dma_start3A_37 = tpu.memref_slice %arg5[%dma_start3A_32, %dma_start3A_36] : memref<104x128xi32, #tpu.memory_space<vmem>> -> memref<1x128xi32, #tpu.memory_space<vmem>>
    %dma_start3A_38 = tpu.memref_squeeze %dma_start3A_37 : memref<1x128xi32, #tpu.memory_space<vmem>> -> memref<128xi32, #tpu.memory_space<vmem>>
    %dma_start3A_39 = arith.constant 0 : i32
    %dma_start3A_40 = arith.constant 0 : i32
    %dma_start3A_41 = tpu.memref_slice %arg3[%dma_start3A_39, %dma_start3A_40] : memref<2600000x24xf32, #tpu.memory_space<hbm>> -> memref<2600000x24xf32, #tpu.memory_space<hbm>>
    tpu.enqueue_indirect_dma source(%dma_start3A_41 : memref<2600000x24xf32, #tpu.memory_space<hbm>>) target(%dma_start3A_35 : memref<128x24xf32, #tpu.memory_space<vmem>>) offsets(%dma_start3A_38 : memref<128xi32, #tpu.memory_space<vmem>>) semaphore(%arg8 : memref<!tpu.dma_semaphore, #tpu.memory_space<semaphore_mem>>)
    %dma_start3A_42 = arith.constant 4 : i32
    %dma_start3A_43 = arith.constant 512 : i32
    %dma_start3A_44 = arith.constant 0 : i32
    %dma_start3A_45 = tpu.memref_slice %arg6[%dma_start3A_43, %dma_start3A_44] : memref<1024x24xf32, #tpu.memory_space<vmem>> -> memref<128x24xf32, #tpu.memory_space<vmem>>
    %dma_start3A_46 = arith.constant 0 : i32
    %dma_start3A_47 = tpu.memref_slice %arg5[%dma_start3A_42, %dma_start3A_46] : memref<104x128xi32, #tpu.memory_space<vmem>> -> memref<1x128xi32, #tpu.memory_space<vmem>>
    %dma_start3A_48 = tpu.memref_squeeze %dma_start3A_47 : memref<1x128xi32, #tpu.memory_space<vmem>> -> memref<128xi32, #tpu.memory_space<vmem>>
    %dma_start3A_49 = arith.constant 0 : i32
    %dma_start3A_50 = arith.constant 0 : i32
    %dma_start3A_51 = tpu.memref_slice %arg3[%dma_start3A_49, %dma_start3A_50] : memref<2600000x24xf32, #tpu.memory_space<hbm>> -> memref<2600000x24xf32, #tpu.memory_space<hbm>>
    tpu.enqueue_indirect_dma source(%dma_start3A_51 : memref<2600000x24xf32, #tpu.memory_space<hbm>>) target(%dma_start3A_45 : memref<128x24xf32, #tpu.memory_space<vmem>>) offsets(%dma_start3A_48 : memref<128xi32, #tpu.memory_space<vmem>>) semaphore(%arg8 : memref<!tpu.dma_semaphore, #tpu.memory_space<semaphore_mem>>)
    %dma_start3A_52 = arith.constant 5 : i32
    %dma_start3A_53 = arith.constant 640 : i32
    %dma_start3A_54 = arith.constant 0 : i32
    %dma_start3A_55 = tpu.memref_slice %arg6[%dma_start3A_53, %dma_start3A_54] : memref<1024x24xf32, #tpu.memory_space<vmem>> -> memref<128x24xf32, #tpu.memory_space<vmem>>
    %dma_start3A_56 = arith.constant 0 : i32
    %dma_start3A_57 = tpu.memref_slice %arg5[%dma_start3A_52, %dma_start3A_56] : memref<104x128xi32, #tpu.memory_space<vmem>> -> memref<1x128xi32, #tpu.memory_space<vmem>>
    %dma_start3A_58 = tpu.memref_squeeze %dma_start3A_57 : memref<1x128xi32, #tpu.memory_space<vmem>> -> memref<128xi32, #tpu.memory_space<vmem>>
    %dma_start3A_59 = arith.constant 0 : i32
    %dma_start3A_60 = arith.constant 0 : i32
    %dma_start3A_61 = tpu.memref_slice %arg3[%dma_start3A_59, %dma_start3A_60] : memref<2600000x24xf32, #tpu.memory_space<hbm>> -> memref<2600000x24xf32, #tpu.memory_space<hbm>>
    tpu.enqueue_indirect_dma source(%dma_start3A_61 : memref<2600000x24xf32, #tpu.memory_space<hbm>>) target(%dma_start3A_55 : memref<128x24xf32, #tpu.memory_space<vmem>>) offsets(%dma_start3A_58 : memref<128xi32, #tpu.memory_space<vmem>>) semaphore(%arg8 : memref<!tpu.dma_semaphore, #tpu.memory_space<semaphore_mem>>)
    %dma_start3A_62 = arith.constant 6 : i32
    %dma_start3A_63 = arith.constant 768 : i32
    %dma_start3A_64 = arith.constant 0 : i32
    %dma_start3A_65 = tpu.memref_slice %arg6[%dma_start3A_63, %dma_start3A_64] : memref<1024x24xf32, #tpu.memory_space<vmem>> -> memref<128x24xf32, #tpu.memory_space<vmem>>
    %dma_start3A_66 = arith.constant 0 : i32
    %dma_start3A_67 = tpu.memref_slice %arg5[%dma_start3A_62, %dma_start3A_66] : memref<104x128xi32, #tpu.memory_space<vmem>> -> memref<1x128xi32, #tpu.memory_space<vmem>>
    %dma_start3A_68 = tpu.memref_squeeze %dma_start3A_67 : memref<1x128xi32, #tpu.memory_space<vmem>> -> memref<128xi32, #tpu.memory_space<vmem>>
    %dma_start3A_69 = arith.constant 0 : i32
    %dma_start3A_70 = arith.constant 0 : i32
    %dma_start3A_71 = tpu.memref_slice %arg3[%dma_start3A_69, %dma_start3A_70] : memref<2600000x24xf32, #tpu.memory_space<hbm>> -> memref<2600000x24xf32, #tpu.memory_space<hbm>>
    tpu.enqueue_indirect_dma source(%dma_start3A_71 : memref<2600000x24xf32, #tpu.memory_space<hbm>>) target(%dma_start3A_65 : memref<128x24xf32, #tpu.memory_space<vmem>>) offsets(%dma_start3A_68 : memref<128xi32, #tpu.memory_space<vmem>>) semaphore(%arg8 : memref<!tpu.dma_semaphore, #tpu.memory_space<semaphore_mem>>)
    %dma_start3A_72 = arith.constant 7 : i32
    %dma_start3A_73 = arith.constant 896 : i32
    %dma_start3A_74 = arith.constant 0 : i32
    %dma_start3A_75 = tpu.memref_slice %arg6[%dma_start3A_73, %dma_start3A_74] : memref<1024x24xf32, #tpu.memory_space<vmem>> -> memref<128x24xf32, #tpu.memory_space<vmem>>
    %dma_start3A_76 = arith.constant 0 : i32
    %dma_start3A_77 = tpu.memref_slice %arg5[%dma_start3A_72, %dma_start3A_76] : memref<104x128xi32, #tpu.memory_space<vmem>> -> memref<1x128xi32, #tpu.memory_space<vmem>>
    %dma_start3A_78 = tpu.memref_squeeze %dma_start3A_77 : memref<1x128xi32, #tpu.memory_space<vmem>> -> memref<128xi32, #tpu.memory_space<vmem>>
    %dma_start3A_79 = arith.constant 0 : i32
    %dma_start3A_80 = arith.constant 0 : i32
    %dma_start3A_81 = tpu.memref_slice %arg3[%dma_start3A_79, %dma_start3A_80] : memref<2600000x24xf32, #tpu.memory_space<hbm>> -> memref<2600000x24xf32, #tpu.memory_space<hbm>>
    tpu.enqueue_indirect_dma source(%dma_start3A_81 : memref<2600000x24xf32, #tpu.memory_space<hbm>>) target(%dma_start3A_75 : memref<128x24xf32, #tpu.memory_space<vmem>>) offsets(%dma_start3A_78 : memref<128xi32, #tpu.memory_space<vmem>>) semaphore(%arg8 : memref<!tpu.dma_semaphore, #tpu.memory_space<semaphore_mem>>)
    %scan3A = arith.constant 0 : i32
    %scan3A_82 = arith.constant 0 : i32
    %scan3A_83 = arith.constant 6 : i32
    %scan3A_84 = arith.addi %scan3A_82, %scan3A_83 : i32
    %scan3A_85 = arith.constant 1 : i32
    scf.for %scan3A_184 = %scan3A_82 to %scan3A_84 step %scan3A_85  : i32 {
      %mul3A_185 = arith.constant 2 : i32
      %mul3A_186 = arith.muli %mul3A_185, %scan3A_184 : i32
      %add3A_187 = arith.constant 1 : i32
      %add3A_188 = arith.addi %mul3A_186, %add3A_187 : i32
      %lt3A = arith.constant 13 : i32
      %lt3A_189 = arith.cmpi slt, %add3A_188, %lt3A : i32
      %convert_element_type3A = arith.extui %lt3A_189 : i1 to i32
      %cond3A = arith.constant 0 : i32
      %cond3A_190 = arith.cmpi ne, %convert_element_type3A, %cond3A : i32
      scf.if %cond3A_190 {
        %mul3A_383 = arith.constant 8 : i32
        %mul3A_384 = arith.muli %add3A_188, %mul3A_383 : i32
        %add3A_385 = arith.constant 0 : i32
        %add3A_386 = arith.addi %mul3A_384, %add3A_385 : i32
        %dma_start3A_387 = arith.constant 0 : i32
        %dma_start3A_388 = arith.constant 0 : i32
        %dma_start3A_389 = tpu.memref_slice %arg7[%dma_start3A_387, %dma_start3A_388] : memref<1024x24xf32, #tpu.memory_space<vmem>> -> memref<128x24xf32, #tpu.memory_space<vmem>>
        %dma_start3A_390 = arith.constant 0 : i32
        %dma_start3A_391 = tpu.memref_slice %arg5[%add3A_386, %dma_start3A_390] : memref<104x128xi32, #tpu.memory_space<vmem>> -> memref<1x128xi32, #tpu.memory_space<vmem>>
        %dma_start3A_392 = tpu.memref_squeeze %dma_start3A_391 : memref<1x128xi32, #tpu.memory_space<vmem>> -> memref<128xi32, #tpu.memory_space<vmem>>
        %dma_start3A_393 = arith.constant 0 : i32
        %dma_start3A_394 = arith.constant 0 : i32
        %dma_start3A_395 = tpu.memref_slice %arg3[%dma_start3A_393, %dma_start3A_394] : memref<2600000x24xf32, #tpu.memory_space<hbm>> -> memref<2600000x24xf32, #tpu.memory_space<hbm>>
        tpu.enqueue_indirect_dma source(%dma_start3A_395 : memref<2600000x24xf32, #tpu.memory_space<hbm>>) target(%dma_start3A_389 : memref<128x24xf32, #tpu.memory_space<vmem>>) offsets(%dma_start3A_392 : memref<128xi32, #tpu.memory_space<vmem>>) semaphore(%arg9 : memref<!tpu.dma_semaphore, #tpu.memory_space<semaphore_mem>>)
        %mul3A_396 = arith.constant 8 : i32
        %mul3A_397 = arith.muli %add3A_188, %mul3A_396 : i32
        %add3A_398 = arith.constant 1 : i32
        %add3A_399 = arith.addi %mul3A_397, %add3A_398 : i32
        %dma_start3A_400 = arith.constant 128 : i32
        %dma_start3A_401 = arith.constant 0 : i32
        %dma_start3A_402 = tpu.memref_slice %arg7[%dma_start3A_400, %dma_start3A_401] : memref<1024x24xf32, #tpu.memory_space<vmem>> -> memref<128x24xf32, #tpu.memory_space<vmem>>
        %dma_start3A_403 = arith.constant 0 : i32
        %dma_start3A_404 = tpu.memref_slice %arg5[%add3A_399, %dma_start3A_403] : memref<104x128xi32, #tpu.memory_space<vmem>> -> memref<1x128xi32, #tpu.memory_space<vmem>>
        %dma_start3A_405 = tpu.memref_squeeze %dma_start3A_404 : memref<1x128xi32, #tpu.memory_space<vmem>> -> memref<128xi32, #tpu.memory_space<vmem>>
        %dma_start3A_406 = arith.constant 0 : i32
        %dma_start3A_407 = arith.constant 0 : i32
        %dma_start3A_408 = tpu.memref_slice %arg3[%dma_start3A_406, %dma_start3A_407] : memref<2600000x24xf32, #tpu.memory_space<hbm>> -> memref<2600000x24xf32, #tpu.memory_space<hbm>>
        tpu.enqueue_indirect_dma source(%dma_start3A_408 : memref<2600000x24xf32, #tpu.memory_space<hbm>>) target(%dma_start3A_402 : memref<128x24xf32, #tpu.memory_space<vmem>>) offsets(%dma_start3A_405 : memref<128xi32, #tpu.memory_space<vmem>>) semaphore(%arg9 : memref<!tpu.dma_semaphore, #tpu.memory_space<semaphore_mem>>)
        %mul3A_409 = arith.constant 8 : i32
        %mul3A_410 = arith.muli %add3A_188, %mul3A_409 : i32
        %add3A_411 = arith.constant 2 : i32
        %add3A_412 = arith.addi %mul3A_410, %add3A_411 : i32
        %dma_start3A_413 = arith.constant 256 : i32
        %dma_start3A_414 = arith.constant 0 : i32
        %dma_start3A_415 = tpu.memref_slice %arg7[%dma_start3A_413, %dma_start3A_414] : memref<1024x24xf32, #tpu.memory_space<vmem>> -> memref<128x24xf32, #tpu.memory_space<vmem>>
        %dma_start3A_416 = arith.constant 0 : i32
        %dma_start3A_417 = tpu.memref_slice %arg5[%add3A_412, %dma_start3A_416] : memref<104x128xi32, #tpu.memory_space<vmem>> -> memref<1x128xi32, #tpu.memory_space<vmem>>
        %dma_start3A_418 = tpu.memref_squeeze %dma_start3A_417 : memref<1x128xi32, #tpu.memory_space<vmem>> -> memref<128xi32, #tpu.memory_space<vmem>>
        %dma_start3A_419 = arith.constant 0 : i32
        %dma_start3A_420 = arith.constant 0 : i32
        %dma_start3A_421 = tpu.memref_slice %arg3[%dma_start3A_419, %dma_start3A_420] : memref<2600000x24xf32, #tpu.memory_space<hbm>> -> memref<2600000x24xf32, #tpu.memory_space<hbm>>
        tpu.enqueue_indirect_dma source(%dma_start3A_421 : memref<2600000x24xf32, #tpu.memory_space<hbm>>) target(%dma_start3A_415 : memref<128x24xf32, #tpu.memory_space<vmem>>) offsets(%dma_start3A_418 : memref<128xi32, #tpu.memory_space<vmem>>) semaphore(%arg9 : memref<!tpu.dma_semaphore, #tpu.memory_space<semaphore_mem>>)
        %mul3A_422 = arith.constant 8 : i32
        %mul3A_423 = arith.muli %add3A_188, %mul3A_422 : i32
        %add3A_424 = arith.constant 3 : i32
        %add3A_425 = arith.addi %mul3A_423, %add3A_424 : i32
        %dma_start3A_426 = arith.constant 384 : i32
        %dma_start3A_427 = arith.constant 0 : i32
        %dma_start3A_428 = tpu.memref_slice %arg7[%dma_start3A_426, %dma_start3A_427] : memref<1024x24xf32, #tpu.memory_space<vmem>> -> memref<128x24xf32, #tpu.memory_space<vmem>>
        %dma_start3A_429 = arith.constant 0 : i32
        %dma_start3A_430 = tpu.memref_slice %arg5[%add3A_425, %dma_start3A_429] : memref<104x128xi32, #tpu.memory_space<vmem>> -> memref<1x128xi32, #tpu.memory_space<vmem>>
        %dma_start3A_431 = tpu.memref_squeeze %dma_start3A_430 : memref<1x128xi32, #tpu.memory_space<vmem>> -> memref<128xi32, #tpu.memory_space<vmem>>
        %dma_start3A_432 = arith.constant 0 : i32
        %dma_start3A_433 = arith.constant 0 : i32
        %dma_start3A_434 = tpu.memref_slice %arg3[%dma_start3A_432, %dma_start3A_433] : memref<2600000x24xf32, #tpu.memory_space<hbm>> -> memref<2600000x24xf32, #tpu.memory_space<hbm>>
        tpu.enqueue_indirect_dma source(%dma_start3A_434 : memref<2600000x24xf32, #tpu.memory_space<hbm>>) target(%dma_start3A_428 : memref<128x24xf32, #tpu.memory_space<vmem>>) offsets(%dma_start3A_431 : memref<128xi32, #tpu.memory_space<vmem>>) semaphore(%arg9 : memref<!tpu.dma_semaphore, #tpu.memory_space<semaphore_mem>>)
        %mul3A_435 = arith.constant 8 : i32
        %mul3A_436 = arith.muli %add3A_188, %mul3A_435 : i32
        %add3A_437 = arith.constant 4 : i32
        %add3A_438 = arith.addi %mul3A_436, %add3A_437 : i32
        %dma_start3A_439 = arith.constant 512 : i32
        %dma_start3A_440 = arith.constant 0 : i32
        %dma_start3A_441 = tpu.memref_slice %arg7[%dma_start3A_439, %dma_start3A_440] : memref<1024x24xf32, #tpu.memory_space<vmem>> -> memref<128x24xf32, #tpu.memory_space<vmem>>
        %dma_start3A_442 = arith.constant 0 : i32
        %dma_start3A_443 = tpu.memref_slice %arg5[%add3A_438, %dma_start3A_442] : memref<104x128xi32, #tpu.memory_space<vmem>> -> memref<1x128xi32, #tpu.memory_space<vmem>>
        %dma_start3A_444 = tpu.memref_squeeze %dma_start3A_443 : memref<1x128xi32, #tpu.memory_space<vmem>> -> memref<128xi32, #tpu.memory_space<vmem>>
        %dma_start3A_445 = arith.constant 0 : i32
        %dma_start3A_446 = arith.constant 0 : i32
        %dma_start3A_447 = tpu.memref_slice %arg3[%dma_start3A_445, %dma_start3A_446] : memref<2600000x24xf32, #tpu.memory_space<hbm>> -> memref<2600000x24xf32, #tpu.memory_space<hbm>>
        tpu.enqueue_indirect_dma source(%dma_start3A_447 : memref<2600000x24xf32, #tpu.memory_space<hbm>>) target(%dma_start3A_441 : memref<128x24xf32, #tpu.memory_space<vmem>>) offsets(%dma_start3A_444 : memref<128xi32, #tpu.memory_space<vmem>>) semaphore(%arg9 : memref<!tpu.dma_semaphore, #tpu.memory_space<semaphore_mem>>)
        %mul3A_448 = arith.constant 8 : i32
        %mul3A_449 = arith.muli %add3A_188, %mul3A_448 : i32
        %add3A_450 = arith.constant 5 : i32
        %add3A_451 = arith.addi %mul3A_449, %add3A_450 : i32
        %dma_start3A_452 = arith.constant 640 : i32
        %dma_start3A_453 = arith.constant 0 : i32
        %dma_start3A_454 = tpu.memref_slice %arg7[%dma_start3A_452, %dma_start3A_453] : memref<1024x24xf32, #tpu.memory_space<vmem>> -> memref<128x24xf32, #tpu.memory_space<vmem>>
        %dma_start3A_455 = arith.constant 0 : i32
        %dma_start3A_456 = tpu.memref_slice %arg5[%add3A_451, %dma_start3A_455] : memref<104x128xi32, #tpu.memory_space<vmem>> -> memref<1x128xi32, #tpu.memory_space<vmem>>
        %dma_start3A_457 = tpu.memref_squeeze %dma_start3A_456 : memref<1x128xi32, #tpu.memory_space<vmem>> -> memref<128xi32, #tpu.memory_space<vmem>>
        %dma_start3A_458 = arith.constant 0 : i32
        %dma_start3A_459 = arith.constant 0 : i32
        %dma_start3A_460 = tpu.memref_slice %arg3[%dma_start3A_458, %dma_start3A_459] : memref<2600000x24xf32, #tpu.memory_space<hbm>> -> memref<2600000x24xf32, #tpu.memory_space<hbm>>
        tpu.enqueue_indirect_dma source(%dma_start3A_460 : memref<2600000x24xf32, #tpu.memory_space<hbm>>) target(%dma_start3A_454 : memref<128x24xf32, #tpu.memory_space<vmem>>) offsets(%dma_start3A_457 : memref<128xi32, #tpu.memory_space<vmem>>) semaphore(%arg9 : memref<!tpu.dma_semaphore, #tpu.memory_space<semaphore_mem>>)
        %mul3A_461 = arith.constant 8 : i32
        %mul3A_462 = arith.muli %add3A_188, %mul3A_461 : i32
        %add3A_463 = arith.constant 6 : i32
        %add3A_464 = arith.addi %mul3A_462, %add3A_463 : i32
        %dma_start3A_465 = arith.constant 768 : i32
        %dma_start3A_466 = arith.constant 0 : i32
        %dma_start3A_467 = tpu.memref_slice %arg7[%dma_start3A_465, %dma_start3A_466] : memref<1024x24xf32, #tpu.memory_space<vmem>> -> memref<128x24xf32, #tpu.memory_space<vmem>>
        %dma_start3A_468 = arith.constant 0 : i32
        %dma_start3A_469 = tpu.memref_slice %arg5[%add3A_464, %dma_start3A_468] : memref<104x128xi32, #tpu.memory_space<vmem>> -> memref<1x128xi32, #tpu.memory_space<vmem>>
        %dma_start3A_470 = tpu.memref_squeeze %dma_start3A_469 : memref<1x128xi32, #tpu.memory_space<vmem>> -> memref<128xi32, #tpu.memory_space<vmem>>
        %dma_start3A_471 = arith.constant 0 : i32
        %dma_start3A_472 = arith.constant 0 : i32
        %dma_start3A_473 = tpu.memref_slice %arg3[%dma_start3A_471, %dma_start3A_472] : memref<2600000x24xf32, #tpu.memory_space<hbm>> -> memref<2600000x24xf32, #tpu.memory_space<hbm>>
        tpu.enqueue_indirect_dma source(%dma_start3A_473 : memref<2600000x24xf32, #tpu.memory_space<hbm>>) target(%dma_start3A_467 : memref<128x24xf32, #tpu.memory_space<vmem>>) offsets(%dma_start3A_470 : memref<128xi32, #tpu.memory_space<vmem>>) semaphore(%arg9 : memref<!tpu.dma_semaphore, #tpu.memory_space<semaphore_mem>>)
        %mul3A_474 = arith.constant 8 : i32
        %mul3A_475 = arith.muli %add3A_188, %mul3A_474 : i32
        %add3A_476 = arith.constant 7 : i32
        %add3A_477 = arith.addi %mul3A_475, %add3A_476 : i32
        %dma_start3A_478 = arith.constant 896 : i32
        %dma_start3A_479 = arith.constant 0 : i32
        %dma_start3A_480 = tpu.memref_slice %arg7[%dma_start3A_478, %dma_start3A_479] : memref<1024x24xf32, #tpu.memory_space<vmem>> -> memref<128x24xf32, #tpu.memory_space<vmem>>
        %dma_start3A_481 = arith.constant 0 : i32
        %dma_start3A_482 = tpu.memref_slice %arg5[%add3A_477, %dma_start3A_481] : memref<104x128xi32, #tpu.memory_space<vmem>> -> memref<1x128xi32, #tpu.memory_space<vmem>>
        %dma_start3A_483 = tpu.memref_squeeze %dma_start3A_482 : memref<1x128xi32, #tpu.memory_space<vmem>> -> memref<128xi32, #tpu.memory_space<vmem>>
        %dma_start3A_484 = arith.constant 0 : i32
        %dma_start3A_485 = arith.constant 0 : i32
        %dma_start3A_486 = tpu.memref_slice %arg3[%dma_start3A_484, %dma_start3A_485] : memref<2600000x24xf32, #tpu.memory_space<hbm>> -> memref<2600000x24xf32, #tpu.memory_space<hbm>>
        tpu.enqueue_indirect_dma source(%dma_start3A_486 : memref<2600000x24xf32, #tpu.memory_space<hbm>>) target(%dma_start3A_480 : memref<128x24xf32, #tpu.memory_space<vmem>>) offsets(%dma_start3A_483 : memref<128xi32, #tpu.memory_space<vmem>>) semaphore(%arg9 : memref<!tpu.dma_semaphore, #tpu.memory_space<semaphore_mem>>)
      } else {
      }
      %dma_wait3A_191 = arith.constant 0 : i32
      %dma_wait3A_192 = arith.constant 0 : i32
      %dma_wait3A_193 = arith.constant 0 : i32
      %dma_wait3A_194 = tpu.memref_slice %arg6[%dma_wait3A_192, %dma_wait3A_193] : memref<1024x24xf32, #tpu.memory_space<vmem>> -> memref<128x24xf32, #tpu.memory_space<vmem>>
      %dma_wait3A_195 = arith.constant 0 : i32
      %dma_wait3A_196 = tpu.memref_slice %arg5[%dma_wait3A_191, %dma_wait3A_195] : memref<104x128xi32, #tpu.memory_space<vmem>> -> memref<1x128xi32, #tpu.memory_space<vmem>>
      %dma_wait3A_197 = tpu.memref_squeeze %dma_wait3A_196 : memref<1x128xi32, #tpu.memory_space<vmem>> -> memref<128xi32, #tpu.memory_space<vmem>>
      %dma_wait3A_198 = arith.constant 0 : i32
      %dma_wait3A_199 = arith.constant 0 : i32
      %dma_wait3A_200 = tpu.memref_slice %arg3[%dma_wait3A_198, %dma_wait3A_199] : memref<2600000x24xf32, #tpu.memory_space<hbm>> -> memref<2600000x24xf32, #tpu.memory_space<hbm>>
      tpu.wait_indirect_dma semaphore(%arg8 : memref<!tpu.dma_semaphore, #tpu.memory_space<semaphore_mem>>) src(%dma_wait3A_200 : memref<2600000x24xf32, #tpu.memory_space<hbm>>) dst(%dma_wait3A_194 : memref<128x24xf32, #tpu.memory_space<vmem>>)
      %dma_wait3A_201 = arith.constant 0 : i32
      %dma_wait3A_202 = arith.constant 128 : i32
      %dma_wait3A_203 = arith.constant 0 : i32
      %dma_wait3A_204 = tpu.memref_slice %arg6[%dma_wait3A_202, %dma_wait3A_203] : memref<1024x24xf32, #tpu.memory_space<vmem>> -> memref<128x24xf32, #tpu.memory_space<vmem>>
      %dma_wait3A_205 = arith.constant 0 : i32
      %dma_wait3A_206 = tpu.memref_slice %arg5[%dma_wait3A_201, %dma_wait3A_205] : memref<104x128xi32, #tpu.memory_space<vmem>> -> memref<1x128xi32, #tpu.memory_space<vmem>>
      %dma_wait3A_207 = tpu.memref_squeeze %dma_wait3A_206 : memref<1x128xi32, #tpu.memory_space<vmem>> -> memref<128xi32, #tpu.memory_space<vmem>>
      %dma_wait3A_208 = arith.constant 0 : i32
      %dma_wait3A_209 = arith.constant 0 : i32
      %dma_wait3A_210 = tpu.memref_slice %arg3[%dma_wait3A_208, %dma_wait3A_209] : memref<2600000x24xf32, #tpu.memory_space<hbm>> -> memref<2600000x24xf32, #tpu.memory_space<hbm>>
      tpu.wait_indirect_dma semaphore(%arg8 : memref<!tpu.dma_semaphore, #tpu.memory_space<semaphore_mem>>) src(%dma_wait3A_210 : memref<2600000x24xf32, #tpu.memory_space<hbm>>) dst(%dma_wait3A_204 : memref<128x24xf32, #tpu.memory_space<vmem>>)
      %dma_wait3A_211 = arith.constant 0 : i32
      %dma_wait3A_212 = arith.constant 256 : i32
      %dma_wait3A_213 = arith.constant 0 : i32
      %dma_wait3A_214 = tpu.memref_slice %arg6[%dma_wait3A_212, %dma_wait3A_213] : memref<1024x24xf32, #tpu.memory_space<vmem>> -> memref<128x24xf32, #tpu.memory_space<vmem>>
      %dma_wait3A_215 = arith.constant 0 : i32
      %dma_wait3A_216 = tpu.memref_slice %arg5[%dma_wait3A_211, %dma_wait3A_215] : memref<104x128xi32, #tpu.memory_space<vmem>> -> memref<1x128xi32, #tpu.memory_space<vmem>>
      %dma_wait3A_217 = tpu.memref_squeeze %dma_wait3A_216 : memref<1x128xi32, #tpu.memory_space<vmem>> -> memref<128xi32, #tpu.memory_space<vmem>>
      %dma_wait3A_218 = arith.constant 0 : i32
      %dma_wait3A_219 = arith.constant 0 : i32
      %dma_wait3A_220 = tpu.memref_slice %arg3[%dma_wait3A_218, %dma_wait3A_219] : memref<2600000x24xf32, #tpu.memory_space<hbm>> -> memref<2600000x24xf32, #tpu.memory_space<hbm>>
      tpu.wait_indirect_dma semaphore(%arg8 : memref<!tpu.dma_semaphore, #tpu.memory_space<semaphore_mem>>) src(%dma_wait3A_220 : memref<2600000x24xf32, #tpu.memory_space<hbm>>) dst(%dma_wait3A_214 : memref<128x24xf32, #tpu.memory_space<vmem>>)
      %dma_wait3A_221 = arith.constant 0 : i32
      %dma_wait3A_222 = arith.constant 384 : i32
      %dma_wait3A_223 = arith.constant 0 : i32
      %dma_wait3A_224 = tpu.memref_slice %arg6[%dma_wait3A_222, %dma_wait3A_223] : memref<1024x24xf32, #tpu.memory_space<vmem>> -> memref<128x24xf32, #tpu.memory_space<vmem>>
      %dma_wait3A_225 = arith.constant 0 : i32
      %dma_wait3A_226 = tpu.memref_slice %arg5[%dma_wait3A_221, %dma_wait3A_225] : memref<104x128xi32, #tpu.memory_space<vmem>> -> memref<1x128xi32, #tpu.memory_space<vmem>>
      %dma_wait3A_227 = tpu.memref_squeeze %dma_wait3A_226 : memref<1x128xi32, #tpu.memory_space<vmem>> -> memref<128xi32, #tpu.memory_space<vmem>>
      %dma_wait3A_228 = arith.constant 0 : i32
      %dma_wait3A_229 = arith.constant 0 : i32
      %dma_wait3A_230 = tpu.memref_slice %arg3[%dma_wait3A_228, %dma_wait3A_229] : memref<2600000x24xf32, #tpu.memory_space<hbm>> -> memref<2600000x24xf32, #tpu.memory_space<hbm>>
      tpu.wait_indirect_dma semaphore(%arg8 : memref<!tpu.dma_semaphore, #tpu.memory_space<semaphore_mem>>) src(%dma_wait3A_230 : memref<2600000x24xf32, #tpu.memory_space<hbm>>) dst(%dma_wait3A_224 : memref<128x24xf32, #tpu.memory_space<vmem>>)
      %dma_wait3A_231 = arith.constant 0 : i32
      %dma_wait3A_232 = arith.constant 512 : i32
      %dma_wait3A_233 = arith.constant 0 : i32
      %dma_wait3A_234 = tpu.memref_slice %arg6[%dma_wait3A_232, %dma_wait3A_233] : memref<1024x24xf32, #tpu.memory_space<vmem>> -> memref<128x24xf32, #tpu.memory_space<vmem>>
      %dma_wait3A_235 = arith.constant 0 : i32
      %dma_wait3A_236 = tpu.memref_slice %arg5[%dma_wait3A_231, %dma_wait3A_235] : memref<104x128xi32, #tpu.memory_space<vmem>> -> memref<1x128xi32, #tpu.memory_space<vmem>>
      %dma_wait3A_237 = tpu.memref_squeeze %dma_wait3A_236 : memref<1x128xi32, #tpu.memory_space<vmem>> -> memref<128xi32, #tpu.memory_space<vmem>>
      %dma_wait3A_238 = arith.constant 0 : i32
      %dma_wait3A_239 = arith.constant 0 : i32
      %dma_wait3A_240 = tpu.memref_slice %arg3[%dma_wait3A_238, %dma_wait3A_239] : memref<2600000x24xf32, #tpu.memory_space<hbm>> -> memref<2600000x24xf32, #tpu.memory_space<hbm>>
      tpu.wait_indirect_dma semaphore(%arg8 : memref<!tpu.dma_semaphore, #tpu.memory_space<semaphore_mem>>) src(%dma_wait3A_240 : memref<2600000x24xf32, #tpu.memory_space<hbm>>) dst(%dma_wait3A_234 : memref<128x24xf32, #tpu.memory_space<vmem>>)
      %dma_wait3A_241 = arith.constant 0 : i32
      %dma_wait3A_242 = arith.constant 640 : i32
      %dma_wait3A_243 = arith.constant 0 : i32
      %dma_wait3A_244 = tpu.memref_slice %arg6[%dma_wait3A_242, %dma_wait3A_243] : memref<1024x24xf32, #tpu.memory_space<vmem>> -> memref<128x24xf32, #tpu.memory_space<vmem>>
      %dma_wait3A_245 = arith.constant 0 : i32
      %dma_wait3A_246 = tpu.memref_slice %arg5[%dma_wait3A_241, %dma_wait3A_245] : memref<104x128xi32, #tpu.memory_space<vmem>> -> memref<1x128xi32, #tpu.memory_space<vmem>>
      %dma_wait3A_247 = tpu.memref_squeeze %dma_wait3A_246 : memref<1x128xi32, #tpu.memory_space<vmem>> -> memref<128xi32, #tpu.memory_space<vmem>>
      %dma_wait3A_248 = arith.constant 0 : i32
      %dma_wait3A_249 = arith.constant 0 : i32
      %dma_wait3A_250 = tpu.memref_slice %arg3[%dma_wait3A_248, %dma_wait3A_249] : memref<2600000x24xf32, #tpu.memory_space<hbm>> -> memref<2600000x24xf32, #tpu.memory_space<hbm>>
      tpu.wait_indirect_dma semaphore(%arg8 : memref<!tpu.dma_semaphore, #tpu.memory_space<semaphore_mem>>) src(%dma_wait3A_250 : memref<2600000x24xf32, #tpu.memory_space<hbm>>) dst(%dma_wait3A_244 : memref<128x24xf32, #tpu.memory_space<vmem>>)
      %dma_wait3A_251 = arith.constant 0 : i32
      %dma_wait3A_252 = arith.constant 768 : i32
      %dma_wait3A_253 = arith.constant 0 : i32
      %dma_wait3A_254 = tpu.memref_slice %arg6[%dma_wait3A_252, %dma_wait3A_253] : memref<1024x24xf32, #tpu.memory_space<vmem>> -> memref<128x24xf32, #tpu.memory_space<vmem>>
      %dma_wait3A_255 = arith.constant 0 : i32
      %dma_wait3A_256 = tpu.memref_slice %arg5[%dma_wait3A_251, %dma_wait3A_255] : memref<104x128xi32, #tpu.memory_space<vmem>> -> memref<1x128xi32, #tpu.memory_space<vmem>>
      %dma_wait3A_257 = tpu.memref_squeeze %dma_wait3A_256 : memref<1x128xi32, #tpu.memory_space<vmem>> -> memref<128xi32, #tpu.memory_space<vmem>>
      %dma_wait3A_258 = arith.constant 0 : i32
      %dma_wait3A_259 = arith.constant 0 : i32
      %dma_wait3A_260 = tpu.memref_slice %arg3[%dma_wait3A_258, %dma_wait3A_259] : memref<2600000x24xf32, #tpu.memory_space<hbm>> -> memref<2600000x24xf32, #tpu.memory_space<hbm>>
      tpu.wait_indirect_dma semaphore(%arg8 : memref<!tpu.dma_semaphore, #tpu.memory_space<semaphore_mem>>) src(%dma_wait3A_260 : memref<2600000x24xf32, #tpu.memory_space<hbm>>) dst(%dma_wait3A_254 : memref<128x24xf32, #tpu.memory_space<vmem>>)
      %dma_wait3A_261 = arith.constant 0 : i32
      %dma_wait3A_262 = arith.constant 896 : i32
      %dma_wait3A_263 = arith.constant 0 : i32
      %dma_wait3A_264 = tpu.memref_slice %arg6[%dma_wait3A_262, %dma_wait3A_263] : memref<1024x24xf32, #tpu.memory_space<vmem>> -> memref<128x24xf32, #tpu.memory_space<vmem>>
      %dma_wait3A_265 = arith.constant 0 : i32
      %dma_wait3A_266 = tpu.memref_slice %arg5[%dma_wait3A_261, %dma_wait3A_265] : memref<104x128xi32, #tpu.memory_space<vmem>> -> memref<1x128xi32, #tpu.memory_space<vmem>>
      %dma_wait3A_267 = tpu.memref_squeeze %dma_wait3A_266 : memref<1x128xi32, #tpu.memory_space<vmem>> -> memref<128xi32, #tpu.memory_space<vmem>>
      %dma_wait3A_268 = arith.constant 0 : i32
      %dma_wait3A_269 = arith.constant 0 : i32
      %dma_wait3A_270 = tpu.memref_slice %arg3[%dma_wait3A_268, %dma_wait3A_269] : memref<2600000x24xf32, #tpu.memory_space<hbm>> -> memref<2600000x24xf32, #tpu.memory_space<hbm>>
      tpu.wait_indirect_dma semaphore(%arg8 : memref<!tpu.dma_semaphore, #tpu.memory_space<semaphore_mem>>) src(%dma_wait3A_270 : memref<2600000x24xf32, #tpu.memory_space<hbm>>) dst(%dma_wait3A_264 : memref<128x24xf32, #tpu.memory_space<vmem>>)
      %ge3A = arith.constant 1 : i32
      %ge3A_271 = arith.cmpi sge, %scan3A_184, %ge3A : i32
      %convert_element_type3A_272 = arith.extui %ge3A_271 : i1 to i32
      %cond3A_273 = arith.constant 0 : i32
      %cond3A_274 = arith.cmpi ne, %convert_element_type3A_272, %cond3A_273 : i32
      scf.if %cond3A_274 {
        %dma_wait3A_383 = arith.constant 0 : i32
        %dma_wait3A_384 = tpu.memref_slice %arg4[%mul3A_2, %dma_wait3A_383] : memref<425984x24xf32, #tpu.memory_space<hbm>> -> memref<1024x24xf32, #tpu.memory_space<hbm>>
        %dma_wait3A_385 = arith.constant 0 : i32
        %dma_wait3A_386 = tpu.memref_slice %arg4[%mul3A_2, %dma_wait3A_385] : memref<425984x24xf32, #tpu.memory_space<hbm>> -> memref<1024x24xf32, #tpu.memory_space<hbm>>
        tpu.wait_dma2 semaphore(%arg10 : memref<!tpu.dma_semaphore, #tpu.memory_space<semaphore_mem>>) src(%arg6 : memref<1024x24xf32, #tpu.memory_space<vmem>>) dst(%dma_wait3A_386 : memref<1024x24xf32, #tpu.memory_space<hbm>>)
      } else {
      }
      %mul3A_275 = arith.constant 1024 : i32
      %mul3A_276 = arith.muli %mul3A_186, %mul3A_275 : i32
      %add3A_277 = arith.addi %mul3A_2, %mul3A_276 : i32
      %dma_start3A_278 = arith.constant 0 : i32
      %dma_start3A_279 = tpu.memref_slice %arg4[%add3A_277, %dma_start3A_278] : memref<425984x24xf32, #tpu.memory_space<hbm>> -> memref<1024x24xf32, #tpu.memory_space<hbm>>
      %dma_start3A_280 = arith.constant 0 : i32
      %dma_start3A_281 = tpu.memref_slice %arg4[%add3A_277, %dma_start3A_280] : memref<425984x24xf32, #tpu.memory_space<hbm>> -> memref<1024x24xf32, #tpu.memory_space<hbm>>
      tpu.enqueue_dma source(%arg6 : memref<1024x24xf32, #tpu.memory_space<vmem>>) target(%dma_start3A_281 : memref<1024x24xf32, #tpu.memory_space<hbm>>) target_semaphore(%arg10 : memref<!tpu.dma_semaphore, #tpu.memory_space<semaphore_mem>>)
      %add3A_282 = arith.constant 2 : i32
      %add3A_283 = arith.addi %mul3A_186, %add3A_282 : i32
      %lt3A_284 = arith.constant 13 : i32
      %lt3A_285 = arith.cmpi slt, %add3A_283, %lt3A_284 : i32
      %convert_element_type3A_286 = arith.extui %lt3A_285 : i1 to i32
      %cond3A_287 = arith.constant 0 : i32
      %cond3A_288 = arith.cmpi ne, %convert_element_type3A_286, %cond3A_287 : i32
      scf.if %cond3A_288 {
        %mul3A_383 = arith.constant 8 : i32
        %mul3A_384 = arith.muli %add3A_283, %mul3A_383 : i32
        %add3A_385 = arith.constant 0 : i32
        %add3A_386 = arith.addi %mul3A_384, %add3A_385 : i32
        %dma_start3A_387 = arith.constant 0 : i32
        %dma_start3A_388 = arith.constant 0 : i32
        %dma_start3A_389 = tpu.memref_slice %arg6[%dma_start3A_387, %dma_start3A_388] : memref<1024x24xf32, #tpu.memory_space<vmem>> -> memref<128x24xf32, #tpu.memory_space<vmem>>
        %dma_start3A_390 = arith.constant 0 : i32
        %dma_start3A_391 = tpu.memref_slice %arg5[%add3A_386, %dma_start3A_390] : memref<104x128xi32, #tpu.memory_space<vmem>> -> memref<1x128xi32, #tpu.memory_space<vmem>>
        %dma_start3A_392 = tpu.memref_squeeze %dma_start3A_391 : memref<1x128xi32, #tpu.memory_space<vmem>> -> memref<128xi32, #tpu.memory_space<vmem>>
        %dma_start3A_393 = arith.constant 0 : i32
        %dma_start3A_394 = arith.constant 0 : i32
        %dma_start3A_395 = tpu.memref_slice %arg3[%dma_start3A_393, %dma_start3A_394] : memref<2600000x24xf32, #tpu.memory_space<hbm>> -> memref<2600000x24xf32, #tpu.memory_space<hbm>>
        tpu.enqueue_indirect_dma source(%dma_start3A_395 : memref<2600000x24xf32, #tpu.memory_space<hbm>>) target(%dma_start3A_389 : memref<128x24xf32, #tpu.memory_space<vmem>>) offsets(%dma_start3A_392 : memref<128xi32, #tpu.memory_space<vmem>>) semaphore(%arg8 : memref<!tpu.dma_semaphore, #tpu.memory_space<semaphore_mem>>)
        %mul3A_396 = arith.constant 8 : i32
        %mul3A_397 = arith.muli %add3A_283, %mul3A_396 : i32
        %add3A_398 = arith.constant 1 : i32
        %add3A_399 = arith.addi %mul3A_397, %add3A_398 : i32
        %dma_start3A_400 = arith.constant 128 : i32
        %dma_start3A_401 = arith.constant 0 : i32
        %dma_start3A_402 = tpu.memref_slice %arg6[%dma_start3A_400, %dma_start3A_401] : memref<1024x24xf32, #tpu.memory_space<vmem>> -> memref<128x24xf32, #tpu.memory_space<vmem>>
        %dma_start3A_403 = arith.constant 0 : i32
        %dma_start3A_404 = tpu.memref_slice %arg5[%add3A_399, %dma_start3A_403] : memref<104x128xi32, #tpu.memory_space<vmem>> -> memref<1x128xi32, #tpu.memory_space<vmem>>
        %dma_start3A_405 = tpu.memref_squeeze %dma_start3A_404 : memref<1x128xi32, #tpu.memory_space<vmem>> -> memref<128xi32, #tpu.memory_space<vmem>>
        %dma_start3A_406 = arith.constant 0 : i32
        %dma_start3A_407 = arith.constant 0 : i32
        %dma_start3A_408 = tpu.memref_slice %arg3[%dma_start3A_406, %dma_start3A_407] : memref<2600000x24xf32, #tpu.memory_space<hbm>> -> memref<2600000x24xf32, #tpu.memory_space<hbm>>
        tpu.enqueue_indirect_dma source(%dma_start3A_408 : memref<2600000x24xf32, #tpu.memory_space<hbm>>) target(%dma_start3A_402 : memref<128x24xf32, #tpu.memory_space<vmem>>) offsets(%dma_start3A_405 : memref<128xi32, #tpu.memory_space<vmem>>) semaphore(%arg8 : memref<!tpu.dma_semaphore, #tpu.memory_space<semaphore_mem>>)
        %mul3A_409 = arith.constant 8 : i32
        %mul3A_410 = arith.muli %add3A_283, %mul3A_409 : i32
        %add3A_411 = arith.constant 2 : i32
        %add3A_412 = arith.addi %mul3A_410, %add3A_411 : i32
        %dma_start3A_413 = arith.constant 256 : i32
        %dma_start3A_414 = arith.constant 0 : i32
        %dma_start3A_415 = tpu.memref_slice %arg6[%dma_start3A_413, %dma_start3A_414] : memref<1024x24xf32, #tpu.memory_space<vmem>> -> memref<128x24xf32, #tpu.memory_space<vmem>>
        %dma_start3A_416 = arith.constant 0 : i32
        %dma_start3A_417 = tpu.memref_slice %arg5[%add3A_412, %dma_start3A_416] : memref<104x128xi32, #tpu.memory_space<vmem>> -> memref<1x128xi32, #tpu.memory_space<vmem>>
        %dma_start3A_418 = tpu.memref_squeeze %dma_start3A_417 : memref<1x128xi32, #tpu.memory_space<vmem>> -> memref<128xi32, #tpu.memory_space<vmem>>
        %dma_start3A_419 = arith.constant 0 : i32
        %dma_start3A_420 = arith.constant 0 : i32
        %dma_start3A_421 = tpu.memref_slice %arg3[%dma_start3A_419, %dma_start3A_420] : memref<2600000x24xf32, #tpu.memory_space<hbm>> -> memref<2600000x24xf32, #tpu.memory_space<hbm>>
        tpu.enqueue_indirect_dma source(%dma_start3A_421 : memref<2600000x24xf32, #tpu.memory_space<hbm>>) target(%dma_start3A_415 : memref<128x24xf32, #tpu.memory_space<vmem>>) offsets(%dma_start3A_418 : memref<128xi32, #tpu.memory_space<vmem>>) semaphore(%arg8 : memref<!tpu.dma_semaphore, #tpu.memory_space<semaphore_mem>>)
        %mul3A_422 = arith.constant 8 : i32
        %mul3A_423 = arith.muli %add3A_283, %mul3A_422 : i32
        %add3A_424 = arith.constant 3 : i32
        %add3A_425 = arith.addi %mul3A_423, %add3A_424 : i32
        %dma_start3A_426 = arith.constant 384 : i32
        %dma_start3A_427 = arith.constant 0 : i32
        %dma_start3A_428 = tpu.memref_slice %arg6[%dma_start3A_426, %dma_start3A_427] : memref<1024x24xf32, #tpu.memory_space<vmem>> -> memref<128x24xf32, #tpu.memory_space<vmem>>
        %dma_start3A_429 = arith.constant 0 : i32
        %dma_start3A_430 = tpu.memref_slice %arg5[%add3A_425, %dma_start3A_429] : memref<104x128xi32, #tpu.memory_space<vmem>> -> memref<1x128xi32, #tpu.memory_space<vmem>>
        %dma_start3A_431 = tpu.memref_squeeze %dma_start3A_430 : memref<1x128xi32, #tpu.memory_space<vmem>> -> memref<128xi32, #tpu.memory_space<vmem>>
        %dma_start3A_432 = arith.constant 0 : i32
        %dma_start3A_433 = arith.constant 0 : i32
        %dma_start3A_434 = tpu.memref_slice %arg3[%dma_start3A_432, %dma_start3A_433] : memref<2600000x24xf32, #tpu.memory_space<hbm>> -> memref<2600000x24xf32, #tpu.memory_space<hbm>>
        tpu.enqueue_indirect_dma source(%dma_start3A_434 : memref<2600000x24xf32, #tpu.memory_space<hbm>>) target(%dma_start3A_428 : memref<128x24xf32, #tpu.memory_space<vmem>>) offsets(%dma_start3A_431 : memref<128xi32, #tpu.memory_space<vmem>>) semaphore(%arg8 : memref<!tpu.dma_semaphore, #tpu.memory_space<semaphore_mem>>)
        %mul3A_435 = arith.constant 8 : i32
        %mul3A_436 = arith.muli %add3A_283, %mul3A_435 : i32
        %add3A_437 = arith.constant 4 : i32
        %add3A_438 = arith.addi %mul3A_436, %add3A_437 : i32
        %dma_start3A_439 = arith.constant 512 : i32
        %dma_start3A_440 = arith.constant 0 : i32
        %dma_start3A_441 = tpu.memref_slice %arg6[%dma_start3A_439, %dma_start3A_440] : memref<1024x24xf32, #tpu.memory_space<vmem>> -> memref<128x24xf32, #tpu.memory_space<vmem>>
        %dma_start3A_442 = arith.constant 0 : i32
        %dma_start3A_443 = tpu.memref_slice %arg5[%add3A_438, %dma_start3A_442] : memref<104x128xi32, #tpu.memory_space<vmem>> -> memref<1x128xi32, #tpu.memory_space<vmem>>
        %dma_start3A_444 = tpu.memref_squeeze %dma_start3A_443 : memref<1x128xi32, #tpu.memory_space<vmem>> -> memref<128xi32, #tpu.memory_space<vmem>>
        %dma_start3A_445 = arith.constant 0 : i32
        %dma_start3A_446 = arith.constant 0 : i32
        %dma_start3A_447 = tpu.memref_slice %arg3[%dma_start3A_445, %dma_start3A_446] : memref<2600000x24xf32, #tpu.memory_space<hbm>> -> memref<2600000x24xf32, #tpu.memory_space<hbm>>
        tpu.enqueue_indirect_dma source(%dma_start3A_447 : memref<2600000x24xf32, #tpu.memory_space<hbm>>) target(%dma_start3A_441 : memref<128x24xf32, #tpu.memory_space<vmem>>) offsets(%dma_start3A_444 : memref<128xi32, #tpu.memory_space<vmem>>) semaphore(%arg8 : memref<!tpu.dma_semaphore, #tpu.memory_space<semaphore_mem>>)
        %mul3A_448 = arith.constant 8 : i32
        %mul3A_449 = arith.muli %add3A_283, %mul3A_448 : i32
        %add3A_450 = arith.constant 5 : i32
        %add3A_451 = arith.addi %mul3A_449, %add3A_450 : i32
        %dma_start3A_452 = arith.constant 640 : i32
        %dma_start3A_453 = arith.constant 0 : i32
        %dma_start3A_454 = tpu.memref_slice %arg6[%dma_start3A_452, %dma_start3A_453] : memref<1024x24xf32, #tpu.memory_space<vmem>> -> memref<128x24xf32, #tpu.memory_space<vmem>>
        %dma_start3A_455 = arith.constant 0 : i32
        %dma_start3A_456 = tpu.memref_slice %arg5[%add3A_451, %dma_start3A_455] : memref<104x128xi32, #tpu.memory_space<vmem>> -> memref<1x128xi32, #tpu.memory_space<vmem>>
        %dma_start3A_457 = tpu.memref_squeeze %dma_start3A_456 : memref<1x128xi32, #tpu.memory_space<vmem>> -> memref<128xi32, #tpu.memory_space<vmem>>
        %dma_start3A_458 = arith.constant 0 : i32
        %dma_start3A_459 = arith.constant 0 : i32
        %dma_start3A_460 = tpu.memref_slice %arg3[%dma_start3A_458, %dma_start3A_459] : memref<2600000x24xf32, #tpu.memory_space<hbm>> -> memref<2600000x24xf32, #tpu.memory_space<hbm>>
        tpu.enqueue_indirect_dma source(%dma_start3A_460 : memref<2600000x24xf32, #tpu.memory_space<hbm>>) target(%dma_start3A_454 : memref<128x24xf32, #tpu.memory_space<vmem>>) offsets(%dma_start3A_457 : memref<128xi32, #tpu.memory_space<vmem>>) semaphore(%arg8 : memref<!tpu.dma_semaphore, #tpu.memory_space<semaphore_mem>>)
        %mul3A_461 = arith.constant 8 : i32
        %mul3A_462 = arith.muli %add3A_283, %mul3A_461 : i32
        %add3A_463 = arith.constant 6 : i32
        %add3A_464 = arith.addi %mul3A_462, %add3A_463 : i32
        %dma_start3A_465 = arith.constant 768 : i32
        %dma_start3A_466 = arith.constant 0 : i32
        %dma_start3A_467 = tpu.memref_slice %arg6[%dma_start3A_465, %dma_start3A_466] : memref<1024x24xf32, #tpu.memory_space<vmem>> -> memref<128x24xf32, #tpu.memory_space<vmem>>
        %dma_start3A_468 = arith.constant 0 : i32
        %dma_start3A_469 = tpu.memref_slice %arg5[%add3A_464, %dma_start3A_468] : memref<104x128xi32, #tpu.memory_space<vmem>> -> memref<1x128xi32, #tpu.memory_space<vmem>>
        %dma_start3A_470 = tpu.memref_squeeze %dma_start3A_469 : memref<1x128xi32, #tpu.memory_space<vmem>> -> memref<128xi32, #tpu.memory_space<vmem>>
        %dma_start3A_471 = arith.constant 0 : i32
        %dma_start3A_472 = arith.constant 0 : i32
        %dma_start3A_473 = tpu.memref_slice %arg3[%dma_start3A_471, %dma_start3A_472] : memref<2600000x24xf32, #tpu.memory_space<hbm>> -> memref<2600000x24xf32, #tpu.memory_space<hbm>>
        tpu.enqueue_indirect_dma source(%dma_start3A_473 : memref<2600000x24xf32, #tpu.memory_space<hbm>>) target(%dma_start3A_467 : memref<128x24xf32, #tpu.memory_space<vmem>>) offsets(%dma_start3A_470 : memref<128xi32, #tpu.memory_space<vmem>>) semaphore(%arg8 : memref<!tpu.dma_semaphore, #tpu.memory_space<semaphore_mem>>)
        %mul3A_474 = arith.constant 8 : i32
        %mul3A_475 = arith.muli %add3A_283, %mul3A_474 : i32
        %add3A_476 = arith.constant 7 : i32
        %add3A_477 = arith.addi %mul3A_475, %add3A_476 : i32
        %dma_start3A_478 = arith.constant 896 : i32
        %dma_start3A_479 = arith.constant 0 : i32
        %dma_start3A_480 = tpu.memref_slice %arg6[%dma_start3A_478, %dma_start3A_479] : memref<1024x24xf32, #tpu.memory_space<vmem>> -> memref<128x24xf32, #tpu.memory_space<vmem>>
        %dma_start3A_481 = arith.constant 0 : i32
        %dma_start3A_482 = tpu.memref_slice %arg5[%add3A_477, %dma_start3A_481] : memref<104x128xi32, #tpu.memory_space<vmem>> -> memref<1x128xi32, #tpu.memory_space<vmem>>
        %dma_start3A_483 = tpu.memref_squeeze %dma_start3A_482 : memref<1x128xi32, #tpu.memory_space<vmem>> -> memref<128xi32, #tpu.memory_space<vmem>>
        %dma_start3A_484 = arith.constant 0 : i32
        %dma_start3A_485 = arith.constant 0 : i32
        %dma_start3A_486 = tpu.memref_slice %arg3[%dma_start3A_484, %dma_start3A_485] : memref<2600000x24xf32, #tpu.memory_space<hbm>> -> memref<2600000x24xf32, #tpu.memory_space<hbm>>
        tpu.enqueue_indirect_dma source(%dma_start3A_486 : memref<2600000x24xf32, #tpu.memory_space<hbm>>) target(%dma_start3A_480 : memref<128x24xf32, #tpu.memory_space<vmem>>) offsets(%dma_start3A_483 : memref<128xi32, #tpu.memory_space<vmem>>) semaphore(%arg8 : memref<!tpu.dma_semaphore, #tpu.memory_space<semaphore_mem>>)
      } else {
      }
      %dma_wait3A_289 = arith.constant 0 : i32
      %dma_wait3A_290 = arith.constant 0 : i32
      %dma_wait3A_291 = arith.constant 0 : i32
      %dma_wait3A_292 = tpu.memref_slice %arg7[%dma_wait3A_290, %dma_wait3A_291] : memref<1024x24xf32, #tpu.memory_space<vmem>> -> memref<128x24xf32, #tpu.memory_space<vmem>>
      %dma_wait3A_293 = arith.constant 0 : i32
      %dma_wait3A_294 = tpu.memref_slice %arg5[%dma_wait3A_289, %dma_wait3A_293] : memref<104x128xi32, #tpu.memory_space<vmem>> -> memref<1x128xi32, #tpu.memory_space<vmem>>
      %dma_wait3A_295 = tpu.memref_squeeze %dma_wait3A_294 : memref<1x128xi32, #tpu.memory_space<vmem>> -> memref<128xi32, #tpu.memory_space<vmem>>
      %dma_wait3A_296 = arith.constant 0 : i32
      %dma_wait3A_297 = arith.constant 0 : i32
      %dma_wait3A_298 = tpu.memref_slice %arg3[%dma_wait3A_296, %dma_wait3A_297] : memref<2600000x24xf32, #tpu.memory_space<hbm>> -> memref<2600000x24xf32, #tpu.memory_space<hbm>>
      tpu.wait_indirect_dma semaphore(%arg9 : memref<!tpu.dma_semaphore, #tpu.memory_space<semaphore_mem>>) src(%dma_wait3A_298 : memref<2600000x24xf32, #tpu.memory_space<hbm>>) dst(%dma_wait3A_292 : memref<128x24xf32, #tpu.memory_space<vmem>>)
      %dma_wait3A_299 = arith.constant 0 : i32
      %dma_wait3A_300 = arith.constant 128 : i32
      %dma_wait3A_301 = arith.constant 0 : i32
      %dma_wait3A_302 = tpu.memref_slice %arg7[%dma_wait3A_300, %dma_wait3A_301] : memref<1024x24xf32, #tpu.memory_space<vmem>> -> memref<128x24xf32, #tpu.memory_space<vmem>>
      %dma_wait3A_303 = arith.constant 0 : i32
      %dma_wait3A_304 = tpu.memref_slice %arg5[%dma_wait3A_299, %dma_wait3A_303] : memref<104x128xi32, #tpu.memory_space<vmem>> -> memref<1x128xi32, #tpu.memory_space<vmem>>
      %dma_wait3A_305 = tpu.memref_squeeze %dma_wait3A_304 : memref<1x128xi32, #tpu.memory_space<vmem>> -> memref<128xi32, #tpu.memory_space<vmem>>
      %dma_wait3A_306 = arith.constant 0 : i32
      %dma_wait3A_307 = arith.constant 0 : i32
      %dma_wait3A_308 = tpu.memref_slice %arg3[%dma_wait3A_306, %dma_wait3A_307] : memref<2600000x24xf32, #tpu.memory_space<hbm>> -> memref<2600000x24xf32, #tpu.memory_space<hbm>>
      tpu.wait_indirect_dma semaphore(%arg9 : memref<!tpu.dma_semaphore, #tpu.memory_space<semaphore_mem>>) src(%dma_wait3A_308 : memref<2600000x24xf32, #tpu.memory_space<hbm>>) dst(%dma_wait3A_302 : memref<128x24xf32, #tpu.memory_space<vmem>>)
      %dma_wait3A_309 = arith.constant 0 : i32
      %dma_wait3A_310 = arith.constant 256 : i32
      %dma_wait3A_311 = arith.constant 0 : i32
      %dma_wait3A_312 = tpu.memref_slice %arg7[%dma_wait3A_310, %dma_wait3A_311] : memref<1024x24xf32, #tpu.memory_space<vmem>> -> memref<128x24xf32, #tpu.memory_space<vmem>>
      %dma_wait3A_313 = arith.constant 0 : i32
      %dma_wait3A_314 = tpu.memref_slice %arg5[%dma_wait3A_309, %dma_wait3A_313] : memref<104x128xi32, #tpu.memory_space<vmem>> -> memref<1x128xi32, #tpu.memory_space<vmem>>
      %dma_wait3A_315 = tpu.memref_squeeze %dma_wait3A_314 : memref<1x128xi32, #tpu.memory_space<vmem>> -> memref<128xi32, #tpu.memory_space<vmem>>
      %dma_wait3A_316 = arith.constant 0 : i32
      %dma_wait3A_317 = arith.constant 0 : i32
      %dma_wait3A_318 = tpu.memref_slice %arg3[%dma_wait3A_316, %dma_wait3A_317] : memref<2600000x24xf32, #tpu.memory_space<hbm>> -> memref<2600000x24xf32, #tpu.memory_space<hbm>>
      tpu.wait_indirect_dma semaphore(%arg9 : memref<!tpu.dma_semaphore, #tpu.memory_space<semaphore_mem>>) src(%dma_wait3A_318 : memref<2600000x24xf32, #tpu.memory_space<hbm>>) dst(%dma_wait3A_312 : memref<128x24xf32, #tpu.memory_space<vmem>>)
      %dma_wait3A_319 = arith.constant 0 : i32
      %dma_wait3A_320 = arith.constant 384 : i32
      %dma_wait3A_321 = arith.constant 0 : i32
      %dma_wait3A_322 = tpu.memref_slice %arg7[%dma_wait3A_320, %dma_wait3A_321] : memref<1024x24xf32, #tpu.memory_space<vmem>> -> memref<128x24xf32, #tpu.memory_space<vmem>>
      %dma_wait3A_323 = arith.constant 0 : i32
      %dma_wait3A_324 = tpu.memref_slice %arg5[%dma_wait3A_319, %dma_wait3A_323] : memref<104x128xi32, #tpu.memory_space<vmem>> -> memref<1x128xi32, #tpu.memory_space<vmem>>
      %dma_wait3A_325 = tpu.memref_squeeze %dma_wait3A_324 : memref<1x128xi32, #tpu.memory_space<vmem>> -> memref<128xi32, #tpu.memory_space<vmem>>
      %dma_wait3A_326 = arith.constant 0 : i32
      %dma_wait3A_327 = arith.constant 0 : i32
      %dma_wait3A_328 = tpu.memref_slice %arg3[%dma_wait3A_326, %dma_wait3A_327] : memref<2600000x24xf32, #tpu.memory_space<hbm>> -> memref<2600000x24xf32, #tpu.memory_space<hbm>>
      tpu.wait_indirect_dma semaphore(%arg9 : memref<!tpu.dma_semaphore, #tpu.memory_space<semaphore_mem>>) src(%dma_wait3A_328 : memref<2600000x24xf32, #tpu.memory_space<hbm>>) dst(%dma_wait3A_322 : memref<128x24xf32, #tpu.memory_space<vmem>>)
      %dma_wait3A_329 = arith.constant 0 : i32
      %dma_wait3A_330 = arith.constant 512 : i32
      %dma_wait3A_331 = arith.constant 0 : i32
      %dma_wait3A_332 = tpu.memref_slice %arg7[%dma_wait3A_330, %dma_wait3A_331] : memref<1024x24xf32, #tpu.memory_space<vmem>> -> memref<128x24xf32, #tpu.memory_space<vmem>>
      %dma_wait3A_333 = arith.constant 0 : i32
      %dma_wait3A_334 = tpu.memref_slice %arg5[%dma_wait3A_329, %dma_wait3A_333] : memref<104x128xi32, #tpu.memory_space<vmem>> -> memref<1x128xi32, #tpu.memory_space<vmem>>
      %dma_wait3A_335 = tpu.memref_squeeze %dma_wait3A_334 : memref<1x128xi32, #tpu.memory_space<vmem>> -> memref<128xi32, #tpu.memory_space<vmem>>
      %dma_wait3A_336 = arith.constant 0 : i32
      %dma_wait3A_337 = arith.constant 0 : i32
      %dma_wait3A_338 = tpu.memref_slice %arg3[%dma_wait3A_336, %dma_wait3A_337] : memref<2600000x24xf32, #tpu.memory_space<hbm>> -> memref<2600000x24xf32, #tpu.memory_space<hbm>>
      tpu.wait_indirect_dma semaphore(%arg9 : memref<!tpu.dma_semaphore, #tpu.memory_space<semaphore_mem>>) src(%dma_wait3A_338 : memref<2600000x24xf32, #tpu.memory_space<hbm>>) dst(%dma_wait3A_332 : memref<128x24xf32, #tpu.memory_space<vmem>>)
      %dma_wait3A_339 = arith.constant 0 : i32
      %dma_wait3A_340 = arith.constant 640 : i32
      %dma_wait3A_341 = arith.constant 0 : i32
      %dma_wait3A_342 = tpu.memref_slice %arg7[%dma_wait3A_340, %dma_wait3A_341] : memref<1024x24xf32, #tpu.memory_space<vmem>> -> memref<128x24xf32, #tpu.memory_space<vmem>>
      %dma_wait3A_343 = arith.constant 0 : i32
      %dma_wait3A_344 = tpu.memref_slice %arg5[%dma_wait3A_339, %dma_wait3A_343] : memref<104x128xi32, #tpu.memory_space<vmem>> -> memref<1x128xi32, #tpu.memory_space<vmem>>
      %dma_wait3A_345 = tpu.memref_squeeze %dma_wait3A_344 : memref<1x128xi32, #tpu.memory_space<vmem>> -> memref<128xi32, #tpu.memory_space<vmem>>
      %dma_wait3A_346 = arith.constant 0 : i32
      %dma_wait3A_347 = arith.constant 0 : i32
      %dma_wait3A_348 = tpu.memref_slice %arg3[%dma_wait3A_346, %dma_wait3A_347] : memref<2600000x24xf32, #tpu.memory_space<hbm>> -> memref<2600000x24xf32, #tpu.memory_space<hbm>>
      tpu.wait_indirect_dma semaphore(%arg9 : memref<!tpu.dma_semaphore, #tpu.memory_space<semaphore_mem>>) src(%dma_wait3A_348 : memref<2600000x24xf32, #tpu.memory_space<hbm>>) dst(%dma_wait3A_342 : memref<128x24xf32, #tpu.memory_space<vmem>>)
      %dma_wait3A_349 = arith.constant 0 : i32
      %dma_wait3A_350 = arith.constant 768 : i32
      %dma_wait3A_351 = arith.constant 0 : i32
      %dma_wait3A_352 = tpu.memref_slice %arg7[%dma_wait3A_350, %dma_wait3A_351] : memref<1024x24xf32, #tpu.memory_space<vmem>> -> memref<128x24xf32, #tpu.memory_space<vmem>>
      %dma_wait3A_353 = arith.constant 0 : i32
      %dma_wait3A_354 = tpu.memref_slice %arg5[%dma_wait3A_349, %dma_wait3A_353] : memref<104x128xi32, #tpu.memory_space<vmem>> -> memref<1x128xi32, #tpu.memory_space<vmem>>
      %dma_wait3A_355 = tpu.memref_squeeze %dma_wait3A_354 : memref<1x128xi32, #tpu.memory_space<vmem>> -> memref<128xi32, #tpu.memory_space<vmem>>
      %dma_wait3A_356 = arith.constant 0 : i32
      %dma_wait3A_357 = arith.constant 0 : i32
      %dma_wait3A_358 = tpu.memref_slice %arg3[%dma_wait3A_356, %dma_wait3A_357] : memref<2600000x24xf32, #tpu.memory_space<hbm>> -> memref<2600000x24xf32, #tpu.memory_space<hbm>>
      tpu.wait_indirect_dma semaphore(%arg9 : memref<!tpu.dma_semaphore, #tpu.memory_space<semaphore_mem>>) src(%dma_wait3A_358 : memref<2600000x24xf32, #tpu.memory_space<hbm>>) dst(%dma_wait3A_352 : memref<128x24xf32, #tpu.memory_space<vmem>>)
      %dma_wait3A_359 = arith.constant 0 : i32
      %dma_wait3A_360 = arith.constant 896 : i32
      %dma_wait3A_361 = arith.constant 0 : i32
      %dma_wait3A_362 = tpu.memref_slice %arg7[%dma_wait3A_360, %dma_wait3A_361] : memref<1024x24xf32, #tpu.memory_space<vmem>> -> memref<128x24xf32, #tpu.memory_space<vmem>>
      %dma_wait3A_363 = arith.constant 0 : i32
      %dma_wait3A_364 = tpu.memref_slice %arg5[%dma_wait3A_359, %dma_wait3A_363] : memref<104x128xi32, #tpu.memory_space<vmem>> -> memref<1x128xi32, #tpu.memory_space<vmem>>
      %dma_wait3A_365 = tpu.memref_squeeze %dma_wait3A_364 : memref<1x128xi32, #tpu.memory_space<vmem>> -> memref<128xi32, #tpu.memory_space<vmem>>
      %dma_wait3A_366 = arith.constant 0 : i32
      %dma_wait3A_367 = arith.constant 0 : i32
      %dma_wait3A_368 = tpu.memref_slice %arg3[%dma_wait3A_366, %dma_wait3A_367] : memref<2600000x24xf32, #tpu.memory_space<hbm>> -> memref<2600000x24xf32, #tpu.memory_space<hbm>>
      tpu.wait_indirect_dma semaphore(%arg9 : memref<!tpu.dma_semaphore, #tpu.memory_space<semaphore_mem>>) src(%dma_wait3A_368 : memref<2600000x24xf32, #tpu.memory_space<hbm>>) dst(%dma_wait3A_362 : memref<128x24xf32, #tpu.memory_space<vmem>>)
      %ge3A_369 = arith.constant 1 : i32
      %ge3A_370 = arith.cmpi sge, %scan3A_184, %ge3A_369 : i32
      %convert_element_type3A_371 = arith.extui %ge3A_370 : i1 to i32
      %cond3A_372 = arith.constant 0 : i32
      %cond3A_373 = arith.cmpi ne, %convert_element_type3A_371, %cond3A_372 : i32
      scf.if %cond3A_373 {
        %dma_wait3A_383 = arith.constant 0 : i32
        %dma_wait3A_384 = tpu.memref_slice %arg4[%mul3A_2, %dma_wait3A_383] : memref<425984x24xf32, #tpu.memory_space<hbm>> -> memref<1024x24xf32, #tpu.memory_space<hbm>>
        %dma_wait3A_385 = arith.constant 0 : i32
        %dma_wait3A_386 = tpu.memref_slice %arg4[%mul3A_2, %dma_wait3A_385] : memref<425984x24xf32, #tpu.memory_space<hbm>> -> memref<1024x24xf32, #tpu.memory_space<hbm>>
        tpu.wait_dma2 semaphore(%arg11 : memref<!tpu.dma_semaphore, #tpu.memory_space<semaphore_mem>>) src(%arg7 : memref<1024x24xf32, #tpu.memory_space<vmem>>) dst(%dma_wait3A_386 : memref<1024x24xf32, #tpu.memory_space<hbm>>)
      } else {
      }
      %add3A_374 = arith.constant 1 : i32
      %add3A_375 = arith.addi %mul3A_186, %add3A_374 : i32
      %mul3A_376 = arith.constant 1024 : i32
      %mul3A_377 = arith.muli %add3A_375, %mul3A_376 : i32
      %add3A_378 = arith.addi %mul3A_2, %mul3A_377 : i32
      %dma_start3A_379 = arith.constant 0 : i32
      %dma_start3A_380 = tpu.memref_slice %arg4[%add3A_378, %dma_start3A_379] : memref<425984x24xf32, #tpu.memory_space<hbm>> -> memref<1024x24xf32, #tpu.memory_space<hbm>>
      %dma_start3A_381 = arith.constant 0 : i32
      %dma_start3A_382 = tpu.memref_slice %arg4[%add3A_378, %dma_start3A_381] : memref<425984x24xf32, #tpu.memory_space<hbm>> -> memref<1024x24xf32, #tpu.memory_space<hbm>>
      tpu.enqueue_dma source(%arg7 : memref<1024x24xf32, #tpu.memory_space<vmem>>) target(%dma_start3A_382 : memref<1024x24xf32, #tpu.memory_space<hbm>>) target_semaphore(%arg11 : memref<!tpu.dma_semaphore, #tpu.memory_space<semaphore_mem>>)
    }
    %scan3A_86 = arith.constant 6 : i32
    %dma_wait3A = arith.constant 0 : i32
    %dma_wait3A_87 = arith.constant 0 : i32
    %dma_wait3A_88 = arith.constant 0 : i32
    %dma_wait3A_89 = tpu.memref_slice %arg6[%dma_wait3A_87, %dma_wait3A_88] : memref<1024x24xf32, #tpu.memory_space<vmem>> -> memref<128x24xf32, #tpu.memory_space<vmem>>
    %dma_wait3A_90 = arith.constant 0 : i32
    %dma_wait3A_91 = tpu.memref_slice %arg5[%dma_wait3A, %dma_wait3A_90] : memref<104x128xi32, #tpu.memory_space<vmem>> -> memref<1x128xi32, #tpu.memory_space<vmem>>
    %dma_wait3A_92 = tpu.memref_squeeze %dma_wait3A_91 : memref<1x128xi32, #tpu.memory_space<vmem>> -> memref<128xi32, #tpu.memory_space<vmem>>
    %dma_wait3A_93 = arith.constant 0 : i32
    %dma_wait3A_94 = arith.constant 0 : i32
    %dma_wait3A_95 = tpu.memref_slice %arg3[%dma_wait3A_93, %dma_wait3A_94] : memref<2600000x24xf32, #tpu.memory_space<hbm>> -> memref<2600000x24xf32, #tpu.memory_space<hbm>>
    tpu.wait_indirect_dma semaphore(%arg8 : memref<!tpu.dma_semaphore, #tpu.memory_space<semaphore_mem>>) src(%dma_wait3A_95 : memref<2600000x24xf32, #tpu.memory_space<hbm>>) dst(%dma_wait3A_89 : memref<128x24xf32, #tpu.memory_space<vmem>>)
    %dma_wait3A_96 = arith.constant 0 : i32
    %dma_wait3A_97 = arith.constant 128 : i32
    %dma_wait3A_98 = arith.constant 0 : i32
    %dma_wait3A_99 = tpu.memref_slice %arg6[%dma_wait3A_97, %dma_wait3A_98] : memref<1024x24xf32, #tpu.memory_space<vmem>> -> memref<128x24xf32, #tpu.memory_space<vmem>>
    %dma_wait3A_100 = arith.constant 0 : i32
    %dma_wait3A_101 = tpu.memref_slice %arg5[%dma_wait3A_96, %dma_wait3A_100] : memref<104x128xi32, #tpu.memory_space<vmem>> -> memref<1x128xi32, #tpu.memory_space<vmem>>
    %dma_wait3A_102 = tpu.memref_squeeze %dma_wait3A_101 : memref<1x128xi32, #tpu.memory_space<vmem>> -> memref<128xi32, #tpu.memory_space<vmem>>
    %dma_wait3A_103 = arith.constant 0 : i32
    %dma_wait3A_104 = arith.constant 0 : i32
    %dma_wait3A_105 = tpu.memref_slice %arg3[%dma_wait3A_103, %dma_wait3A_104] : memref<2600000x24xf32, #tpu.memory_space<hbm>> -> memref<2600000x24xf32, #tpu.memory_space<hbm>>
    tpu.wait_indirect_dma semaphore(%arg8 : memref<!tpu.dma_semaphore, #tpu.memory_space<semaphore_mem>>) src(%dma_wait3A_105 : memref<2600000x24xf32, #tpu.memory_space<hbm>>) dst(%dma_wait3A_99 : memref<128x24xf32, #tpu.memory_space<vmem>>)
    %dma_wait3A_106 = arith.constant 0 : i32
    %dma_wait3A_107 = arith.constant 256 : i32
    %dma_wait3A_108 = arith.constant 0 : i32
    %dma_wait3A_109 = tpu.memref_slice %arg6[%dma_wait3A_107, %dma_wait3A_108] : memref<1024x24xf32, #tpu.memory_space<vmem>> -> memref<128x24xf32, #tpu.memory_space<vmem>>
    %dma_wait3A_110 = arith.constant 0 : i32
    %dma_wait3A_111 = tpu.memref_slice %arg5[%dma_wait3A_106, %dma_wait3A_110] : memref<104x128xi32, #tpu.memory_space<vmem>> -> memref<1x128xi32, #tpu.memory_space<vmem>>
    %dma_wait3A_112 = tpu.memref_squeeze %dma_wait3A_111 : memref<1x128xi32, #tpu.memory_space<vmem>> -> memref<128xi32, #tpu.memory_space<vmem>>
    %dma_wait3A_113 = arith.constant 0 : i32
    %dma_wait3A_114 = arith.constant 0 : i32
    %dma_wait3A_115 = tpu.memref_slice %arg3[%dma_wait3A_113, %dma_wait3A_114] : memref<2600000x24xf32, #tpu.memory_space<hbm>> -> memref<2600000x24xf32, #tpu.memory_space<hbm>>
    tpu.wait_indirect_dma semaphore(%arg8 : memref<!tpu.dma_semaphore, #tpu.memory_space<semaphore_mem>>) src(%dma_wait3A_115 : memref<2600000x24xf32, #tpu.memory_space<hbm>>) dst(%dma_wait3A_109 : memref<128x24xf32, #tpu.memory_space<vmem>>)
    %dma_wait3A_116 = arith.constant 0 : i32
    %dma_wait3A_117 = arith.constant 384 : i32
    %dma_wait3A_118 = arith.constant 0 : i32
    %dma_wait3A_119 = tpu.memref_slice %arg6[%dma_wait3A_117, %dma_wait3A_118] : memref<1024x24xf32, #tpu.memory_space<vmem>> -> memref<128x24xf32, #tpu.memory_space<vmem>>
    %dma_wait3A_120 = arith.constant 0 : i32
    %dma_wait3A_121 = tpu.memref_slice %arg5[%dma_wait3A_116, %dma_wait3A_120] : memref<104x128xi32, #tpu.memory_space<vmem>> -> memref<1x128xi32, #tpu.memory_space<vmem>>
    %dma_wait3A_122 = tpu.memref_squeeze %dma_wait3A_121 : memref<1x128xi32, #tpu.memory_space<vmem>> -> memref<128xi32, #tpu.memory_space<vmem>>
    %dma_wait3A_123 = arith.constant 0 : i32
    %dma_wait3A_124 = arith.constant 0 : i32
    %dma_wait3A_125 = tpu.memref_slice %arg3[%dma_wait3A_123, %dma_wait3A_124] : memref<2600000x24xf32, #tpu.memory_space<hbm>> -> memref<2600000x24xf32, #tpu.memory_space<hbm>>
    tpu.wait_indirect_dma semaphore(%arg8 : memref<!tpu.dma_semaphore, #tpu.memory_space<semaphore_mem>>) src(%dma_wait3A_125 : memref<2600000x24xf32, #tpu.memory_space<hbm>>) dst(%dma_wait3A_119 : memref<128x24xf32, #tpu.memory_space<vmem>>)
    %dma_wait3A_126 = arith.constant 0 : i32
    %dma_wait3A_127 = arith.constant 512 : i32
    %dma_wait3A_128 = arith.constant 0 : i32
    %dma_wait3A_129 = tpu.memref_slice %arg6[%dma_wait3A_127, %dma_wait3A_128] : memref<1024x24xf32, #tpu.memory_space<vmem>> -> memref<128x24xf32, #tpu.memory_space<vmem>>
    %dma_wait3A_130 = arith.constant 0 : i32
    %dma_wait3A_131 = tpu.memref_slice %arg5[%dma_wait3A_126, %dma_wait3A_130] : memref<104x128xi32, #tpu.memory_space<vmem>> -> memref<1x128xi32, #tpu.memory_space<vmem>>
    %dma_wait3A_132 = tpu.memref_squeeze %dma_wait3A_131 : memref<1x128xi32, #tpu.memory_space<vmem>> -> memref<128xi32, #tpu.memory_space<vmem>>
    %dma_wait3A_133 = arith.constant 0 : i32
    %dma_wait3A_134 = arith.constant 0 : i32
    %dma_wait3A_135 = tpu.memref_slice %arg3[%dma_wait3A_133, %dma_wait3A_134] : memref<2600000x24xf32, #tpu.memory_space<hbm>> -> memref<2600000x24xf32, #tpu.memory_space<hbm>>
    tpu.wait_indirect_dma semaphore(%arg8 : memref<!tpu.dma_semaphore, #tpu.memory_space<semaphore_mem>>) src(%dma_wait3A_135 : memref<2600000x24xf32, #tpu.memory_space<hbm>>) dst(%dma_wait3A_129 : memref<128x24xf32, #tpu.memory_space<vmem>>)
    %dma_wait3A_136 = arith.constant 0 : i32
    %dma_wait3A_137 = arith.constant 640 : i32
    %dma_wait3A_138 = arith.constant 0 : i32
    %dma_wait3A_139 = tpu.memref_slice %arg6[%dma_wait3A_137, %dma_wait3A_138] : memref<1024x24xf32, #tpu.memory_space<vmem>> -> memref<128x24xf32, #tpu.memory_space<vmem>>
    %dma_wait3A_140 = arith.constant 0 : i32
    %dma_wait3A_141 = tpu.memref_slice %arg5[%dma_wait3A_136, %dma_wait3A_140] : memref<104x128xi32, #tpu.memory_space<vmem>> -> memref<1x128xi32, #tpu.memory_space<vmem>>
    %dma_wait3A_142 = tpu.memref_squeeze %dma_wait3A_141 : memref<1x128xi32, #tpu.memory_space<vmem>> -> memref<128xi32, #tpu.memory_space<vmem>>
    %dma_wait3A_143 = arith.constant 0 : i32
    %dma_wait3A_144 = arith.constant 0 : i32
    %dma_wait3A_145 = tpu.memref_slice %arg3[%dma_wait3A_143, %dma_wait3A_144] : memref<2600000x24xf32, #tpu.memory_space<hbm>> -> memref<2600000x24xf32, #tpu.memory_space<hbm>>
    tpu.wait_indirect_dma semaphore(%arg8 : memref<!tpu.dma_semaphore, #tpu.memory_space<semaphore_mem>>) src(%dma_wait3A_145 : memref<2600000x24xf32, #tpu.memory_space<hbm>>) dst(%dma_wait3A_139 : memref<128x24xf32, #tpu.memory_space<vmem>>)
    %dma_wait3A_146 = arith.constant 0 : i32
    %dma_wait3A_147 = arith.constant 768 : i32
    %dma_wait3A_148 = arith.constant 0 : i32
    %dma_wait3A_149 = tpu.memref_slice %arg6[%dma_wait3A_147, %dma_wait3A_148] : memref<1024x24xf32, #tpu.memory_space<vmem>> -> memref<128x24xf32, #tpu.memory_space<vmem>>
    %dma_wait3A_150 = arith.constant 0 : i32
    %dma_wait3A_151 = tpu.memref_slice %arg5[%dma_wait3A_146, %dma_wait3A_150] : memref<104x128xi32, #tpu.memory_space<vmem>> -> memref<1x128xi32, #tpu.memory_space<vmem>>
    %dma_wait3A_152 = tpu.memref_squeeze %dma_wait3A_151 : memref<1x128xi32, #tpu.memory_space<vmem>> -> memref<128xi32, #tpu.memory_space<vmem>>
    %dma_wait3A_153 = arith.constant 0 : i32
    %dma_wait3A_154 = arith.constant 0 : i32
    %dma_wait3A_155 = tpu.memref_slice %arg3[%dma_wait3A_153, %dma_wait3A_154] : memref<2600000x24xf32, #tpu.memory_space<hbm>> -> memref<2600000x24xf32, #tpu.memory_space<hbm>>
    tpu.wait_indirect_dma semaphore(%arg8 : memref<!tpu.dma_semaphore, #tpu.memory_space<semaphore_mem>>) src(%dma_wait3A_155 : memref<2600000x24xf32, #tpu.memory_space<hbm>>) dst(%dma_wait3A_149 : memref<128x24xf32, #tpu.memory_space<vmem>>)
    %dma_wait3A_156 = arith.constant 0 : i32
    %dma_wait3A_157 = arith.constant 896 : i32
    %dma_wait3A_158 = arith.constant 0 : i32
    %dma_wait3A_159 = tpu.memref_slice %arg6[%dma_wait3A_157, %dma_wait3A_158] : memref<1024x24xf32, #tpu.memory_space<vmem>> -> memref<128x24xf32, #tpu.memory_space<vmem>>
    %dma_wait3A_160 = arith.constant 0 : i32
    %dma_wait3A_161 = tpu.memref_slice %arg5[%dma_wait3A_156, %dma_wait3A_160] : memref<104x128xi32, #tpu.memory_space<vmem>> -> memref<1x128xi32, #tpu.memory_space<vmem>>
    %dma_wait3A_162 = tpu.memref_squeeze %dma_wait3A_161 : memref<1x128xi32, #tpu.memory_space<vmem>> -> memref<128xi32, #tpu.memory_space<vmem>>
    %dma_wait3A_163 = arith.constant 0 : i32
    %dma_wait3A_164 = arith.constant 0 : i32
    %dma_wait3A_165 = tpu.memref_slice %arg3[%dma_wait3A_163, %dma_wait3A_164] : memref<2600000x24xf32, #tpu.memory_space<hbm>> -> memref<2600000x24xf32, #tpu.memory_space<hbm>>
    tpu.wait_indirect_dma semaphore(%arg8 : memref<!tpu.dma_semaphore, #tpu.memory_space<semaphore_mem>>) src(%dma_wait3A_165 : memref<2600000x24xf32, #tpu.memory_space<hbm>>) dst(%dma_wait3A_159 : memref<128x24xf32, #tpu.memory_space<vmem>>)
    %dma_wait3A_166 = arith.constant 0 : i32
    %dma_wait3A_167 = tpu.memref_slice %arg4[%mul3A_2, %dma_wait3A_166] : memref<425984x24xf32, #tpu.memory_space<hbm>> -> memref<1024x24xf32, #tpu.memory_space<hbm>>
    %dma_wait3A_168 = arith.constant 0 : i32
    %dma_wait3A_169 = tpu.memref_slice %arg4[%mul3A_2, %dma_wait3A_168] : memref<425984x24xf32, #tpu.memory_space<hbm>> -> memref<1024x24xf32, #tpu.memory_space<hbm>>
    tpu.wait_dma2 semaphore(%arg10 : memref<!tpu.dma_semaphore, #tpu.memory_space<semaphore_mem>>) src(%arg6 : memref<1024x24xf32, #tpu.memory_space<vmem>>) dst(%dma_wait3A_169 : memref<1024x24xf32, #tpu.memory_space<hbm>>)
    %add3A_170 = arith.constant 12288 : i32
    %add3A_171 = arith.addi %mul3A_2, %add3A_170 : i32
    %dma_start3A_172 = arith.constant 0 : i32
    %dma_start3A_173 = tpu.memref_slice %arg4[%add3A_171, %dma_start3A_172] : memref<425984x24xf32, #tpu.memory_space<hbm>> -> memref<1024x24xf32, #tpu.memory_space<hbm>>
    %dma_start3A_174 = arith.constant 0 : i32
    %dma_start3A_175 = tpu.memref_slice %arg4[%add3A_171, %dma_start3A_174] : memref<425984x24xf32, #tpu.memory_space<hbm>> -> memref<1024x24xf32, #tpu.memory_space<hbm>>
    tpu.enqueue_dma source(%arg6 : memref<1024x24xf32, #tpu.memory_space<vmem>>) target(%dma_start3A_175 : memref<1024x24xf32, #tpu.memory_space<hbm>>) target_semaphore(%arg10 : memref<!tpu.dma_semaphore, #tpu.memory_space<semaphore_mem>>)
    %dma_wait3A_176 = arith.constant 0 : i32
    %dma_wait3A_177 = tpu.memref_slice %arg4[%mul3A_2, %dma_wait3A_176] : memref<425984x24xf32, #tpu.memory_space<hbm>> -> memref<1024x24xf32, #tpu.memory_space<hbm>>
    %dma_wait3A_178 = arith.constant 0 : i32
    %dma_wait3A_179 = tpu.memref_slice %arg4[%mul3A_2, %dma_wait3A_178] : memref<425984x24xf32, #tpu.memory_space<hbm>> -> memref<1024x24xf32, #tpu.memory_space<hbm>>
    tpu.wait_dma2 semaphore(%arg11 : memref<!tpu.dma_semaphore, #tpu.memory_space<semaphore_mem>>) src(%arg7 : memref<1024x24xf32, #tpu.memory_space<vmem>>) dst(%dma_wait3A_179 : memref<1024x24xf32, #tpu.memory_space<hbm>>)
    %dma_wait3A_180 = arith.constant 0 : i32
    %dma_wait3A_181 = tpu.memref_slice %arg4[%mul3A_2, %dma_wait3A_180] : memref<425984x24xf32, #tpu.memory_space<hbm>> -> memref<1024x24xf32, #tpu.memory_space<hbm>>
    %dma_wait3A_182 = arith.constant 0 : i32
    %dma_wait3A_183 = tpu.memref_slice %arg4[%mul3A_2, %dma_wait3A_182] : memref<425984x24xf32, #tpu.memory_space<hbm>> -> memref<1024x24xf32, #tpu.memory_space<hbm>>
    tpu.wait_dma2 semaphore(%arg10 : memref<!tpu.dma_semaphore, #tpu.memory_space<semaphore_mem>>) src(%arg6 : memref<1024x24xf32, #tpu.memory_space<vmem>>) dst(%dma_wait3A_183 : memref<1024x24xf32, #tpu.memory_space<hbm>>)
    return
  }
}

</mosaic_0001>

<sc_bundles>
// kernel: _cat_embed.4.cloned.1.call-start
scs
__scs_entry_jumppad:
0x0: {  	(pc) =	sbr.rel $0x88, $3  }
0x1: {  	(tag) =	ssettag $0x0;
	lr =	simm.s32 $0x1  }
0x2: {  	[smem:$0x3F9F] =	sst lr;
	_ =	strace $0xD0000000  }
0x3: {  	_ = 	snop  }
0x4: {  	_ = 	snop  }
0x5: {  	_ = 	snop  }
0x6: {  	_ = 	snop  }
0x7: {  	_ = 	snop  }
__scs_overlays_trampoline_lowered:
0x8: {  	[smem:$0x3FAE] =	sst s0  }
0x9: {  	[smem:$0x3FAF] =	sst s1  }
0xa: {  	[smem:$0x3FB0] =	sst s2  }
0xb: {  	[smem:$0x3FB1] =	sst s3  }
0xc: {  	[smem:$0x3FB2] =	sst s4  }
0xd: {  	[smem:$0x3FB3] =	sst s5  }
0xe: {  	[smem:$0x3FB4] =	sst s6  }
0xf: {  	[smem:$0x3FB5] =	sst s7  }
0x10: {  	[smem:$0x3FB6] =	sst s8  }
0x11: {  	[smem:$0x3FB7] =	sst s9;
	s0 =	simm.s32 @!p0 $0x0  }
0x12: {  	s1 =	sld [smem:$0x3F9D];
	s0 =	simm.s32 @p0 $0x1  }
0x13: {  	[smem:$0x3FB8] =	sst s0;
	s0 =	simm.s32 @!p1 $0x0  }
0x14: {  	s2 =	sld [smem:$0x3F9C];
	s0 =	simm.s32 @p1 $0x1  }
0x15: {  	[smem:$0x3FB9] =	sst s0;
	s0 =	simm.s32 @!p2 $0x0  }
0x16: {  	s3 =	sld [smem:$0x3FDB];
	s0 =	simm.s32 @p2 $0x1  }
0x17: {  	s4 =	simm.s32 $0x1BF5;
	[smem:$0x3FBB] =	sst s0  }
0x18: {  	s0 =	sld [smem:$0x3F9E];
	_ =	swait.ge [sflag:s4], $0x0  }
0x19: {  	s7 =	sld [smem:$0x3F9F]  }
0x1a: {  	s8 =	sadd.s32 $0xFFFFE003, lr  }
0x1b: {  	s9 =	sadd.s32 $0xFFFFFEF7, lr;
	s5 =	simm.s32 $0xFFFFFFFF;
	p2 =	slt.u32 s8, $0xFFFFF086  }
0x1c: {  	p1 =	slt.u32 s9, $0xF7A;
	s5 =	simm.s32 @!p2 $0x0  }
0x1d: {  	s5 =	simm.s32 @p1 $0x1;
	p0 =	seq.s32 s7, s2  }
0x1e: {  	s7 =	smul.u32 @!p0 $0xF7A, s2;
	p2 =	seq.s32 @!p0 s5, $0x0  }
0x1f: {  	s9 =	smul.u32 $0xF7A, s1;
	s8 =	simm.s32 @!p0 $0x1BF5;
	p2 =	por !p2, p0  }
0x20: {  	[sflag:s8] =	ssyncset.s32 @!p0 $0xFFFFF086;
	s6 =	sadd.s32 @!p0 s3, s7;
	s7 =	simm.s32 @!p0 $0x108  }
0x21: {  	s3 =	sadd.s32 s3, s9;
	s6 =	sadd.s32 @!p0 $0x88, s6;
	s7 =	simm.s32 @p2 $0x1082  }
0x22: {  	[simem:s7], [sflag:s8] =	dma.local @!p0 [hbm:s6], $0xF7A  }
0x23: {  	s9 =	sor.u32 $0xD0000000, s2;
	s6 =	simm.s32 $0x108;
	_ =	swait.ge @!p0 [sflag:s8], $0x0  }
0x24: {  	s3 =	sadd.s32 $0x88, s3;
	s6 =	simm.s32 @!p1 $0x1082;
	[sflag:s4] =	ssyncset.s32 $0xFFFFF086  }
0x25: {  	[simem:s6], [sflag:s4] =	dma.local [hbm:s3], $0xF7A  }
0x26: {  	[smem:$0x3F9F] =	sst s1;
	(tag) =	ssettag s2;
	_ =	strace s9  }
0x27: {  	s1 =	sld [smem:$0x3FAF]  }
0x28: {  	s2 =	sld [smem:$0x3FB0]  }
0x29: {  	s4 =	sld [smem:$0x3FB2]  }
0x2a: {  	p0 =	seq.s32 s5, $0x0;
	s5 =	sld [smem:$0x3FB3]  }
0x2b: {  	s6 =	sld [smem:$0x3FB4]  }
0x2c: {  	s7 =	sld [smem:$0x3FB5]  }
0x2d: {  	s3 =	simm.s32 $0x108;
	s8 =	sld [smem:$0x3FB6]  }
0x2e: {  	s3 =	simm.s32 @!p0 $0x1082;
	s9 =	sld [smem:$0x3FB7]  }
0x2f: {  	lr =	sadd.s32 s0, s3;
	s0 =	sld [smem:$0x3FAE]  }
0x30: {  	s3 =	sld [smem:$0x3FB1]  }
0x31: {  	[smem:$0x3FBA] =	sst s10  }
0x32: {  	s10 =	sld [smem:$0x3FB8];
	_ =	sdelay $0x3  }
0x33: {  	p0 =	seq.s32 s10, $0x1;
	s10 =	sld [smem:$0x3FBA];
	_ =	sdelay $0x3  }
0x34: {  	[smem:$0x3FBA] =	sst s10  }
0x35: {  	s10 =	sld [smem:$0x3FB9];
	_ =	sdelay $0x3  }
0x36: {  	p1 =	seq.s32 s10, $0x1;
	s10 =	sld [smem:$0x3FBA];
	_ =	sdelay $0x3  }
0x37: {  	[smem:$0x3FBA] =	sst s10  }
0x38: {  	s10 =	sld [smem:$0x3FBB]  }
0x39: {  	_ = 	snop;
	(pc) =	sbr.ind lr, $3  }
0x3a: {  	_ = 	snop  }
0x3b: {  	_ = 	snop  }
0x3c: {  	p2 =	seq.s32 s10, $0x1;
	s10 =	sld [smem:$0x3FBA]  }
0x3d: {  	_ =	shalt  }
0x3e: {  	_ =	shalt  }
0x3f: {  	_ =	shalt  }
0x40: {  	_ =	shalt  }
0x41: {  	_ =	shalt  }
0x42: {  	_ =	shalt  }
0x43: {  	_ =	shalt  }
0x44: {  	_ =	shalt  }
0x45: {  	_ =	shalt  }
0x46: {  	_ =	shalt  }
0x47: {  	_ =	shalt  }
0x48: {  	_ =	shalt  }
0x49: {  	_ =	shalt  }
0x4a: {  	_ =	shalt  }
0x4b: {  	_ =	shalt  }
0x4c: {  	_ =	shalt  }
0x4d: {  	_ =	shalt  }
0x4e: {  	_ =	shalt  }
0x4f: {  	_ =	shalt  }
0x50: {  	_ =	shalt  }
0x51: {  	_ =	shalt  }
0x52: {  	_ =	shalt  }
0x53: {  	_ =	shalt  }
0x54: {  	_ =	shalt  }
0x55: {  	_ =	shalt  }
0x56: {  	_ =	shalt  }
0x57: {  	_ =	shalt  }
0x58: {  	_ =	shalt  }
0x59: {  	_ =	shalt  }
0x5a: {  	_ =	shalt  }
0x5b: {  	_ =	shalt  }
0x5c: {  	_ =	shalt  }
0x5d: {  	_ =	shalt  }
0x5e: {  	_ =	shalt  }
0x5f: {  	_ =	shalt  }
0x60: {  	_ =	shalt  }
0x61: {  	_ =	shalt  }
0x62: {  	_ =	shalt  }
0x63: {  	_ =	shalt  }
0x64: {  	_ =	shalt  }
0x65: {  	_ =	shalt  }
0x66: {  	_ =	shalt  }
0x67: {  	_ =	shalt  }
0x68: {  	_ =	shalt  }
0x69: {  	_ =	shalt  }
0x6a: {  	_ =	shalt  }
0x6b: {  	_ =	shalt  }
0x6c: {  	_ =	shalt  }
0x6d: {  	_ =	shalt  }
0x6e: {  	_ =	shalt  }
0x6f: {  	_ =	shalt  }
0x70: {  	_ =	shalt  }
0x71: {  	_ =	shalt  }
0x72: {  	_ =	shalt  }
0x73: {  	_ =	shalt  }
0x74: {  	_ =	shalt  }
0x75: {  	_ =	shalt  }
0x76: {  	_ =	shalt  }
0x77: {  	_ =	shalt  }
0x78: {  	_ =	shalt  }
0x79: {  	_ =	shalt  }
0x7a: {  	_ =	shalt  }
0x7b: {  	_ =	shalt  }
0x7c: {  	_ =	shalt  }
0x7d: {  	_ =	shalt  }
0x7e: {  	_ =	shalt  }
0x7f: {  	_ =	shalt  }
0x80: {  	_ =	shalt  }
0x81: {  	_ =	shalt  }
0x82: {  	_ =	shalt  }
0x83: {  	_ =	shalt  }
0x84: {  	_ =	shalt  }
0x85: {  	_ =	shalt  }
0x86: {  	_ =	shalt  }
0x87: {  	_ =	shalt  }
.Lfunc_end0:
.L_simem_size_0:
called_computation.1_lowered:
.L_overlay_start_0:
0x88: {  	s2 =	sld [smem:$0x3FD9]  }
0x89: {  	s3 =	sld [smem:$0x3FFE];
	_ =	sdelay $0x1  }
0x8a: {  	s1 =	srdreg.scid  }
0x8b: {  	s0 =	sand.u32 $0x1, s1  }
0x8c: {  	s17 =	sshll.u32 s0, $0xA;
	s2 =	sadd.s32 s3, s2  }
0x8d: {  	s2 =	sadd.s32 s2, s17  }
0x8e: {  	[smem:$0x3FC6] =	sst s2  }
0x8f: {  	_ = 	snop  }
0x90: {  	s2 =	sld [smem:$0x3FC8]  }
0x91: {  	s18 =	sld [smem:$0x3FD0];
	(tm) =	ssettm $0x1  }
0x92: {  	s4 =	sld [smem:$0x3FFB];
	_ =	sdelay $0x3  }
0x93: {  	_ =	strace s4  }
0x94: {  	s4 =	sld [smem:$0x3FFC];
	_ =	sdelay $0x3  }
0x95: {  	_ =	strace s4  }
0x96: {  	s4 =	sld [smem:$0x3FFD];
	_ =	sdelay $0x3  }
0x97: {  	_ =	strace s4  }
0x98: {  	_ =	strace $0x8FFFFFFF  }
0x99: {  	s19 =	sld [smem:$0x3FDB];
	_ =	sdelay $0x1  }
0x9a: {  	s5 =	simm.s32 $_scs_section_size  }
0x9b: {  	s6 =	simm.s32 $_size__tile_overlayer_lowered;
	s7 =	simm.s32 $_tile_overlayer_lowered  }
0x9c: {  	s22 =	simm.s32 $0x1BFF;
	s21 =	sshll.u32 s7, $0x1;
	s4 =	sadd.s32 s5, s19  }
0x9d: {  	s8 =	simm.s32 $0x0;
	s20 =	sshll.u32 s6, $0x1;
	s6 =	sadd.s32 s21, s4  }
0x9e: {  	[timem:s8], [sflag:s22] =	dma.local [hbm:s6], s20  }
0x9f: {  	_ =	swait.ge [sflag:s22], s20  }
0xa0: {  	s5 =	ssub.s32 $0x0, s20;
	[sflag:s22] =	ssyncset.done $0x0  }
0xa1: {  	[sflag:s22] =	ssyncadd.s32 s5;
	_ =	sdelay $0x1  }
0xa2: {  	s23 =	simm.s32 $0x1B8B  }
0xa3: {  	_ =	swait.ge [sflag:s23], $0x1  }
0xa4: {  	[sflag:s23] =	ssyncset.done $0x0  }
0xa5: {  	s25 =	simm.s32 $0x1B8E;
	s24 =	sld [smem:$0x3FFE];
	[sflag:s23] =	ssyncadd.s32 $0xFFFFFFFF  }
0xa6: {  	s26 =	simm.s32 $execute0_lowered;
	[smem:$0x3FD2] =	sst s25  }
0xa7: {  	s6 =	sshll.u32 s26, $0x1;
	_ =	strace $0x80000046;
	[dreg:$0x1] =	wrdreg $0xFFFFFFFF  }
0xa8: {  	s28 =	simm.s32 $_size_execute0_lowered;
	s4 =	sadd.s32 s4, s6;
	[dreg:$0x0] =	wrdreg $0x0  }
0xa9: {  	s6 =	sshll.u32 s28, $0x1;
	[dreg:$0x2] =	wrdreg s4  }
0xaa: {  	[dreg:$0x3] =	wrdreg s6  }
0xab: {  	[dreg:$0x4] =	wrdreg $0xC0  }
0xac: {  	_ =	task [dreg:s8], $0x5FFFF  }
0xad: {  	[dreg:$0x1] =	wrdreg $0xFFFFFFFF  }
0xae: {  	[dreg:$0x0] =	wrdreg $0x60  }
0xaf: {  	[dreg:$0x2] =	wrdreg s2  }
0xb0: {  	[dreg:$0x3] =	wrdreg s18  }
0xb1: {  	[dreg:$0x4] =	wrdreg s24  }
0xb2: {  	[dreg:$0x5] =	wrdreg $0x9  }
0xb3: {  	_ =	task.clear_ibuf [dreg:s8], $0x6FFFF;
	_ =	strace $0x90000046  }
0xb4: {  	s29 =	simm.s32 $0x9;
	_ =	strace $0x80000048  }
0xb5: {  	_ =	swait.ge [sflag:s29], $0x1  }
0xb6: {  	[sflag:s29] =	ssyncadd.s32 $0xFFFFFFFF  }
0xb7: {  	_ =	strace $0x90000048  }
0xb8: {  	_ =	sfence  }
0xb9: {  	s30 =	sld [smem:$0x0];
	_ =	sdelay $0x2  }
0xba: {  	s31 =	sshll.u32 s1, $0xD;
	s1 =	sshrl.u32 s1, $0x2  }
0xbb: {  	s3 =	sand.u32 $0x4000, s31;
	s1 =	sadd.s32 s1, s30  }
0xbc: {  	s0 =	sor.u32 s3, s0;
	s1 =	sshll.u32 s1, $0x11  }
0xbd: {  	s0 =	sor.u32 s1, s0  }
0xbe: {  	s0 =	sadd.s32 $0x8F2B, s0  }
0xbf: {  	[sflag:s0] =	ssyncadd.remote.s32 $0x1  }
0xc0: {  	_ =	sfence.sel $0xFFFF  }
0xc1: {  	[dreg:$0x0] =	wrdreg $0xFFFFFFFF;
	(pc) =	sbr.abs _section_cstart, $3  }
0xc2: {  	[dreg:$0x1] =	wrdreg $0xFFFFFFFF  }
0xc3: {  	_ =	task.clear_ibuf [dreg:s8], $0x2FFFF;
	_ =	strace $0x9FFFFFFF  }
0xc4: {  	(tm) =	ssettm $0x7FFFFFFF  }
0xc5: {  	_ =	shalt  }
tec
execute0_lowered:
.L_overlay_start_1:
0x0: {  	(tag) =	ssettag $0x1  }
0x1: {  	s1 =	rddreg [dreg:$0x0]  }
0x2: {  	s0 =	rddreg [dreg:$0x1]  }
0x3: {  	s2 =	rddreg [dreg:$0x2]  }
0x4: {  	s4 =	srdreg.scid;
	s14 =	stileid.u32  }
0x5: {  	s3 =	simm.s32 $0x0;
	s15 =	simm.s32 $0x400;
	s16 =	simm.s32 $0xC3800  }
0x6: {  	s19 =	simm.s32 $0x1;
	s20 =	simm.s32 $0x3000;
	s21 =	simm.s32 $0x2  }
0x7: {  	s22 =	simm.s32 $0x3C00;
	s29 =	simm.s32 $0x9;
	s30 =	simm.s32 $0x0  }
0x8: {  	s5 =	sand.u32 $0x1, s4;
	s23 =	sshll.u32 s14, $0x1;
	[smem:$0x7FF] =	sst s3  }
0x9: {  	s6 =	sadd.s32 $0xE00, s2;
	p0 =	sgt.u32 s14, $0x8;
	p1 =	sgt.u32 s14, $0xC  }
0xa: {  	s4 =	sor.u32 s5, s23;
	_ =	strace $0x80000047;
	s7 =	ssub.s32 $0x2, s5  }
0xb: {  	s23 =	simm.s32 $0x4800;
	s24 =	sshll.u32 s4, $0x7;
	s9 =	smul.u32 $0x249F00, s4  }
0xc: {  	s8 =	sshrl.u32 s7, $0x1;
	s12 =	smul.u32 $0x180, s4;
	s10 =	sor.u32 $0xA0, s4  }
0xd: {  	s5 =	sadd.s32 s1, s24;
	s25 =	ssub.s32 s7, s8;
	s24 =	simm.s32 $0x5400  }
0xe: {  	s26 =	sadd.s32 $0x1000, s5;
	[dreg:$0x4] =	wrdreg s5;
	s5 =	sadd.s32 $0x2000, s5  }
.Ltmp0:
0xf: {  	s11 =	sshrl.u32 s9, $0x3;
	[dreg:$0x5] =	wrdreg s26;
	(pc) =	sbr.rel .LBB2_1-.Ltmp0, $4  }
0x10: {  	s9 =	sor.u32 $0x80, s4;
	s0 =	sadd.s32 s0, s12;
	[dreg:$0x6] =	wrdreg s5  }
0x11: {  	s31 =	smax.u32 s25, $0x1;
	s13 =	sadd.s32 s6, s11;
	[dreg:$0x7] =	wrdreg s0  }
0x12: {  	v0 =	vlaneseq.u32;
	s25 =	simm.s32 $0x5;
	[dreg:$0x9] =	wrdreg s31;
	s28 =	sadd.s32 $0x49380, s13  }
0x13: {  	v0 =	vmul.u32 $0x18, v0;
	s11 =	sor.u32 $0xC0, s4;
	s26 =	simm.s32 $0x6;
	[dreg:$0x8] =	wrdreg s28  }
.LBB2_21:
0x14: {  	s30 =	sadd.s32 $0x1, s30;
	s0 =	rddreg [dreg:$0x9]  }
0x15: {  	p2 =	sne.s32 s30, s0  }
.Ltmp1:
0x16: {  	_ = 	snop;
	(pc) =	sbr.rel @!p2 .LBB2_22-.Ltmp1, $1  }
0x17: {  	_ =	sdelay $0x3  }
.LBB2_1:
0x18: {  	s0 =	rddreg [dreg:$0x4]  }
0x19: {  	[tilespmem:s3], [sflag:$0x1] =	stream.strided.gather [hbm4b:s0+s15], $0xC00, s16, s15, $0x38;
	[tilespmem:$0x6000] =	vst v63  }
.Ltmp2:
0x1a: {  	_ = 	snop;
	(pc) =	sbr.rel .LBB2_2-.Ltmp2, $4  }
0x1b: {  	s17 =	rddreg [dreg:$0x5];
	s2 =	simm.s32 $0xC00  }
0x1c: {  	[tilespmem:s2], [sflag:$0x2] =	stream.strided.gather [hbm4b:s17+s15], $0xC00, s16, s15, $0x38;
	[tilespmem:$0x6000] =	vst v63  }
0x1d: {  	s18 =	rddreg [dreg:$0x6];
	s28 =	simm.s32 $0x1800;
	s31 =	simm.s32 $0x0  }
0x1e: {  	[tilespmem:s28], [sflag:$0x3] =	stream.strided.gather [hbm4b:s18+s15], $0xC00, s16, s15, $0x38;
	[tilespmem:$0x6000] =	vst v63  }
.LBB2_14:
0x1f: {  	s31 =	sadd.s32 $0x1, s31  }
0x20: {  	p2 =	sne.s32 s31, $0x9F  }
.Ltmp3:
0x21: {  	_ = 	snop;
	(pc) =	sbr.rel @!p2 .LBB2_15-.Ltmp3, $1  }
0x22: {  	_ =	sdelay $0x3  }
.LBB2_2:
0x23: {  	s2 =	sshll.u32 s31, $0x7  }
0x24: {  	s17 =	sor.u32 s2, s4  }
0x25: {  	s0 =	sor.u32 $0x60, s17  }
0x26: {  	p2 =	sgt.u32 s0, $0x4F51  }
0x27: {  	s12 =	smul.u32 @!p2 $0x29F5, s0;
	_ =	sdelay $0x1  }
0x28: {  	s12 =	sshrl.u32 @!p2 s12, $0x17  }
0x29: {  	s13 =	smul.u32 @!p2 $0x30D, s12;
	_ =	sdelay $0x1  }
0x2a: {  	s13 =	ssub.s32 @!p2 s0, s13  }
0x2b: {  	s12 =	smul.u32 @!p2 $0x24A800, s12;
	s13 =	sand.u32 @!p2 $0xFFFF, s13  }
0x2c: {  	s13 =	sshll.u32 @!p2 s13, $0xA  }
0x2d: {  	s12 =	sadd.s32 @!p2 s13, s12  }
0x2e: {  	s18 =	simm.s32 @!p2 $0xC3800;
	s12 =	sshrl.u32 @!p2 s12, $0x3  }
0x2f: {  	s28 =	simm.s32 @!p2 $0x2400;
	s13 =	simm.s32 @!p2 $0x400;
	s12 =	sadd.s32 @!p2 s1, s12  }
0x30: {  	[tilespmem:s28], [sflag:$0x4] =	stream.strided.gather @!p2 [hbm4b:s12+s13], $0xC00, s18, s13, $0x38;
	[tilespmem:$0x6000] =	vst v63  }
0x31: {  	_ =	swait.ge [sflag:s19], $0xC00  }
0x32: {  	p3 =	seq.s32 s31, $0x0;
	[sflag:s19] =	ssyncset.done $0x0  }
0x33: {  	s12 =	simm.s32 @!p3 $0x5;
	[sflag:s19] =	ssyncadd.s32 $0xFFFFF400  }
0x34: {  	_ =	swait.ge @!p3 [sflag:s12], $0xC00  }
0x35: {  	[sflag:s12] =	ssyncset.done @!p3 $0x0  }
0x36: {  	[sflag:s12] =	ssyncadd.s32 @!p3 $0xFFFFF400;
	s12 =	simm.s32 $0x40  }
0x37: {  	s28 =	simm.s32 $0x600;
	v8 =	vld [tilespmem:s12+$0x0]  }
0x38: {  	s5 =	simm.s32 $0x0;
	v10 =	vadd.s32 s28, v0;
	v2 =	vld [tilespmem:s12+$0xFFFFFFD0]  }
0x39: {  	s8 =	simm.s32 $0x900;
	v13 =	vadd.s32 s5, v0;
	v14 =	vld [tilespmem:s12+$0xFFFFFFC0]  }
0x3a: {  	v11 =	vadd.s32 s8, v0;
	s8 =	simm.s32 $0x180;
	v9 =	vld [tilespmem:s12+$0x20]  }
0x3b: {  	s5 =	simm.s32 $0xA80;
	v12 =	vadd.s32 s8, v0;
	v3 =	vld [tilespmem:s12+$0x10]  }
0x3c: {  	s7 =	simm.s32 $0x300;
	s14 =	simm.s32 $0x780;
	v6 =	vadd.s32 s5, v0;
	v7 =	vld [tilespmem:s12+$0x30]  }
0x3d: {  	v1 =	vadd.s32 s7, v0;
	s7 =	simm.s32 $0x480;
	v5 =	vadd.s32 s14, v0;
	v4 =	vld [tilespmem:s12+$0xFFFFFFE0];
	[tilespmem:v10+s20+$0x0] =	vst.idx.msk $0xffff, v8  }
0x3e: {  	s18 =	simm.s32 $0x0;
	s13 =	simm.s32 $0xC0;
	[tilespmem:v13+s20+$0x0] =	vst.idx.msk $0xffff, v14;
	v8 =	vld [tilespmem:s12+$0xFFFFFFF0];
	v10 =	vadd.s32 s7, v0;
	s12 =	simm.s32 $0x1  }
.LBB2_3:
0x3f: {  	s7 =	sadd.s32 $0x480, s12;
	v13 =	vld [tilespmem:s13+$0x0];
	s8 =	sadd.s32 $0x600, s12;
	s28 =	sadd.s32 $0xA80, s12;
	[tilespmem:v11+s20+$0x0] =	vst.idx.msk $0xffff, v9  }
0x40: {  	v14 =	vadd.s32 s12, v0;
	s14 =	sadd.s32 $0x300, s12;
	s18 =	sadd.s32 $0x8, s18;
	v15 =	vadd.s32 s8, v0;
	s8 =	sadd.s32 $0x900, s12;
	[tilespmem:v12+s20+$0x0] =	vst.idx.msk $0xffff, v2;
	v2 =	vld [tilespmem:s13+$0xFFFFFFD0]  }
0x41: {  	v17 =	vadd.s32 s14, v0;
	s14 =	sadd.s32 $0x780, s12;
	p4 =	slt.u32 s18, $0xB8;
	v16 =	vld [tilespmem:s13+$0xFFFFFFC0];
	v11 =	vadd.s32 s8, v0;
	[tilespmem:v6+s20+$0x0] =	vst.idx.msk $0xffff, v7  }
.Ltmp4:
0x42: {  	s8 =	sadd.s32 $0x180, s12;
	v6 =	vadd.s32 s28, v0;
	v9 =	vld [tilespmem:s13+$0x20];
	[tilespmem:v5+s20+$0x0] =	vst.idx.msk $0xffff, v3;
	v5 =	vadd.s32 s14, v0;
	(pc) =	sbr.rel @p4 .LBB2_3-.Ltmp4, $4  }
0x43: {  	v12 =	vadd.s32 s8, v0;
	v3 =	vld [tilespmem:s13+$0x10];
	[tilespmem:v10+s20+$0x0] =	vst.idx.msk $0xffff, v8  }
0x44: {  	v7 =	vld [tilespmem:s13+$0x30];
	[tilespmem:v1+s20+$0x0] =	vst.idx.msk $0xffff, v4;
	v1 =	vmov v17  }
0x45: {  	v4 =	vld [tilespmem:s13+$0xFFFFFFE0];
	[tilespmem:v15+s20+$0x0] =	vst.idx.msk $0xffff, v13  }
0x46: {  	s12 =	sadd.s32 $0x1, s12;
	v10 =	vadd.s32 s7, v0;
	[tilespmem:v14+s20+$0x0] =	vst.idx.msk $0xffff, v16;
	v8 =	vld [tilespmem:s13+$0xFFFFFFF0];
	s13 =	sadd.s32 $0x80, s13  }
0x47: {  	s7 =	smulhi.u32 $0x14FA6D7B, s17;
	_ =	sdelay $0x1  }
0x48: {  	s7 =	sshrl.u32 s7, $0x6  }
0x49: {  	s8 =	smul.u32 $0x30D, s7;
	_ =	sdelay $0x1  }
0x4a: {  	[tilespmem:v11+s20+$0x0] =	vst.idx.msk $0xffff, v9;
	s12 =	sadd.s32 s9, s2;
	s7 =	smul.u32 $0x249F00, s7;
	s8 =	ssub.s32 s17, s8  }
0x4b: {  	[tilespmem:v12+s20+$0x0] =	vst.idx.msk $0xffff, v2;
	p4 =	sgt.u32 s12, $0x4F51;
	s8 =	smul.u32 $0xC00, s8  }
0x4c: {  	[tilespmem:v5+s20+$0x0] =	vst.idx.msk $0xffff, v3;
	s13 =	smul.u32 @!p4 $0x29F5, s12  }
0x4d: {  	[tilespmem:v6+s20+$0x0] =	vst.idx.msk $0xffff, v7;
	s7 =	sadd.s32 s8, s7  }
0x4e: {  	[tilespmem:v1+s20+$0x0] =	vst.idx.msk $0xffff, v4;
	s8 =	sshrl.u32 @!p4 s13, $0x17;
	s7 =	sshrl.u32 s7, $0x3  }
0x4f: {  	[tilespmem:v10+s20+$0x0] =	vst.idx.msk $0xffff, v8;
	s13 =	smul.u32 @!p4 $0x30D, s8;
	s7 =	sadd.s32 s6, s7  }
0x50: {  	[hbm4b:s7+s3] =	stream.linear.scatter [tilespmem:s20], [sflag:$0x5], $0xC00, $0x38;
	[tilespmem:$0x6000] =	vst v63  }
0x51: {  	s7 =	ssub.s32 @!p4 s12, s13  }
0x52: {  	s8 =	smul.u32 @!p4 $0x24A800, s8;
	s7 =	sand.u32 @!p4 $0xFFFF, s7  }
0x53: {  	s7 =	sshll.u32 @!p4 s7, $0xA  }
0x54: {  	s7 =	sadd.s32 @!p4 s7, s8  }
0x55: {  	s12 =	simm.s32 @!p4 $0xC3800;
	s7 =	sshrl.u32 @!p4 s7, $0x3  }
0x56: {  	s13 =	simm.s32 @!p4 $0x0;
	s8 =	simm.s32 @!p4 $0x400;
	s7 =	sadd.s32 @!p4 s1, s7  }
0x57: {  	[tilespmem:s13], [sflag:$0x1] =	stream.strided.gather @!p4 [hbm4b:s7+s8], $0xC00, s12, s8, $0x38;
	[tilespmem:$0x6000] =	vst v63  }
0x58: {  	_ =	swait.ge [sflag:s21], $0xC00  }
0x59: {  	[sflag:s21] =	ssyncset.done $0x0  }
0x5a: {  	s7 =	simm.s32 @!p3 $0x6;
	[sflag:s21] =	ssyncadd.s32 $0xFFFFF400  }
0x5b: {  	_ =	swait.ge @!p3 [sflag:s7], $0xC00  }
0x5c: {  	[sflag:s7] =	ssyncset.done @!p3 $0x0  }
0x5d: {  	[sflag:s7] =	ssyncadd.s32 @!p3 $0xFFFFF400;
	s7 =	simm.s32 $0xC40  }
0x5e: {  	s12 =	simm.s32 $0x600;
	v9 =	vld [tilespmem:s7+$0x0]  }
0x5f: {  	s13 =	simm.s32 $0x0;
	v11 =	vadd.s32 s12, v0;
	v2 =	vld [tilespmem:s7+$0xFFFFFFD0]  }
0x60: {  	s18 =	simm.s32 $0x900;
	v13 =	vadd.s32 s13, v0;
	v14 =	vld [tilespmem:s7+$0xFFFFFFC0]  }
0x61: {  	s28 =	simm.s32 $0x180;
	v10 =	vadd.s32 s18, v0;
	v8 =	vld [tilespmem:s7+$0x20]  }
0x62: {  	v12 =	vadd.s32 s28, v0;
	s13 =	simm.s32 $0xA80;
	v3 =	vld [tilespmem:s7+$0x10]  }
0x63: {  	s14 =	simm.s32 $0x300;
	s5 =	simm.s32 $0x780;
	v6 =	vadd.s32 s13, v0;
	v7 =	vld [tilespmem:s7+$0x30]  }
0x64: {  	v5 =	vadd.s32 s5, v0;
	s28 =	simm.s32 $0xCC0;
	v1 =	vadd.s32 s14, v0;
	s14 =	simm.s32 $0x480;
	v4 =	vld [tilespmem:s7+$0xFFFFFFE0];
	[tilespmem:v11+s22+$0x0] =	vst.idx.msk $0xffff, v9  }
0x65: {  	s18 =	sor.u32 $0x20, s17;
	s12 =	simm.s32 $0x0;
	s13 =	simm.s32 $0x1;
	[tilespmem:v13+s22+$0x0] =	vst.idx.msk $0xffff, v14;
	v9 =	vld [tilespmem:s7+$0xFFFFFFF0];
	v11 =	vadd.s32 s14, v0  }
.LBB2_5:
0x66: {  	s7 =	sadd.s32 $0x480, s13;
	v13 =	vld [tilespmem:s28+$0x0];
	s8 =	sadd.s32 $0x600, s13;
	s14 =	sadd.s32 $0xA80, s13;
	[tilespmem:v10+s22+$0x0] =	vst.idx.msk $0xffff, v8  }
0x67: {  	v14 =	vadd.s32 s13, v0;
	s5 =	sadd.s32 $0x300, s13;
	s12 =	sadd.s32 $0x8, s12;
	v15 =	vadd.s32 s8, v0;
	s8 =	sadd.s32 $0x900, s13;
	[tilespmem:v12+s22+$0x0] =	vst.idx.msk $0xffff, v2;
	v2 =	vld [tilespmem:s28+$0xFFFFFFD0]  }
0x68: {  	v17 =	vadd.s32 s5, v0;
	s5 =	sadd.s32 $0x780, s13;
	p4 =	slt.u32 s12, $0xB8;
	v16 =	vld [tilespmem:s28+$0xFFFFFFC0];
	v10 =	vadd.s32 s8, v0;
	[tilespmem:v6+s22+$0x0] =	vst.idx.msk $0xffff, v7  }
.Ltmp5:
0x69: {  	s8 =	sadd.s32 $0x180, s13;
	v6 =	vadd.s32 s14, v0;
	v8 =	vld [tilespmem:s28+$0x20];
	[tilespmem:v5+s22+$0x0] =	vst.idx.msk $0xffff, v3;
	v5 =	vadd.s32 s5, v0;
	(pc) =	sbr.rel @p4 .LBB2_5-.Ltmp5, $4  }
0x6a: {  	v12 =	vadd.s32 s8, v0;
	v3 =	vld [tilespmem:s28+$0x10];
	[tilespmem:v11+s22+$0x0] =	vst.idx.msk $0xffff, v9  }
0x6b: {  	v7 =	vld [tilespmem:s28+$0x30];
	[tilespmem:v1+s22+$0x0] =	vst.idx.msk $0xffff, v4;
	v1 =	vmov v17  }
0x6c: {  	v4 =	vld [tilespmem:s28+$0xFFFFFFE0];
	[tilespmem:v15+s22+$0x0] =	vst.idx.msk $0xffff, v13  }
0x6d: {  	s13 =	sadd.s32 $0x1, s13;
	v11 =	vadd.s32 s7, v0;
	[tilespmem:v14+s22+$0x0] =	vst.idx.msk $0xffff, v16;
	v9 =	vld [tilespmem:s28+$0xFFFFFFF0];
	s28 =	sadd.s32 $0x80, s28  }
0x6e: {  	s5 =	smulhi.u32 $0x14FA6D7B, s18;
	_ =	sdelay $0x1  }
0x6f: {  	s5 =	sshrl.u32 s5, $0x6  }
0x70: {  	s7 =	smul.u32 $0x30D, s5;
	_ =	sdelay $0x1  }
0x71: {  	[tilespmem:v10+s22+$0x0] =	vst.idx.msk $0xffff, v8;
	s8 =	sadd.s32 s10, s2;
	s5 =	smul.u32 $0x249F00, s5;
	s7 =	ssub.s32 s18, s7  }
0x72: {  	[tilespmem:v12+s22+$0x0] =	vst.idx.msk $0xffff, v2;
	p4 =	sgt.u32 s8, $0x4F51;
	s7 =	smul.u32 $0xC00, s7  }
0x73: {  	[tilespmem:v5+s22+$0x0] =	vst.idx.msk $0xffff, v3;
	s12 =	smul.u32 @!p4 $0x29F5, s8  }
0x74: {  	[tilespmem:v6+s22+$0x0] =	vst.idx.msk $0xffff, v7;
	s5 =	sadd.s32 s7, s5  }
0x75: {  	[tilespmem:v1+s22+$0x0] =	vst.idx.msk $0xffff, v4;
	s7 =	sshrl.u32 @!p4 s12, $0x17;
	s5 =	sshrl.u32 s5, $0x3  }
0x76: {  	[tilespmem:v11+s22+$0x0] =	vst.idx.msk $0xffff, v9;
	s12 =	smul.u32 @!p4 $0x30D, s7;
	s5 =	sadd.s32 s6, s5  }
0x77: {  	[hbm4b:s5+s3] =	stream.linear.scatter [tilespmem:s22], [sflag:$0x6], $0xC00, $0x38;
	[tilespmem:$0x6000] =	vst v63  }
0x78: {  	s5 =	ssub.s32 @!p4 s8, s12  }
0x79: {  	s7 =	smul.u32 @!p4 $0x24A800, s7;
	s5 =	sand.u32 @!p4 $0xFFFF, s5  }
0x7a: {  	s5 =	sshll.u32 @!p4 s5, $0xA  }
0x7b: {  	s5 =	sadd.s32 @!p4 s5, s7  }
0x7c: {  	s17 =	sor.u32 $0x40, s17;
	s8 =	simm.s32 @!p4 $0xC3800;
	s5 =	sshrl.u32 @!p4 s5, $0x3  }
0x7d: {  	s12 =	simm.s32 @!p4 $0xC00;
	s7 =	simm.s32 @!p4 $0x400;
	s5 =	sadd.s32 @!p4 s1, s5  }
0x7e: {  	[tilespmem:s12], [sflag:$0x2] =	stream.strided.gather @!p4 [hbm4b:s5+s7], $0xC00, s8, s7, $0x38;
	[tilespmem:$0x6000] =	vst v63  }
0x7f: {  	p4 =	sgt.u32 s17, $0x4F51  }
0x80: {  	s5 =	simm.s32 @!p4 $0x3  }
0x81: {  	_ =	swait.ge @!p4 [sflag:s5], $0xC00  }
.Ltmp6:
0x82: {  	[sflag:s5] =	ssyncset.done @!p4 $0x0;
	(pc) =	sbr.rel @p4 .LBB2_10-.Ltmp6, $4  }
0x83: {  	[sflag:s5] =	ssyncadd.s32 @!p4 $0xFFFFF400;
	s5 =	simm.s32 @!p3 $0x7  }
0x84: {  	_ =	swait.ge @!p3 [sflag:s5], $0xC00  }
0x85: {  	[sflag:s5] =	ssyncset.done @!p3 $0x0  }
0x86: {  	[sflag:s5] =	ssyncadd.s32 @!p3 $0xFFFFF400  }
0x87: {  	s5 =	simm.s32 $0x1840  }
0x88: {  	s7 =	simm.s32 $0x600;
	v10 =	vld [tilespmem:s5+$0x0]  }
0x89: {  	s8 =	simm.s32 $0x0;
	v1 =	vld [tilespmem:s5+$0xFFFFFFD0];
	v11 =	vadd.s32 s7, v0  }
0x8a: {  	s13 =	simm.s32 $0x300;
	s14 =	simm.s32 $0x900;
	v13 =	vadd.s32 s8, v0;
	v14 =	vld [tilespmem:s5+$0xFFFFFFC0]  }
0x8b: {  	v8 =	vld [tilespmem:s5+$0x20];
	v2 =	vadd.s32 s13, v0;
	v9 =	vadd.s32 s14, v0;
	s13 =	simm.s32 $0x180  }
0x8c: {  	s12 =	simm.s32 $0xA80;
	v3 =	vld [tilespmem:s5+$0x10];
	v12 =	vadd.s32 s13, v0  }
0x8d: {  	s18 =	simm.s32 $0x780;
	v7 =	vld [tilespmem:s5+$0x30];
	v6 =	vadd.s32 s12, v0  }
0x8e: {  	s28 =	simm.s32 $0x480;
	v4 =	vadd.s32 s18, v0;
	v5 =	vld [tilespmem:s5+$0xFFFFFFE0];
	[tilespmem:v11+s23+$0x0] =	vst.idx.msk $0xffff, v10  }
0x8f: {  	s12 =	simm.s32 $0x0;
	s18 =	simm.s32 $0x18C0;
	s13 =	simm.s32 $0x1;
	[tilespmem:v13+s23+$0x0] =	vst.idx.msk $0xffff, v14;
	v10 =	vld [tilespmem:s5+$0xFFFFFFF0];
	v11 =	vadd.s32 s28, v0  }
.LBB2_8:
0x90: {  	s5 =	sadd.s32 $0x480, s13;
	v13 =	vld [tilespmem:s18+$0x0];
	s7 =	sadd.s32 $0x600, s13;
	s8 =	sadd.s32 $0xA80, s13;
	[tilespmem:v9+s23+$0x0] =	vst.idx.msk $0xffff, v8  }
0x91: {  	v14 =	vadd.s32 s13, v0;
	s14 =	sadd.s32 $0x300, s13;
	s12 =	sadd.s32 $0x8, s12;
	v15 =	vadd.s32 s7, v0;
	s7 =	sadd.s32 $0x900, s13;
	[tilespmem:v12+s23+$0x0] =	vst.idx.msk $0xffff, v1;
	v1 =	vld [tilespmem:s18+$0xFFFFFFD0]  }
0x92: {  	v17 =	vadd.s32 s14, v0;
	s14 =	sadd.s32 $0x780, s13;
	p4 =	slt.u32 s12, $0xB8;
	v16 =	vld [tilespmem:s18+$0xFFFFFFC0];
	v9 =	vadd.s32 s7, v0;
	[tilespmem:v6+s23+$0x0] =	vst.idx.msk $0xffff, v7  }
.Ltmp7:
0x93: {  	s7 =	sadd.s32 $0x180, s13;
	v6 =	vadd.s32 s8, v0;
	v8 =	vld [tilespmem:s18+$0x20];
	[tilespmem:v4+s23+$0x0] =	vst.idx.msk $0xffff, v3;
	v4 =	vadd.s32 s14, v0;
	(pc) =	sbr.rel @p4 .LBB2_8-.Ltmp7, $4  }
0x94: {  	v12 =	vadd.s32 s7, v0;
	v3 =	vld [tilespmem:s18+$0x10];
	[tilespmem:v11+s23+$0x0] =	vst.idx.msk $0xffff, v10  }
0x95: {  	v7 =	vld [tilespmem:s18+$0x30];
	[tilespmem:v2+s23+$0x0] =	vst.idx.msk $0xffff, v5;
	v2 =	vmov v17  }
0x96: {  	v5 =	vld [tilespmem:s18+$0xFFFFFFE0];
	[tilespmem:v15+s23+$0x0] =	vst.idx.msk $0xffff, v13  }
0x97: {  	s13 =	sadd.s32 $0x1, s13;
	v11 =	vadd.s32 s5, v0;
	[tilespmem:v14+s23+$0x0] =	vst.idx.msk $0xffff, v16;
	v10 =	vld [tilespmem:s18+$0xFFFFFFF0];
	s18 =	sadd.s32 $0x80, s18  }
0x98: {  	s5 =	smul.u32 $0x29F5, s17;
	_ =	sdelay $0x1  }
0x99: {  	s5 =	sshrl.u32 s5, $0x17  }
0x9a: {  	s7 =	smul.u32 $0x30D, s5;
	_ =	sdelay $0x1  }
0x9b: {  	s7 =	ssub.s32 s17, s7  }
0x9c: {  	[tilespmem:v9+s23+$0x0] =	vst.idx.msk $0xffff, v8;
	s5 =	smul.u32 $0x249F00, s5;
	s7 =	sand.u32 $0xFFFF, s7  }
0x9d: {  	[tilespmem:v12+s23+$0x0] =	vst.idx.msk $0xffff, v1;
	s7 =	smul.u32 $0xC00, s7  }
0x9e: {  	[tilespmem:v4+s23+$0x0] =	vst.idx.msk $0xffff, v3  }
0x9f: {  	[tilespmem:v6+s23+$0x0] =	vst.idx.msk $0xffff, v7;
	s5 =	sadd.s32 s7, s5  }
0xa0: {  	[tilespmem:v2+s23+$0x0] =	vst.idx.msk $0xffff, v5;
	s5 =	sshrl.u32 s5, $0x3  }
0xa1: {  	[tilespmem:v11+s23+$0x0] =	vst.idx.msk $0xffff, v10;
	s5 =	sadd.s32 s6, s5  }
0xa2: {  	[hbm4b:s5+s3] =	stream.linear.scatter [tilespmem:s23], [sflag:$0x7], $0xC00, $0x38;
	[tilespmem:$0x6000] =	vst v63  }
.LBB2_10:
0xa3: {  	s2 =	sadd.s32 s11, s2  }
0xa4: {  	p4 =	sgt.u32 s2, $0x4F51  }
0xa5: {  	s5 =	smul.u32 @!p4 $0x29F5, s2;
	_ =	sdelay $0x1  }
0xa6: {  	s5 =	sshrl.u32 @!p4 s5, $0x17  }
0xa7: {  	s7 =	smul.u32 @!p4 $0x30D, s5;
	_ =	sdelay $0x1  }
0xa8: {  	s2 =	ssub.s32 @!p4 s2, s7  }
0xa9: {  	s5 =	smul.u32 @!p4 $0x24A800, s5;
	s2 =	sand.u32 @!p4 $0xFFFF, s2  }
0xaa: {  	s2 =	sshll.u32 @!p4 s2, $0xA  }
0xab: {  	s2 =	sadd.s32 @!p4 s2, s5  }
0xac: {  	s8 =	simm.s32 @!p4 $0x1800;
	s2 =	sshrl.u32 @!p4 s2, $0x3  }
0xad: {  	s7 =	simm.s32 @!p4 $0xC3800;
	s5 =	simm.s32 @!p4 $0x400;
	s2 =	sadd.s32 @!p4 s1, s2  }
0xae: {  	[tilespmem:s8], [sflag:$0x3] =	stream.strided.gather @!p4 [hbm4b:s2+s5], $0xC00, s7, s5, $0x38;
	[tilespmem:$0x6000] =	vst v63  }
0xaf: {  	s2 =	simm.s32 @!p2 $0x4  }
0xb0: {  	_ =	swait.ge @!p2 [sflag:s2], $0xC00  }
.Ltmp8:
0xb1: {  	[sflag:s2] =	ssyncset.done @!p2 $0x0;
	(pc) =	sbr.rel @p2 .LBB2_14-.Ltmp8, $4  }
0xb2: {  	[sflag:s2] =	ssyncadd.s32 @!p2 $0xFFFFF400;
	s2 =	simm.s32 @!p3 $0x8  }
0xb3: {  	_ =	swait.ge @!p3 [sflag:s2], $0xC00  }
0xb4: {  	[sflag:s2] =	ssyncset.done @!p3 $0x0  }
0xb5: {  	[sflag:s2] =	ssyncadd.s32 @!p3 $0xFFFFF400  }
0xb6: {  	s5 =	simm.s32 $0x2440  }
0xb7: {  	s2 =	simm.s32 $0x600;
	v10 =	vld [tilespmem:s5+$0x0]  }
0xb8: {  	s7 =	simm.s32 $0x0;
	v1 =	vld [tilespmem:s5+$0xFFFFFFD0];
	v11 =	vadd.s32 s2, v0  }
0xb9: {  	s17 =	simm.s32 $0x900;
	v13 =	vadd.s32 s7, v0;
	v14 =	vld [tilespmem:s5+$0xFFFFFFC0]  }
0xba: {  	s12 =	simm.s32 $0x180;
	v8 =	vld [tilespmem:s5+$0x20];
	v9 =	vadd.s32 s17, v0  }
0xbb: {  	s8 =	simm.s32 $0xA80;
	v3 =	vld [tilespmem:s5+$0x10];
	v12 =	vadd.s32 s12, v0  }
0xbc: {  	s18 =	simm.s32 $0x780;
	v7 =	vld [tilespmem:s5+$0x30];
	v6 =	vadd.s32 s8, v0  }
0xbd: {  	s14 =	simm.s32 $0x300;
	s28 =	simm.s32 $0x480;
	v4 =	vadd.s32 s18, v0;
	v5 =	vld [tilespmem:s5+$0xFFFFFFE0];
	[tilespmem:v11+s24+$0x0] =	vst.idx.msk $0xffff, v10  }
0xbe: {  	s13 =	simm.s32 $0x24C0;
	v2 =	vadd.s32 s14, v0;
	s2 =	simm.s32 $0x0;
	s12 =	simm.s32 $0x1;
	[tilespmem:v13+s24+$0x0] =	vst.idx.msk $0xffff, v14;
	v10 =	vld [tilespmem:s5+$0xFFFFFFF0];
	v11 =	vadd.s32 s28, v0  }
.LBB2_12:
0xbf: {  	s5 =	sadd.s32 $0x480, s12;
	v13 =	vld [tilespmem:s13+$0x0];
	s7 =	sadd.s32 $0x600, s12;
	s8 =	sadd.s32 $0xA80, s12;
	[tilespmem:v9+s24+$0x0] =	vst.idx.msk $0xffff, v8  }
0xc0: {  	v14 =	vadd.s32 s12, v0;
	s14 =	sadd.s32 $0x300, s12;
	s2 =	sadd.s32 $0x8, s2;
	v15 =	vadd.s32 s7, v0;
	s7 =	sadd.s32 $0x900, s12;
	[tilespmem:v12+s24+$0x0] =	vst.idx.msk $0xffff, v1;
	v1 =	vld [tilespmem:s13+$0xFFFFFFD0]  }
0xc1: {  	v17 =	vadd.s32 s14, v0;
	s14 =	sadd.s32 $0x780, s12;
	p2 =	slt.u32 s2, $0xB8;
	v16 =	vld [tilespmem:s13+$0xFFFFFFC0];
	v9 =	vadd.s32 s7, v0;
	[tilespmem:v6+s24+$0x0] =	vst.idx.msk $0xffff, v7  }
.Ltmp9:
0xc2: {  	s7 =	sadd.s32 $0x180, s12;
	v6 =	vadd.s32 s8, v0;
	v8 =	vld [tilespmem:s13+$0x20];
	[tilespmem:v4+s24+$0x0] =	vst.idx.msk $0xffff, v3;
	v4 =	vadd.s32 s14, v0;
	(pc) =	sbr.rel @p2 .LBB2_12-.Ltmp9, $4  }
0xc3: {  	v12 =	vadd.s32 s7, v0;
	v3 =	vld [tilespmem:s13+$0x10];
	[tilespmem:v11+s24+$0x0] =	vst.idx.msk $0xffff, v10  }
0xc4: {  	v7 =	vld [tilespmem:s13+$0x30];
	[tilespmem:v2+s24+$0x0] =	vst.idx.msk $0xffff, v5;
	v2 =	vmov v17  }
0xc5: {  	v5 =	vld [tilespmem:s13+$0xFFFFFFE0];
	[tilespmem:v15+s24+$0x0] =	vst.idx.msk $0xffff, v13  }
0xc6: {  	s12 =	sadd.s32 $0x1, s12;
	v11 =	vadd.s32 s5, v0;
	[tilespmem:v14+s24+$0x0] =	vst.idx.msk $0xffff, v16;
	v10 =	vld [tilespmem:s13+$0xFFFFFFF0];
	s13 =	sadd.s32 $0x80, s13  }
0xc7: {  	s2 =	smul.u32 $0x29F5, s0;
	_ =	sdelay $0x1  }
0xc8: {  	s2 =	sshrl.u32 s2, $0x17  }
0xc9: {  	s5 =	smul.u32 $0x30D, s2;
	_ =	sdelay $0x1  }
0xca: {  	s28 =	ssub.s32 s0, s5  }
0xcb: {  	[tilespmem:v9+s24+$0x0] =	vst.idx.msk $0xffff, v8;
	s2 =	smul.u32 $0x249F00, s2;
	s0 =	sand.u32 $0xFFFF, s28  }
0xcc: {  	[tilespmem:v12+s24+$0x0] =	vst.idx.msk $0xffff, v1;
	s0 =	smul.u32 $0xC00, s0  }
.Ltmp10:
0xcd: {  	[tilespmem:v4+s24+$0x0] =	vst.idx.msk $0xffff, v3;
	(pc) =	sbr.rel .LBB2_14-.Ltmp10, $4  }
0xce: {  	[tilespmem:v6+s24+$0x0] =	vst.idx.msk $0xffff, v7;
	s0 =	sadd.s32 s0, s2  }
0xcf: {  	[tilespmem:v2+s24+$0x0] =	vst.idx.msk $0xffff, v5;
	s0 =	sshrl.u32 s0, $0x3  }
0xd0: {  	[tilespmem:v11+s24+$0x0] =	vst.idx.msk $0xffff, v10;
	s0 =	sadd.s32 s6, s0  }
0xd1: {  	[hbm4b:s0+s3] =	stream.linear.scatter [tilespmem:s24], [sflag:$0x8], $0xC00, $0x38;
	[tilespmem:$0x6000] =	vst v63  }
.LBB2_15:
0xd2: {  	_ =	swait.ge [sflag:s25], $0xC00  }
.Ltmp11:
0xd3: {  	[sflag:s25] =	ssyncset.done $0x0;
	(pc) =	sbr.rel @p0 .LBB2_17-.Ltmp11, $4  }
0xd4: {  	[sflag:s25] =	ssyncadd.s32 $0xFFFFF400  }
0xd5: {  	_ =	swait.ge [sflag:s26], $0xC00  }
0xd6: {  	[sflag:s26] =	ssyncset.done $0x0  }
0xd7: {  	[sflag:s26] =	ssyncadd.s32 $0xFFFFF400  }
.Ltmp12:
0xd8: {  	(pc) =	sbr.rel .LBB2_18-.Ltmp12, $4  }
0xd9: {  	s0 =	simm.s32 $0x7  }
0xda: {  	_ =	swait.ge [sflag:s0], $0xC00  }
0xdb: {  	[sflag:s0] =	ssyncset.done $0x0  }
0xdc: {  	[sflag:s0] =	ssyncadd.s32 $0xFFFFF400  }
.LBB2_17:
.Ltmp13:
0xdd: {  	(pc) =	sbr.rel @p1 .LBB2_21-.Ltmp13, $1  }
0xde: {  	_ =	sdelay $0x3  }
.LBB2_18:
0xdf: {  	s0 =	simm.s32 $0x0;
	s2 =	rddreg [dreg:$0x7]  }
0xe0: {  	[tilespmem:s0], [sflag:$0x9] =	stream.linear.gather [hbm4b:s2+s0], $0xC00, $0x38;
	[tilespmem:$0x6000] =	vst v63  }
0xe1: {  	_ =	swait.ge [sflag:s29], $0xC00  }
0xe2: {  	[sflag:s29] =	ssyncset.done $0x0  }
0xe3: {  	s14 =	simm.s32 $0x100;
	[sflag:s29] =	ssyncadd.s32 $0xFFFFF400  }
0xe4: {  	s5 =	simm.s32 $0x2;
	v10 =	vld [tilespmem:s14+$0x0]  }
0xe5: {  	v11 =	vadd.s32 s5, v0;
	v1 =	vld [tilespmem:s14+$0xFFFFFF10]  }
0xe6: {  	s18 =	simm.s32 $0x3;
	v13 =	vadd.s32 s0, v0;
	v14 =	vld [tilespmem:s14+$0xFFFFFF00]  }
0xe7: {  	s8 =	simm.s32 $0x180;
	v9 =	vadd.s32 s18, v0;
	v7 =	vld [tilespmem:s14+$0x80]  }
0xe8: {  	s7 =	simm.s32 $0x183;
	v12 =	vadd.s32 s8, v0;
	v3 =	vld [tilespmem:s14+$0x10]  }
0xe9: {  	s28 =	simm.s32 $0x182;
	v6 =	vadd.s32 s7, v0;
	v8 =	vld [tilespmem:s14+$0x90]  }
0xea: {  	s17 =	simm.s32 $0x1;
	s31 =	simm.s32 $0x181;
	v4 =	vadd.s32 s28, v0;
	v5 =	vld [tilespmem:s14+$0xFFFFFF80];
	[tilespmem:v11+s20+$0x0] =	vst.idx.msk $0xffff, v10  }
0xeb: {  	s12 =	simm.s32 $0x300;
	v2 =	vadd.s32 s17, v0;
	s0 =	simm.s32 $0x0;
	s2 =	simm.s32 $0x4;
	[tilespmem:v13+s20+$0x0] =	vst.idx.msk $0xffff, v14;
	v10 =	vld [tilespmem:s14+$0xFFFFFF90];
	v11 =	vadd.s32 s31, v0  }
.LBB2_19:
0xec: {  	s5 =	sadd.s32 $0x181, s2;
	s7 =	sadd.s32 $0x2, s2;
	v13 =	vld [tilespmem:s12+$0x0];
	s8 =	sadd.s32 $0x183, s2;
	[tilespmem:v9+s20+$0x0] =	vst.idx.msk $0xffff, v7  }
0xed: {  	v14 =	vadd.s32 s2, v0;
	s13 =	sadd.s32 $0x1, s2;
	s0 =	sadd.s32 $0x8, s0;
	v15 =	vadd.s32 s7, v0;
	s7 =	sadd.s32 $0x3, s2;
	[tilespmem:v12+s20+$0x0] =	vst.idx.msk $0xffff, v1;
	v1 =	vld [tilespmem:s12+$0xFFFFFF10]  }
0xee: {  	v17 =	vadd.s32 s13, v0;
	s13 =	sadd.s32 $0x182, s2;
	p2 =	slt.u32 s0, $0x28;
	v16 =	vld [tilespmem:s12+$0xFFFFFF00];
	v9 =	vadd.s32 s7, v0;
	[tilespmem:v6+s20+$0x0] =	vst.idx.msk $0xffff, v8  }
.Ltmp14:
0xef: {  	s7 =	sadd.s32 $0x180, s2;
	v6 =	vadd.s32 s8, v0;
	v7 =	vld [tilespmem:s12+$0x80];
	[tilespmem:v4+s20+$0x0] =	vst.idx.msk $0xffff, v3;
	v4 =	vadd.s32 s13, v0;
	(pc) =	sbr.rel @p2 .LBB2_19-.Ltmp14, $4  }
0xf0: {  	v12 =	vadd.s32 s7, v0;
	v3 =	vld [tilespmem:s12+$0x10];
	[tilespmem:v11+s20+$0x0] =	vst.idx.msk $0xffff, v10  }
0xf1: {  	v8 =	vld [tilespmem:s12+$0x90];
	[tilespmem:v2+s20+$0x0] =	vst.idx.msk $0xffff, v5;
	v2 =	vmov v17  }
0xf2: {  	v5 =	vld [tilespmem:s12+$0xFFFFFF80];
	[tilespmem:v15+s20+$0x0] =	vst.idx.msk $0xffff, v13  }
0xf3: {  	s2 =	sadd.s32 $0x4, s2;
	v11 =	vadd.s32 s5, v0;
	[tilespmem:v14+s20+$0x0] =	vst.idx.msk $0xffff, v16;
	v10 =	vld [tilespmem:s12+$0xFFFFFF90];
	s12 =	sadd.s32 $0x200, s12  }
0xf4: {  	_ =	sdelay $0x3  }
0xf5: {  	[tilespmem:v9+s20+$0x0] =	vst.idx.msk $0xffff, v7  }
0xf6: {  	[tilespmem:v12+s20+$0x0] =	vst.idx.msk $0xffff, v1  }
0xf7: {  	[tilespmem:v4+s20+$0x0] =	vst.idx.msk $0xffff, v3  }
0xf8: {  	[tilespmem:v6+s20+$0x0] =	vst.idx.msk $0xffff, v8  }
0xf9: {  	[tilespmem:v2+s20+$0x0] =	vst.idx.msk $0xffff, v5  }
0xfa: {  	[tilespmem:v11+s20+$0x0] =	vst.idx.msk $0xffff, v10  }
.Ltmp15:
0xfb: {  	s0 =	rddreg [dreg:$0x8];
	(pc) =	sbr.rel .LBB2_21-.Ltmp15, $4  }
0xfc: {  	[hbm4b:s0+s3] =	stream.linear.scatter [tilespmem:s20], [sflag:$0x9], $0x300, $0x38;
	[tilespmem:$0x6000] =	vst v63  }
0xfd: {  	_ =	swait.ge [sflag:s29], $0x300  }
0xfe: {  	[sflag:s29] =	ssyncset.done $0x0  }
0xff: {  	[sflag:s29] =	ssyncadd.s32 $0xFFFFFD00  }
.LBB2_22:
0x100: {  	_ =	sfence.sel $0x180000  }
0x101: {  	[bflag:$0x0] =	sbarrier.arrive $0xFFFF  }
0x102: {  	_ =	strace $0x90000047  }
0x103: {  	s0 =	stileid.u32;
	[bflag:$0x2] =	sbarrier.arrive $0xFFFF  }
0x104: {  	p0 =	sne.s32 s0, $0x0;
	s0 =	rddreg [dreg:$0x3]  }
0x105: {  	s0 =	sadd.s32 @!p0 $0x100000, s0  }
0x106: {  	[sflag:s0] =	ssyncadd.tile.s32 @!p0 $0x1;
	_ =	shalt  }
.Lfunc_end2:
_tile_overlayer_lowered:
.L_overlay_start_2:
0x107: {  	(tag) =	ssettag $0x2  }
0x108: {  	s0 =	rddreg [dreg:$0x0];
	s2 =	stileid.u32  }
0x109: {  	s1 =	rddreg [dreg:$0x1];
	p0 =	sne.s32 s2, $0x0  }
0x10a: {  	s3 =	rddreg [dreg:$0x2];
	[bflag:$0x3] =	sbarrier.arrive $0xFFFF;
	s2 =	simm.s32 @!p0 $0x1C09  }
0x10b: {  	[timem:s3], [sflag:s2] =	dma.local @!p0 [hbm:s0], s1  }
0x10c: {  	s0 =	simm.s32 @!p0 $0x9  }
0x10d: {  	_ =	swait.ge @!p0 [sflag:s0], s1  }
0x10e: {  	s1 =	ssub.s32 @!p0 $0x0, s1;
	[sflag:s0] =	ssyncset.done @!p0 $0x0  }
0x10f: {  	[sflag:s0] =	ssyncadd.s32 @!p0 s1  }
0x110: {  	[bflag:$0x3] =	sbarrier.arrive $0xFFFF  }
0x111: {  	_ =	shalt  }

// kernel: _cat_embed.7.cloned.1.call-start
scs
__scs_entry_jumppad:
0x0: {  	(pc) =	sbr.rel $0x88, $3  }
0x1: {  	(tag) =	ssettag $0x0;
	lr =	simm.s32 $0x1  }
0x2: {  	[smem:$0x3F9F] =	sst lr;
	_ =	strace $0xD0000000  }
0x3: {  	_ = 	snop  }
0x4: {  	_ = 	snop  }
0x5: {  	_ = 	snop  }
0x6: {  	_ = 	snop  }
0x7: {  	_ = 	snop  }
__scs_overlays_trampoline_lowered:
0x8: {  	[smem:$0x3FAE] =	sst s0  }
0x9: {  	[smem:$0x3FAF] =	sst s1  }
0xa: {  	[smem:$0x3FB0] =	sst s2  }
0xb: {  	[smem:$0x3FB1] =	sst s3  }
0xc: {  	[smem:$0x3FB2] =	sst s4  }
0xd: {  	[smem:$0x3FB3] =	sst s5  }
0xe: {  	[smem:$0x3FB4] =	sst s6  }
0xf: {  	[smem:$0x3FB5] =	sst s7  }
0x10: {  	[smem:$0x3FB6] =	sst s8  }
0x11: {  	[smem:$0x3FB7] =	sst s9;
	s0 =	simm.s32 @!p0 $0x0  }
0x12: {  	s1 =	sld [smem:$0x3F9D];
	s0 =	simm.s32 @p0 $0x1  }
0x13: {  	[smem:$0x3FB8] =	sst s0;
	s0 =	simm.s32 @!p1 $0x0  }
0x14: {  	s2 =	sld [smem:$0x3F9C];
	s0 =	simm.s32 @p1 $0x1  }
0x15: {  	[smem:$0x3FB9] =	sst s0;
	s0 =	simm.s32 @!p2 $0x0  }
0x16: {  	s3 =	sld [smem:$0x3FDB];
	s0 =	simm.s32 @p2 $0x1  }
0x17: {  	s4 =	simm.s32 $0x1BF5;
	[smem:$0x3FBB] =	sst s0  }
0x18: {  	s0 =	sld [smem:$0x3F9E];
	_ =	swait.ge [sflag:s4], $0x0  }
0x19: {  	s7 =	sld [smem:$0x3F9F]  }
0x1a: {  	s8 =	sadd.s32 $0xFFFFE003, lr  }
0x1b: {  	s9 =	sadd.s32 $0xFFFFFEF7, lr;
	s5 =	simm.s32 $0xFFFFFFFF;
	p2 =	slt.u32 s8, $0xFFFFF086  }
0x1c: {  	p1 =	slt.u32 s9, $0xF7A;
	s5 =	simm.s32 @!p2 $0x0  }
0x1d: {  	s5 =	simm.s32 @p1 $0x1;
	p0 =	seq.s32 s7, s2  }
0x1e: {  	s7 =	smul.u32 @!p0 $0xF7A, s2;
	p2 =	seq.s32 @!p0 s5, $0x0  }
0x1f: {  	s9 =	smul.u32 $0xF7A, s1;
	s8 =	simm.s32 @!p0 $0x1BF5;
	p2 =	por !p2, p0  }
0x20: {  	[sflag:s8] =	ssyncset.s32 @!p0 $0xFFFFF086;
	s6 =	sadd.s32 @!p0 s3, s7;
	s7 =	simm.s32 @!p0 $0x108  }
0x21: {  	s3 =	sadd.s32 s3, s9;
	s6 =	sadd.s32 @!p0 $0x88, s6;
	s7 =	simm.s32 @p2 $0x1082  }
0x22: {  	[simem:s7], [sflag:s8] =	dma.local @!p0 [hbm:s6], $0xF7A  }
0x23: {  	s9 =	sor.u32 $0xD0000000, s2;
	s6 =	simm.s32 $0x108;
	_ =	swait.ge @!p0 [sflag:s8], $0x0  }
0x24: {  	s3 =	sadd.s32 $0x88, s3;
	s6 =	simm.s32 @!p1 $0x1082;
	[sflag:s4] =	ssyncset.s32 $0xFFFFF086  }
0x25: {  	[simem:s6], [sflag:s4] =	dma.local [hbm:s3], $0xF7A  }
0x26: {  	[smem:$0x3F9F] =	sst s1;
	(tag) =	ssettag s2;
	_ =	strace s9  }
0x27: {  	s1 =	sld [smem:$0x3FAF]  }
0x28: {  	s2 =	sld [smem:$0x3FB0]  }
0x29: {  	s4 =	sld [smem:$0x3FB2]  }
0x2a: {  	p0 =	seq.s32 s5, $0x0;
	s5 =	sld [smem:$0x3FB3]  }
0x2b: {  	s6 =	sld [smem:$0x3FB4]  }
0x2c: {  	s7 =	sld [smem:$0x3FB5]  }
0x2d: {  	s3 =	simm.s32 $0x108;
	s8 =	sld [smem:$0x3FB6]  }
0x2e: {  	s3 =	simm.s32 @!p0 $0x1082;
	s9 =	sld [smem:$0x3FB7]  }
0x2f: {  	lr =	sadd.s32 s0, s3;
	s0 =	sld [smem:$0x3FAE]  }
0x30: {  	s3 =	sld [smem:$0x3FB1]  }
0x31: {  	[smem:$0x3FBA] =	sst s10  }
0x32: {  	s10 =	sld [smem:$0x3FB8];
	_ =	sdelay $0x3  }
0x33: {  	p0 =	seq.s32 s10, $0x1;
	s10 =	sld [smem:$0x3FBA];
	_ =	sdelay $0x3  }
0x34: {  	[smem:$0x3FBA] =	sst s10  }
0x35: {  	s10 =	sld [smem:$0x3FB9];
	_ =	sdelay $0x3  }
0x36: {  	p1 =	seq.s32 s10, $0x1;
	s10 =	sld [smem:$0x3FBA];
	_ =	sdelay $0x3  }
0x37: {  	[smem:$0x3FBA] =	sst s10  }
0x38: {  	s10 =	sld [smem:$0x3FBB]  }
0x39: {  	_ = 	snop;
	(pc) =	sbr.ind lr, $3  }
0x3a: {  	_ = 	snop  }
0x3b: {  	_ = 	snop  }
0x3c: {  	p2 =	seq.s32 s10, $0x1;
	s10 =	sld [smem:$0x3FBA]  }
0x3d: {  	_ =	shalt  }
0x3e: {  	_ =	shalt  }
0x3f: {  	_ =	shalt  }
0x40: {  	_ =	shalt  }
0x41: {  	_ =	shalt  }
0x42: {  	_ =	shalt  }
0x43: {  	_ =	shalt  }
0x44: {  	_ =	shalt  }
0x45: {  	_ =	shalt  }
0x46: {  	_ =	shalt  }
0x47: {  	_ =	shalt  }
0x48: {  	_ =	shalt  }
0x49: {  	_ =	shalt  }
0x4a: {  	_ =	shalt  }
0x4b: {  	_ =	shalt  }
0x4c: {  	_ =	shalt  }
0x4d: {  	_ =	shalt  }
0x4e: {  	_ =	shalt  }
0x4f: {  	_ =	shalt  }
0x50: {  	_ =	shalt  }
0x51: {  	_ =	shalt  }
0x52: {  	_ =	shalt  }
0x53: {  	_ =	shalt  }
0x54: {  	_ =	shalt  }
0x55: {  	_ =	shalt  }
0x56: {  	_ =	shalt  }
0x57: {  	_ =	shalt  }
0x58: {  	_ =	shalt  }
0x59: {  	_ =	shalt  }
0x5a: {  	_ =	shalt  }
0x5b: {  	_ =	shalt  }
0x5c: {  	_ =	shalt  }
0x5d: {  	_ =	shalt  }
0x5e: {  	_ =	shalt  }
0x5f: {  	_ =	shalt  }
0x60: {  	_ =	shalt  }
0x61: {  	_ =	shalt  }
0x62: {  	_ =	shalt  }
0x63: {  	_ =	shalt  }
0x64: {  	_ =	shalt  }
0x65: {  	_ =	shalt  }
0x66: {  	_ =	shalt  }
0x67: {  	_ =	shalt  }
0x68: {  	_ =	shalt  }
0x69: {  	_ =	shalt  }
0x6a: {  	_ =	shalt  }
0x6b: {  	_ =	shalt  }
0x6c: {  	_ =	shalt  }
0x6d: {  	_ =	shalt  }
0x6e: {  	_ =	shalt  }
0x6f: {  	_ =	shalt  }
0x70: {  	_ =	shalt  }
0x71: {  	_ =	shalt  }
0x72: {  	_ =	shalt  }
0x73: {  	_ =	shalt  }
0x74: {  	_ =	shalt  }
0x75: {  	_ =	shalt  }
0x76: {  	_ =	shalt  }
0x77: {  	_ =	shalt  }
0x78: {  	_ =	shalt  }
0x79: {  	_ =	shalt  }
0x7a: {  	_ =	shalt  }
0x7b: {  	_ =	shalt  }
0x7c: {  	_ =	shalt  }
0x7d: {  	_ =	shalt  }
0x7e: {  	_ =	shalt  }
0x7f: {  	_ =	shalt  }
0x80: {  	_ =	shalt  }
0x81: {  	_ =	shalt  }
0x82: {  	_ =	shalt  }
0x83: {  	_ =	shalt  }
0x84: {  	_ =	shalt  }
0x85: {  	_ =	shalt  }
0x86: {  	_ =	shalt  }
0x87: {  	_ =	shalt  }
.Lfunc_end0:
.L_simem_size_0:
called_computation.2_lowered:
.L_overlay_start_0:
0x88: {  	s2 =	sld [smem:$0x3FD9]  }
0x89: {  	s3 =	sld [smem:$0x3FFE];
	_ =	sdelay $0x1  }
0x8a: {  	s1 =	srdreg.scid  }
0x8b: {  	s0 =	sand.u32 $0x1, s1  }
0x8c: {  	s17 =	sshll.u32 s0, $0xA;
	s2 =	sadd.s32 s3, s2  }
0x8d: {  	s2 =	sadd.s32 s2, s17  }
0x8e: {  	[smem:$0x3FC6] =	sst s2  }
0x8f: {  	_ = 	snop  }
0x90: {  	s2 =	sld [smem:$0x3FD0];
	(tm) =	ssettm $0x1  }
0x91: {  	s18 =	sld [smem:$0x3FFB];
	_ =	sdelay $0x3  }
0x92: {  	_ =	strace s18  }
0x93: {  	s3 =	sld [smem:$0x3FFC];
	_ =	sdelay $0x3  }
0x94: {  	_ =	strace s3  }
0x95: {  	s3 =	sld [smem:$0x3FFD];
	_ =	sdelay $0x3  }
0x96: {  	_ =	strace s3  }
0x97: {  	_ =	strace $0x8FFFFFFF  }
0x98: {  	s19 =	sld [smem:$0x3FDB];
	_ =	sdelay $0x1  }
0x99: {  	s4 =	simm.s32 $_scs_section_size  }
0x9a: {  	s5 =	simm.s32 $_size__tile_overlayer_lowered;
	s6 =	simm.s32 $_tile_overlayer_lowered  }
0x9b: {  	s22 =	simm.s32 $0x1BFF;
	s21 =	sshll.u32 s6, $0x1;
	s3 =	sadd.s32 s4, s19  }
0x9c: {  	s7 =	simm.s32 $0x0;
	s20 =	sshll.u32 s5, $0x1;
	s5 =	sadd.s32 s21, s3  }
0x9d: {  	[timem:s7], [sflag:s22] =	dma.local [hbm:s5], s20  }
0x9e: {  	_ =	swait.ge [sflag:s22], s20  }
0x9f: {  	s4 =	ssub.s32 $0x0, s20;
	[sflag:s22] =	ssyncset.done $0x0  }
0xa0: {  	[sflag:s22] =	ssyncadd.s32 s4;
	_ =	sdelay $0x1  }
0xa1: {  	s23 =	simm.s32 $0x1B8B  }
0xa2: {  	_ =	swait.ge [sflag:s23], $0x1  }
0xa3: {  	[sflag:s23] =	ssyncset.done $0x0  }
0xa4: {  	s25 =	simm.s32 $0x1B8E;
	s24 =	sld [smem:$0x3FFE];
	[sflag:s23] =	ssyncadd.s32 $0xFFFFFFFF  }
0xa5: {  	s26 =	simm.s32 $execute0_lowered;
	[smem:$0x3FD2] =	sst s25  }
0xa6: {  	s5 =	sshll.u32 s26, $0x1;
	_ =	strace $0x80000049;
	[dreg:$0x1] =	wrdreg $0xFFFFFFFF  }
0xa7: {  	s28 =	simm.s32 $_size_execute0_lowered;
	s3 =	sadd.s32 s3, s5;
	[dreg:$0x0] =	wrdreg $0x0  }
0xa8: {  	s5 =	sshll.u32 s28, $0x1;
	[dreg:$0x2] =	wrdreg s3  }
0xa9: {  	[dreg:$0x3] =	wrdreg s5  }
0xaa: {  	[dreg:$0x4] =	wrdreg $0xC0  }
0xab: {  	_ =	task [dreg:s7], $0x5FFFF  }
0xac: {  	[dreg:$0x1] =	wrdreg $0xFFFFFFFF  }
0xad: {  	[dreg:$0x0] =	wrdreg $0x60  }
0xae: {  	[dreg:$0x2] =	wrdreg s24  }
0xaf: {  	[dreg:$0x3] =	wrdreg s2  }
0xb0: {  	[dreg:$0x4] =	wrdreg $0x9  }
0xb1: {  	_ =	task.clear_ibuf [dreg:s7], $0x5FFFF;
	_ =	strace $0x90000049  }
0xb2: {  	s29 =	simm.s32 $0x9;
	_ =	strace $0x8000004B  }
0xb3: {  	_ =	swait.ge [sflag:s29], $0x1  }
0xb4: {  	[sflag:s29] =	ssyncadd.s32 $0xFFFFFFFF  }
0xb5: {  	_ =	strace $0x9000004B  }
0xb6: {  	_ =	sfence  }
0xb7: {  	s30 =	sld [smem:$0x0];
	_ =	sdelay $0x2  }
0xb8: {  	s31 =	sshll.u32 s1, $0xD;
	s1 =	sshrl.u32 s1, $0x2  }
0xb9: {  	s3 =	sand.u32 $0x4000, s31;
	s1 =	sadd.s32 s1, s30  }
0xba: {  	s0 =	sor.u32 s3, s0;
	s1 =	sshll.u32 s1, $0x11  }
0xbb: {  	s0 =	sor.u32 s1, s0  }
0xbc: {  	s0 =	sadd.s32 $0x8F2B, s0  }
0xbd: {  	[sflag:s0] =	ssyncadd.remote.s32 $0x1  }
0xbe: {  	_ =	sfence.sel $0xFFFF  }
0xbf: {  	[dreg:$0x0] =	wrdreg $0xFFFFFFFF;
	(pc) =	sbr.abs _section_cstart, $3  }
0xc0: {  	[dreg:$0x1] =	wrdreg $0xFFFFFFFF  }
0xc1: {  	_ =	task.clear_ibuf [dreg:s7], $0x2FFFF;
	_ =	strace $0x9FFFFFFF  }
0xc2: {  	(tm) =	ssettm $0x7FFFFFFF  }
0xc3: {  	_ =	shalt  }
tec
execute0_lowered:
.L_overlay_start_1:
0x0: {  	(tag) =	ssettag $0x1  }
0x1: {  	s0 =	srdreg.scid  }
0x2: {  	s8 =	stileid.u32;
	s1 =	rddreg [dreg:$0x0]  }
0x3: {  	s5 =	rddreg [dreg:$0x1];
	s9 =	simm.s32 $0x80;
	s10 =	simm.s32 $0x3400  }
0x4: {  	s11 =	simm.s32 $0x4000;
	s13 =	simm.s32 $0x4C00;
	s15 =	simm.s32 $0x5800  }
0x5: {  	s17 =	simm.s32 $0x6400;
	s21 =	simm.s32 $0xA000;
	s22 =	simm.s32 $0xAC00  }
0x6: {  	s23 =	simm.s32 $0xB800;
	s24 =	simm.s32 $0xC400;
	s25 =	simm.s32 $0xD000  }
0x7: {  	s26 =	simm.s32 $0xDC00;
	s0 =	sand.u32 $0x1, s0;
	s2 =	sshll.u32 s8, $0x1  }
0x8: {  	s31 =	simm.s32 $0xE800;
	s3 =	sor.u32 s0, s2;
	s2 =	simm.s32 $0x0  }
0x9: {  	s28 =	simm.s32 $0x3;
	s29 =	simm.s32 $0x4;
	[smem:$0x7FF] =	sst s2  }
0xa: {  	s8 =	smul.u32 $0x13800, s8;
	_ =	strace $0x8000004A;
	[dreg:$0x3] =	wrdreg s21  }
0xb: {  	s6 =	ssub.s32 $0x2, s0;
	s0 =	smul.u32 $0x9C00, s0;
	[dreg:$0x4] =	wrdreg s22  }
0xc: {  	s30 =	simm.s32 $0x0;
	s4 =	smul.u32 $0x3400, s3;
	[dreg:$0x5] =	wrdreg s23  }
0xd: {  	s7 =	smul.u32 $0x4E000, s3;
	s3 =	sadd.s32 $0xE00, s1;
	[dreg:$0x6] =	wrdreg s24  }
0xe: {  	s18 =	sshrl.u32 s6, $0x1;
	s20 =	sadd.s32 s8, s5;
	[dreg:$0x7] =	wrdreg s25  }
0xf: {  	s8 =	simm.s32 $0x5;
	s21 =	simm.s32 $0x7C00;
	[dreg:$0x8] =	wrdreg s26  }
0x10: {  	s23 =	simm.s32 $0x8800;
	s24 =	simm.s32 $0x9400;
	[dreg:$0x9] =	wrdreg s31  }
0x11: {  	s25 =	simm.s32 $0x1;
	s26 =	simm.s32 $0x2;
	s4 =	sshrl.u32 s4, $0x3  }
0x12: {  	s19 =	sshrl.u32 s7, $0x3;
	s7 =	sadd.s32 s0, s20;
	s4 =	sadd.s32 s4, s1  }
0x13: {  	s1 =	ssub.s32 s6, s18;
	s6 =	sadd.s32 s5, s19;
	s19 =	simm.s32 $0x7000  }
0x14: {  	s4 =	sadd.s32 $0x771400, s4;
	s5 =	sadd.s32 $0x9000, s6;
	s6 =	smax.u32 s1, $0x1  }
.LBB2_1:
0x15: {  	[tilespmem:s2], [sflag:$0x5] =	stream.linear.gather [hbm4b:s4+s2], $0x3400, $0x38;
	[tilespmem:$0xF400] =	vst v63  }
0x16: {  	_ =	swait.ge [sflag:s8], $0x3400  }
0x17: {  	[sflag:s8] =	ssyncset.done $0x0  }
0x18: {  	[sflag:s8] =	ssyncadd.s32 $0xFFFFCC00  }
0x19: {  	[tilespmem:s10], [sflag:$0x1] =	stream.indirect.gather [hbm4b:s3+s9], $0x18, s2, s9, $0xb8;
	[tilespmem:$0xF400] =	vst v63  }
0x1a: {  	_ = 	snop  }
0x1b: {  	[tilespmem:s11], [sflag:$0x1] =	stream.indirect.gather [hbm4b:s3+s9], $0x18, s9, s9, $0xb8;
	[tilespmem:$0xF400] =	vst v63  }
0x1c: {  	s0 =	simm.s32 $0x100  }
0x1d: {  	[tilespmem:s13], [sflag:$0x1] =	stream.indirect.gather [hbm4b:s3+s9], $0x18, s0, s9, $0xb8;
	[tilespmem:$0xF400] =	vst v63  }
0x1e: {  	s1 =	simm.s32 $0x180  }
0x1f: {  	[tilespmem:s15], [sflag:$0x1] =	stream.indirect.gather [hbm4b:s3+s9], $0x18, s1, s9, $0xb8;
	[tilespmem:$0xF400] =	vst v63  }
0x20: {  	s12 =	simm.s32 $0x200  }
0x21: {  	[tilespmem:s17], [sflag:$0x1] =	stream.indirect.gather [hbm4b:s3+s9], $0x18, s12, s9, $0xb8;
	[tilespmem:$0xF400] =	vst v63  }
0x22: {  	s14 =	simm.s32 $0x280  }
0x23: {  	[tilespmem:s19], [sflag:$0x1] =	stream.indirect.gather [hbm4b:s3+s9], $0x18, s14, s9, $0xb8;
	[tilespmem:$0xF400] =	vst v63  }
0x24: {  	s16 =	simm.s32 $0x300  }
0x25: {  	[tilespmem:s21], [sflag:$0x1] =	stream.indirect.gather [hbm4b:s3+s9], $0x18, s16, s9, $0xb8;
	[tilespmem:$0xF400] =	vst v63  }
0x26: {  	s18 =	simm.s32 $0x380  }
0x27: {  	[tilespmem:s23], [sflag:$0x1] =	stream.indirect.gather [hbm4b:s3+s9], $0x18, s18, s9, $0xb8;
	[tilespmem:$0xF400] =	vst v63  }
0x28: {  	s20 =	simm.s32 $0x400  }
0x29: {  	[tilespmem:s24], [sflag:$0x2] =	stream.indirect.gather [hbm4b:s3+s9], $0x18, s20, s9, $0xb8;
	[tilespmem:$0xF400] =	vst v63  }
0x2a: {  	s22 =	simm.s32 $0x480;
	s1 =	rddreg [dreg:$0x3]  }
0x2b: {  	[tilespmem:s1], [sflag:$0x2] =	stream.indirect.gather [hbm4b:s3+s9], $0x18, s22, s9, $0xb8;
	[tilespmem:$0xF400] =	vst v63  }
0x2c: {  	s12 =	rddreg [dreg:$0x4];
	s1 =	simm.s32 $0x500  }
0x2d: {  	[tilespmem:s12], [sflag:$0x2] =	stream.indirect.gather [hbm4b:s3+s9], $0x18, s1, s9, $0xb8;
	[tilespmem:$0xF400] =	vst v63  }
0x2e: {  	s14 =	rddreg [dreg:$0x5];
	s16 =	simm.s32 $0x580  }
0x2f: {  	[tilespmem:s14], [sflag:$0x2] =	stream.indirect.gather [hbm4b:s3+s9], $0x18, s16, s9, $0xb8;
	[tilespmem:$0xF400] =	vst v63  }
0x30: {  	s18 =	rddreg [dreg:$0x6];
	s20 =	simm.s32 $0x600  }
0x31: {  	[tilespmem:s18], [sflag:$0x2] =	stream.indirect.gather [hbm4b:s3+s9], $0x18, s20, s9, $0xb8;
	[tilespmem:$0xF400] =	vst v63  }
0x32: {  	s22 =	rddreg [dreg:$0x7];
	s12 =	simm.s32 $0x680  }
0x33: {  	[tilespmem:s22], [sflag:$0x2] =	stream.indirect.gather [hbm4b:s3+s9], $0x18, s12, s9, $0xb8;
	[tilespmem:$0xF400] =	vst v63  }
0x34: {  	s14 =	rddreg [dreg:$0x8];
	s16 =	simm.s32 $0x700  }
0x35: {  	[tilespmem:s14], [sflag:$0x2] =	stream.indirect.gather [hbm4b:s3+s9], $0x18, s16, s9, $0xb8;
	[tilespmem:$0xF400] =	vst v63  }
0x36: {  	s18 =	rddreg [dreg:$0x9];
	s20 =	simm.s32 $0x780  }
0x37: {  	[tilespmem:s18], [sflag:$0x2] =	stream.indirect.gather [hbm4b:s3+s9], $0x18, s20, s9, $0xb8;
	[tilespmem:$0xF400] =	vst v63  }
0x38: {  	_ =	swait.ge [sflag:s25], $0xC00  }
0x39: {  	[sflag:s25] =	ssyncset.done $0x0  }
0x3a: {  	[sflag:s25] =	ssyncadd.s32 $0xFFFFF400  }
0x3b: {  	_ =	swait.ge [sflag:s25], $0xC00  }
0x3c: {  	[sflag:s25] =	ssyncset.done $0x0  }
0x3d: {  	[sflag:s25] =	ssyncadd.s32 $0xFFFFF400  }
0x3e: {  	_ =	swait.ge [sflag:s25], $0xC00  }
0x3f: {  	[sflag:s25] =	ssyncset.done $0x0  }
0x40: {  	[sflag:s25] =	ssyncadd.s32 $0xFFFFF400  }
0x41: {  	_ =	swait.ge [sflag:s25], $0xC00  }
0x42: {  	[sflag:s25] =	ssyncset.done $0x0  }
0x43: {  	[sflag:s25] =	ssyncadd.s32 $0xFFFFF400  }
0x44: {  	_ =	swait.ge [sflag:s25], $0xC00  }
0x45: {  	[sflag:s25] =	ssyncset.done $0x0  }
0x46: {  	[sflag:s25] =	ssyncadd.s32 $0xFFFFF400  }
0x47: {  	_ =	swait.ge [sflag:s25], $0xC00  }
0x48: {  	[sflag:s25] =	ssyncset.done $0x0  }
0x49: {  	[sflag:s25] =	ssyncadd.s32 $0xFFFFF400  }
0x4a: {  	_ =	swait.ge [sflag:s25], $0xC00  }
0x4b: {  	[sflag:s25] =	ssyncset.done $0x0  }
0x4c: {  	[sflag:s25] =	ssyncadd.s32 $0xFFFFF400  }
0x4d: {  	_ =	swait.ge [sflag:s25], $0xC00  }
0x4e: {  	p0 =	por $0x1, $0x1;
	[sflag:s25] =	ssyncset.done $0x0  }
0x4f: {  	s0 =	simm.s32 @!p0 $0x3;
	[sflag:s25] =	ssyncadd.s32 $0xFFFFF400  }
0x50: {  	_ =	swait.ge @!p0 [sflag:s0], $0x6000  }
0x51: {  	[sflag:s0] =	ssyncset.done @!p0 $0x0  }
0x52: {  	[sflag:s0] =	ssyncadd.s32 @!p0 $0xFFFFA000  }
0x53: {  	[hbm4b:s7+s2] =	stream.linear.scatter [tilespmem:s10], [sflag:$0x3], $0x6000, $0x38;
	[tilespmem:$0xF400] =	vst v63  }
0x54: {  	s22 =	simm.s32 $0x800  }
0x55: {  	[tilespmem:s10], [sflag:$0x1] =	stream.indirect.gather [hbm4b:s3+s9], $0x18, s22, s9, $0xb8;
	[tilespmem:$0xF400] =	vst v63  }
0x56: {  	s1 =	simm.s32 $0x880  }
0x57: {  	[tilespmem:s11], [sflag:$0x1] =	stream.indirect.gather [hbm4b:s3+s9], $0x18, s1, s9, $0xb8;
	[tilespmem:$0xF400] =	vst v63  }
0x58: {  	s12 =	simm.s32 $0x900  }
0x59: {  	[tilespmem:s13], [sflag:$0x1] =	stream.indirect.gather [hbm4b:s3+s9], $0x18, s12, s9, $0xb8;
	[tilespmem:$0xF400] =	vst v63  }
0x5a: {  	s14 =	simm.s32 $0x980  }
0x5b: {  	[tilespmem:s15], [sflag:$0x1] =	stream.indirect.gather [hbm4b:s3+s9], $0x18, s14, s9, $0xb8;
	[tilespmem:$0xF400] =	vst v63  }
0x5c: {  	s16 =	simm.s32 $0xA00  }
0x5d: {  	[tilespmem:s17], [sflag:$0x1] =	stream.indirect.gather [hbm4b:s3+s9], $0x18, s16, s9, $0xb8;
	[tilespmem:$0xF400] =	vst v63  }
0x5e: {  	s18 =	simm.s32 $0xA80  }
0x5f: {  	[tilespmem:s19], [sflag:$0x1] =	stream.indirect.gather [hbm4b:s3+s9], $0x18, s18, s9, $0xb8;
	[tilespmem:$0xF400] =	vst v63  }
0x60: {  	s20 =	simm.s32 $0xB00  }
0x61: {  	[tilespmem:s21], [sflag:$0x1] =	stream.indirect.gather [hbm4b:s3+s9], $0x18, s20, s9, $0xb8;
	[tilespmem:$0xF400] =	vst v63  }
0x62: {  	s22 =	simm.s32 $0xB80  }
0x63: {  	[tilespmem:s23], [sflag:$0x1] =	stream.indirect.gather [hbm4b:s3+s9], $0x18, s22, s9, $0xb8;
	[tilespmem:$0xF400] =	vst v63  }
0x64: {  	_ =	swait.ge [sflag:s26], $0xC00  }
0x65: {  	[sflag:s26] =	ssyncset.done $0x0  }
0x66: {  	[sflag:s26] =	ssyncadd.s32 $0xFFFFF400  }
0x67: {  	_ =	swait.ge [sflag:s26], $0xC00  }
0x68: {  	[sflag:s26] =	ssyncset.done $0x0  }
0x69: {  	[sflag:s26] =	ssyncadd.s32 $0xFFFFF400  }
0x6a: {  	_ =	swait.ge [sflag:s26], $0xC00  }
0x6b: {  	[sflag:s26] =	ssyncset.done $0x0  }
0x6c: {  	[sflag:s26] =	ssyncadd.s32 $0xFFFFF400  }
0x6d: {  	_ =	swait.ge [sflag:s26], $0xC00  }
0x6e: {  	[sflag:s26] =	ssyncset.done $0x0  }
0x6f: {  	[sflag:s26] =	ssyncadd.s32 $0xFFFFF400  }
0x70: {  	_ =	swait.ge [sflag:s26], $0xC00  }
0x71: {  	[sflag:s26] =	ssyncset.done $0x0  }
0x72: {  	[sflag:s26] =	ssyncadd.s32 $0xFFFFF400  }
0x73: {  	_ =	swait.ge [sflag:s26], $0xC00  }
0x74: {  	[sflag:s26] =	ssyncset.done $0x0  }
0x75: {  	[sflag:s26] =	ssyncadd.s32 $0xFFFFF400  }
0x76: {  	_ =	swait.ge [sflag:s26], $0xC00  }
0x77: {  	[sflag:s26] =	ssyncset.done $0x0  }
0x78: {  	[sflag:s26] =	ssyncadd.s32 $0xFFFFF400  }
0x79: {  	_ =	swait.ge [sflag:s26], $0xC00  }
0x7a: {  	[sflag:s26] =	ssyncset.done $0x0  }
0x7b: {  	s14 =	simm.s32 @!p0 $0x4;
	[sflag:s26] =	ssyncadd.s32 $0xFFFFF400  }
0x7c: {  	s31 =	sadd.s32 $0x1800, s7;
	_ =	swait.ge @!p0 [sflag:s14], $0x6000  }
0x7d: {  	s0 =	simm.s32 $0x2000;
	s1 =	simm.s32 $0x800;
	[sflag:s14] =	ssyncset.done @!p0 $0x0  }
0x7e: {  	s12 =	simm.s32 $0x4000;
	[sflag:s14] =	ssyncadd.s32 @!p0 $0xFFFFA000;
	s14 =	sadd.s32 $0xC00, s7  }
.LBB2_2:
0x7f: {  	[hbm4b:s14+s2] =	stream.linear.scatter [tilespmem:s24], [sflag:$0x4], $0x6000, $0x38;
	[tilespmem:$0xF400] =	vst v63  }
0x80: {  	s18 =	sadd.s32 $0x400, s1  }
0x81: {  	[tilespmem:s24], [sflag:$0x2] =	stream.indirect.gather [hbm4b:s3+s9], $0x18, s18, s9, $0xb8;
	[tilespmem:$0xF400] =	vst v63  }
0x82: {  	s20 =	rddreg [dreg:$0x3];
	s18 =	sadd.s32 $0x480, s1  }
0x83: {  	[tilespmem:s20], [sflag:$0x2] =	stream.indirect.gather [hbm4b:s3+s9], $0x18, s18, s9, $0xb8;
	[tilespmem:$0xF400] =	vst v63  }
0x84: {  	s22 =	rddreg [dreg:$0x4];
	s18 =	sadd.s32 $0x500, s1  }
0x85: {  	[tilespmem:s22], [sflag:$0x2] =	stream.indirect.gather [hbm4b:s3+s9], $0x18, s18, s9, $0xb8;
	[tilespmem:$0xF400] =	vst v63  }
0x86: {  	s20 =	rddreg [dreg:$0x5];
	s18 =	sadd.s32 $0x580, s1  }
0x87: {  	[tilespmem:s20], [sflag:$0x2] =	stream.indirect.gather [hbm4b:s3+s9], $0x18, s18, s9, $0xb8;
	[tilespmem:$0xF400] =	vst v63  }
0x88: {  	s22 =	rddreg [dreg:$0x6];
	s18 =	sadd.s32 $0x600, s1  }
0x89: {  	[tilespmem:s22], [sflag:$0x2] =	stream.indirect.gather [hbm4b:s3+s9], $0x18, s18, s9, $0xb8;
	[tilespmem:$0xF400] =	vst v63  }
0x8a: {  	s20 =	rddreg [dreg:$0x7];
	s18 =	sadd.s32 $0x680, s1  }
0x8b: {  	[tilespmem:s20], [sflag:$0x2] =	stream.indirect.gather [hbm4b:s3+s9], $0x18, s18, s9, $0xb8;
	[tilespmem:$0xF400] =	vst v63  }
0x8c: {  	s22 =	rddreg [dreg:$0x8];
	s18 =	sadd.s32 $0x700, s1  }
0x8d: {  	[tilespmem:s22], [sflag:$0x2] =	stream.indirect.gather [hbm4b:s3+s9], $0x18, s18, s9, $0xb8;
	[tilespmem:$0xF400] =	vst v63  }
0x8e: {  	s20 =	rddreg [dreg:$0x9];
	s22 =	sadd.s32 $0x780, s1  }
0x8f: {  	[tilespmem:s20], [sflag:$0x2] =	stream.indirect.gather [hbm4b:s3+s9], $0x18, s22, s9, $0xb8;
	[tilespmem:$0xF400] =	vst v63  }
0x90: {  	_ =	swait.ge [sflag:s25], $0xC00  }
0x91: {  	[sflag:s25] =	ssyncset.done $0x0  }
0x92: {  	[sflag:s25] =	ssyncadd.s32 $0xFFFFF400  }
0x93: {  	_ =	swait.ge [sflag:s25], $0xC00  }
0x94: {  	[sflag:s25] =	ssyncset.done $0x0  }
0x95: {  	[sflag:s25] =	ssyncadd.s32 $0xFFFFF400  }
0x96: {  	_ =	swait.ge [sflag:s25], $0xC00  }
0x97: {  	[sflag:s25] =	ssyncset.done $0x0  }
0x98: {  	[sflag:s25] =	ssyncadd.s32 $0xFFFFF400  }
0x99: {  	_ =	swait.ge [sflag:s25], $0xC00  }
0x9a: {  	[sflag:s25] =	ssyncset.done $0x0  }
0x9b: {  	[sflag:s25] =	ssyncadd.s32 $0xFFFFF400  }
0x9c: {  	_ =	swait.ge [sflag:s25], $0xC00  }
0x9d: {  	[sflag:s25] =	ssyncset.done $0x0  }
0x9e: {  	[sflag:s25] =	ssyncadd.s32 $0xFFFFF400  }
0x9f: {  	_ =	swait.ge [sflag:s25], $0xC00  }
0xa0: {  	[sflag:s25] =	ssyncset.done $0x0  }
0xa1: {  	[sflag:s25] =	ssyncadd.s32 $0xFFFFF400  }
0xa2: {  	_ =	swait.ge [sflag:s25], $0xC00  }
0xa3: {  	[sflag:s25] =	ssyncset.done $0x0  }
0xa4: {  	[sflag:s25] =	ssyncadd.s32 $0xFFFFF400  }
0xa5: {  	_ =	swait.ge [sflag:s25], $0xC00  }
0xa6: {  	s16 =	smov.u32 s12;
	p1 =	seq.s32 s0, $0x0;
	[sflag:s25] =	ssyncset.done $0x0  }
0xa7: {  	s0 =	smov.u32 s16;
	s16 =	simm.s32 @!p1 $0x3;
	[sflag:s25] =	ssyncadd.s32 $0xFFFFF400  }
0xa8: {  	_ =	swait.ge @!p1 [sflag:s16], $0x6000  }
0xa9: {  	[sflag:s16] =	ssyncset.done @!p1 $0x0  }
0xaa: {  	[sflag:s16] =	ssyncadd.s32 @!p1 $0xFFFFA000  }
0xab: {  	[hbm4b:s31+s2] =	stream.linear.scatter [tilespmem:s10], [sflag:$0x3], $0x6000, $0x38;
	[tilespmem:$0xF400] =	vst v63  }
0xac: {  	s20 =	sadd.s32 $0x800, s1  }
0xad: {  	[tilespmem:s10], [sflag:$0x1] =	stream.indirect.gather [hbm4b:s3+s9], $0x18, s20, s9, $0xb8;
	[tilespmem:$0xF400] =	vst v63  }
0xae: {  	s22 =	sadd.s32 $0x880, s1  }
0xaf: {  	[tilespmem:s11], [sflag:$0x1] =	stream.indirect.gather [hbm4b:s3+s9], $0x18, s22, s9, $0xb8;
	[tilespmem:$0xF400] =	vst v63  }
0xb0: {  	s18 =	sadd.s32 $0x900, s1  }
0xb1: {  	[tilespmem:s13], [sflag:$0x1] =	stream.indirect.gather [hbm4b:s3+s9], $0x18, s18, s9, $0xb8;
	[tilespmem:$0xF400] =	vst v63  }
0xb2: {  	s20 =	sadd.s32 $0x980, s1  }
0xb3: {  	[tilespmem:s15], [sflag:$0x1] =	stream.indirect.gather [hbm4b:s3+s9], $0x18, s20, s9, $0xb8;
	[tilespmem:$0xF400] =	vst v63  }
0xb4: {  	s22 =	sadd.s32 $0xA00, s1  }
0xb5: {  	[tilespmem:s17], [sflag:$0x1] =	stream.indirect.gather [hbm4b:s3+s9], $0x18, s22, s9, $0xb8;
	[tilespmem:$0xF400] =	vst v63  }
0xb6: {  	s18 =	sadd.s32 $0xA80, s1  }
0xb7: {  	[tilespmem:s19], [sflag:$0x1] =	stream.indirect.gather [hbm4b:s3+s9], $0x18, s18, s9, $0xb8;
	[tilespmem:$0xF400] =	vst v63  }
0xb8: {  	s20 =	sadd.s32 $0xB00, s1  }
0xb9: {  	[tilespmem:s21], [sflag:$0x1] =	stream.indirect.gather [hbm4b:s3+s9], $0x18, s20, s9, $0xb8;
	[tilespmem:$0xF400] =	vst v63  }
0xba: {  	s22 =	sadd.s32 $0xB80, s1  }
0xbb: {  	[tilespmem:s23], [sflag:$0x1] =	stream.indirect.gather [hbm4b:s3+s9], $0x18, s22, s9, $0xb8;
	[tilespmem:$0xF400] =	vst v63  }
0xbc: {  	_ =	swait.ge [sflag:s26], $0xC00  }
0xbd: {  	[sflag:s26] =	ssyncset.done $0x0  }
0xbe: {  	[sflag:s26] =	ssyncadd.s32 $0xFFFFF400  }
0xbf: {  	_ =	swait.ge [sflag:s26], $0xC00  }
0xc0: {  	[sflag:s26] =	ssyncset.done $0x0  }
0xc1: {  	[sflag:s26] =	ssyncadd.s32 $0xFFFFF400  }
0xc2: {  	_ =	swait.ge [sflag:s26], $0xC00  }
0xc3: {  	[sflag:s26] =	ssyncset.done $0x0  }
0xc4: {  	[sflag:s26] =	ssyncadd.s32 $0xFFFFF400  }
0xc5: {  	_ =	swait.ge [sflag:s26], $0xC00  }
0xc6: {  	[sflag:s26] =	ssyncset.done $0x0  }
0xc7: {  	[sflag:s26] =	ssyncadd.s32 $0xFFFFF400  }
0xc8: {  	_ =	swait.ge [sflag:s26], $0xC00  }
0xc9: {  	[sflag:s26] =	ssyncset.done $0x0  }
0xca: {  	[sflag:s26] =	ssyncadd.s32 $0xFFFFF400  }
0xcb: {  	_ =	swait.ge [sflag:s26], $0xC00  }
0xcc: {  	[sflag:s26] =	ssyncset.done $0x0  }
0xcd: {  	[sflag:s26] =	ssyncadd.s32 $0xFFFFF400  }
0xce: {  	_ =	swait.ge [sflag:s26], $0xC00  }
0xcf: {  	[sflag:s26] =	ssyncset.done $0x0  }
0xd0: {  	s14 =	sshra.s32 s12, $0x2;
	s12 =	sadd.s32 $0x2000, s12;
	[sflag:s26] =	ssyncadd.s32 $0xFFFFF400  }
0xd1: {  	p0 =	sne.s32 s12, $0xC000;
	_ =	swait.ge [sflag:s26], $0xC00  }
.Ltmp0:
0xd2: {  	[sflag:s26] =	ssyncset.done $0x0;
	(pc) =	sbr.rel @p0 .LBB2_2-.Ltmp0, $4  }
0xd3: {  	s1 =	smov.u32 s14;
	s14 =	simm.s32 @!p1 $0x4;
	[sflag:s26] =	ssyncadd.s32 $0xFFFFF400  }
0xd4: {  	_ =	swait.ge @!p1 [sflag:s14], $0x6000  }
0xd5: {  	[sflag:s14] =	ssyncset.done @!p1 $0x0  }
0xd6: {  	[sflag:s14] =	ssyncadd.s32 @!p1 $0xFFFFA000;
	s14 =	sadd.s32 $0xC00, s31;
	s31 =	sadd.s32 $0x1800, s31  }
0xd7: {  	[hbm4b:s14+s2] =	stream.linear.scatter [tilespmem:s24], [sflag:$0x4], $0x6000, $0x38;
	[tilespmem:$0xF400] =	vst v63  }
0xd8: {  	s12 =	sadd.s32 $0x400, s1  }
0xd9: {  	[tilespmem:s24], [sflag:$0x2] =	stream.indirect.gather [hbm4b:s3+s9], $0x18, s12, s9, $0xb8;
	[tilespmem:$0xF400] =	vst v63  }
0xda: {  	s22 =	rddreg [dreg:$0x3];
	s18 =	sadd.s32 $0x480, s1  }
0xdb: {  	[tilespmem:s22], [sflag:$0x2] =	stream.indirect.gather [hbm4b:s3+s9], $0x18, s18, s9, $0xb8;
	[tilespmem:$0xF400] =	vst v63  }
0xdc: {  	s16 =	rddreg [dreg:$0x4];
	s20 =	sadd.s32 $0x500, s1  }
0xdd: {  	[tilespmem:s16], [sflag:$0x2] =	stream.indirect.gather [hbm4b:s3+s9], $0x18, s20, s9, $0xb8;
	[tilespmem:$0xF400] =	vst v63  }
0xde: {  	s22 =	rddreg [dreg:$0x5];
	s16 =	sadd.s32 $0x580, s1  }
0xdf: {  	[tilespmem:s22], [sflag:$0x2] =	stream.indirect.gather [hbm4b:s3+s9], $0x18, s16, s9, $0xb8;
	[tilespmem:$0xF400] =	vst v63  }
0xe0: {  	s18 =	rddreg [dreg:$0x6];
	s20 =	sadd.s32 $0x600, s1  }
0xe1: {  	[tilespmem:s18], [sflag:$0x2] =	stream.indirect.gather [hbm4b:s3+s9], $0x18, s20, s9, $0xb8;
	[tilespmem:$0xF400] =	vst v63  }
0xe2: {  	s22 =	rddreg [dreg:$0x7];
	s16 =	sadd.s32 $0x680, s1  }
0xe3: {  	[tilespmem:s22], [sflag:$0x2] =	stream.indirect.gather [hbm4b:s3+s9], $0x18, s16, s9, $0xb8;
	[tilespmem:$0xF400] =	vst v63  }
0xe4: {  	s18 =	rddreg [dreg:$0x8];
	s20 =	sadd.s32 $0x700, s1  }
0xe5: {  	[tilespmem:s18], [sflag:$0x2] =	stream.indirect.gather [hbm4b:s3+s9], $0x18, s20, s9, $0xb8;
	[tilespmem:$0xF400] =	vst v63  }
0xe6: {  	s22 =	rddreg [dreg:$0x9];
	s18 =	sadd.s32 $0x780, s1  }
0xe7: {  	[tilespmem:s22], [sflag:$0x2] =	stream.indirect.gather [hbm4b:s3+s9], $0x18, s18, s9, $0xb8;
	[tilespmem:$0xF400] =	vst v63  }
0xe8: {  	_ =	swait.ge [sflag:s25], $0xC00  }
0xe9: {  	[sflag:s25] =	ssyncset.done $0x0  }
0xea: {  	[sflag:s25] =	ssyncadd.s32 $0xFFFFF400  }
0xeb: {  	_ =	swait.ge [sflag:s25], $0xC00  }
0xec: {  	[sflag:s25] =	ssyncset.done $0x0  }
0xed: {  	[sflag:s25] =	ssyncadd.s32 $0xFFFFF400  }
0xee: {  	_ =	swait.ge [sflag:s25], $0xC00  }
0xef: {  	[sflag:s25] =	ssyncset.done $0x0  }
0xf0: {  	[sflag:s25] =	ssyncadd.s32 $0xFFFFF400  }
0xf1: {  	_ =	swait.ge [sflag:s25], $0xC00  }
0xf2: {  	[sflag:s25] =	ssyncset.done $0x0  }
0xf3: {  	[sflag:s25] =	ssyncadd.s32 $0xFFFFF400  }
0xf4: {  	_ =	swait.ge [sflag:s25], $0xC00  }
0xf5: {  	[sflag:s25] =	ssyncset.done $0x0  }
0xf6: {  	[sflag:s25] =	ssyncadd.s32 $0xFFFFF400  }
0xf7: {  	_ =	swait.ge [sflag:s25], $0xC00  }
0xf8: {  	[sflag:s25] =	ssyncset.done $0x0  }
0xf9: {  	[sflag:s25] =	ssyncadd.s32 $0xFFFFF400  }
0xfa: {  	_ =	swait.ge [sflag:s25], $0xC00  }
0xfb: {  	[sflag:s25] =	ssyncset.done $0x0  }
0xfc: {  	[sflag:s25] =	ssyncadd.s32 $0xFFFFF400  }
0xfd: {  	_ =	swait.ge [sflag:s25], $0xC00  }
0xfe: {  	p0 =	seq.s32 s0, $0x0;
	[sflag:s25] =	ssyncset.done $0x0  }
0xff: {  	s0 =	simm.s32 @!p0 $0x3;
	[sflag:s25] =	ssyncadd.s32 $0xFFFFF400  }
0x100: {  	_ =	swait.ge @!p0 [sflag:s0], $0x6000  }
0x101: {  	[sflag:s0] =	ssyncset.done @!p0 $0x0  }
0x102: {  	[sflag:s0] =	ssyncadd.s32 @!p0 $0xFFFFA000  }
0x103: {  	[hbm4b:s31+s2] =	stream.linear.scatter [tilespmem:s10], [sflag:$0x3], $0x6000, $0x38;
	[tilespmem:$0xF400] =	vst v63  }
0x104: {  	s20 =	sadd.s32 $0x800, s1  }
0x105: {  	[tilespmem:s10], [sflag:$0x1] =	stream.indirect.gather [hbm4b:s3+s9], $0x18, s20, s9, $0xb8;
	[tilespmem:$0xF400] =	vst v63  }
0x106: {  	s22 =	sadd.s32 $0x880, s1  }
0x107: {  	[tilespmem:s11], [sflag:$0x1] =	stream.indirect.gather [hbm4b:s3+s9], $0x18, s22, s9, $0xb8;
	[tilespmem:$0xF400] =	vst v63  }
0x108: {  	s12 =	sadd.s32 $0x900, s1  }
0x109: {  	[tilespmem:s13], [sflag:$0x1] =	stream.indirect.gather [hbm4b:s3+s9], $0x18, s12, s9, $0xb8;
	[tilespmem:$0xF400] =	vst v63  }
0x10a: {  	s14 =	sadd.s32 $0x980, s1  }
0x10b: {  	[tilespmem:s15], [sflag:$0x1] =	stream.indirect.gather [hbm4b:s3+s9], $0x18, s14, s9, $0xb8;
	[tilespmem:$0xF400] =	vst v63  }
0x10c: {  	s16 =	sadd.s32 $0xA00, s1  }
0x10d: {  	[tilespmem:s17], [sflag:$0x1] =	stream.indirect.gather [hbm4b:s3+s9], $0x18, s16, s9, $0xb8;
	[tilespmem:$0xF400] =	vst v63  }
0x10e: {  	s18 =	sadd.s32 $0xA80, s1  }
0x10f: {  	[tilespmem:s19], [sflag:$0x1] =	stream.indirect.gather [hbm4b:s3+s9], $0x18, s18, s9, $0xb8;
	[tilespmem:$0xF400] =	vst v63  }
0x110: {  	s20 =	sadd.s32 $0xB00, s1  }
0x111: {  	[tilespmem:s21], [sflag:$0x1] =	stream.indirect.gather [hbm4b:s3+s9], $0x18, s20, s9, $0xb8;
	[tilespmem:$0xF400] =	vst v63  }
0x112: {  	s22 =	sadd.s32 $0xB80, s1  }
0x113: {  	[tilespmem:s23], [sflag:$0x1] =	stream.indirect.gather [hbm4b:s3+s9], $0x18, s22, s9, $0xb8;
	[tilespmem:$0xF400] =	vst v63  }
0x114: {  	_ =	swait.ge [sflag:s26], $0xC00  }
0x115: {  	[sflag:s26] =	ssyncset.done $0x0  }
0x116: {  	[sflag:s26] =	ssyncadd.s32 $0xFFFFF400  }
0x117: {  	_ =	swait.ge [sflag:s26], $0xC00  }
0x118: {  	[sflag:s26] =	ssyncset.done $0x0  }
0x119: {  	[sflag:s26] =	ssyncadd.s32 $0xFFFFF400  }
0x11a: {  	_ =	swait.ge [sflag:s26], $0xC00  }
0x11b: {  	[sflag:s26] =	ssyncset.done $0x0  }
0x11c: {  	[sflag:s26] =	ssyncadd.s32 $0xFFFFF400  }
0x11d: {  	_ =	swait.ge [sflag:s26], $0xC00  }
0x11e: {  	[sflag:s26] =	ssyncset.done $0x0  }
0x11f: {  	[sflag:s26] =	ssyncadd.s32 $0xFFFFF400  }
0x120: {  	_ =	swait.ge [sflag:s26], $0xC00  }
0x121: {  	[sflag:s26] =	ssyncset.done $0x0  }
0x122: {  	[sflag:s26] =	ssyncadd.s32 $0xFFFFF400  }
0x123: {  	_ =	swait.ge [sflag:s26], $0xC00  }
0x124: {  	[sflag:s26] =	ssyncset.done $0x0  }
0x125: {  	[sflag:s26] =	ssyncadd.s32 $0xFFFFF400  }
0x126: {  	_ =	swait.ge [sflag:s26], $0xC00  }
0x127: {  	[sflag:s26] =	ssyncset.done $0x0  }
0x128: {  	[sflag:s26] =	ssyncadd.s32 $0xFFFFF400  }
0x129: {  	_ =	swait.ge [sflag:s26], $0xC00  }
0x12a: {  	[sflag:s26] =	ssyncset.done $0x0  }
0x12b: {  	s0 =	simm.s32 @!p0 $0x4;
	[sflag:s26] =	ssyncadd.s32 $0xFFFFF400  }
0x12c: {  	_ =	swait.ge @!p0 [sflag:s0], $0x6000  }
0x12d: {  	[sflag:s0] =	ssyncset.done @!p0 $0x0  }
0x12e: {  	s31 =	sadd.s32 $0xC00, s31;
	[sflag:s0] =	ssyncadd.s32 @!p0 $0xFFFFA000  }
0x12f: {  	[hbm4b:s31+s2] =	stream.linear.scatter [tilespmem:s24], [sflag:$0x4], $0x6000, $0x38;
	[tilespmem:$0xF400] =	vst v63  }
0x130: {  	_ =	swait.ge [sflag:s25], $0xC00  }
0x131: {  	[sflag:s25] =	ssyncset.done $0x0  }
0x132: {  	[sflag:s25] =	ssyncadd.s32 $0xFFFFF400  }
0x133: {  	_ =	swait.ge [sflag:s25], $0xC00  }
0x134: {  	[sflag:s25] =	ssyncset.done $0x0  }
0x135: {  	[sflag:s25] =	ssyncadd.s32 $0xFFFFF400  }
0x136: {  	_ =	swait.ge [sflag:s25], $0xC00  }
0x137: {  	[sflag:s25] =	ssyncset.done $0x0  }
0x138: {  	[sflag:s25] =	ssyncadd.s32 $0xFFFFF400  }
0x139: {  	_ =	swait.ge [sflag:s25], $0xC00  }
0x13a: {  	[sflag:s25] =	ssyncset.done $0x0  }
0x13b: {  	[sflag:s25] =	ssyncadd.s32 $0xFFFFF400  }
0x13c: {  	_ =	swait.ge [sflag:s25], $0xC00  }
0x13d: {  	[sflag:s25] =	ssyncset.done $0x0  }
0x13e: {  	[sflag:s25] =	ssyncadd.s32 $0xFFFFF400  }
0x13f: {  	_ =	swait.ge [sflag:s25], $0xC00  }
0x140: {  	[sflag:s25] =	ssyncset.done $0x0  }
0x141: {  	[sflag:s25] =	ssyncadd.s32 $0xFFFFF400  }
0x142: {  	_ =	swait.ge [sflag:s25], $0xC00  }
0x143: {  	[sflag:s25] =	ssyncset.done $0x0  }
0x144: {  	[sflag:s25] =	ssyncadd.s32 $0xFFFFF400  }
0x145: {  	_ =	swait.ge [sflag:s25], $0xC00  }
0x146: {  	[sflag:s25] =	ssyncset.done $0x0  }
0x147: {  	[sflag:s25] =	ssyncadd.s32 $0xFFFFF400  }
0x148: {  	_ =	swait.ge [sflag:s28], $0x6000  }
0x149: {  	[sflag:s28] =	ssyncset.done $0x0  }
0x14a: {  	s30 =	sadd.s32 $0x1, s30;
	[sflag:s28] =	ssyncadd.s32 $0xFFFFA000  }
0x14b: {  	[hbm4b:s5+s2] =	stream.linear.scatter [tilespmem:s10], [sflag:$0x3], $0x6000, $0x38;
	[tilespmem:$0xF400] =	vst v63  }
0x14c: {  	p0 =	sne.s32 s30, s6;
	_ =	swait.ge [sflag:s29], $0x6000  }
.Ltmp1:
0x14d: {  	[sflag:s29] =	ssyncset.done $0x0;
	(pc) =	sbr.rel @p0 .LBB2_1-.Ltmp1, $4  }
0x14e: {  	[sflag:s29] =	ssyncadd.s32 $0xFFFFA000  }
0x14f: {  	_ =	swait.ge [sflag:s28], $0x6000  }
0x150: {  	[sflag:s28] =	ssyncset.done $0x0  }
0x151: {  	[sflag:s28] =	ssyncadd.s32 $0xFFFFA000  }
0x152: {  	_ =	sfence.sel $0x180000  }
0x153: {  	[bflag:$0x0] =	sbarrier.arrive $0xFFFF  }
0x154: {  	_ =	strace $0x9000004A  }
0x155: {  	s0 =	stileid.u32;
	[bflag:$0x2] =	sbarrier.arrive $0xFFFF  }
0x156: {  	p0 =	sne.s32 s0, $0x0;
	s0 =	rddreg [dreg:$0x2]  }
0x157: {  	s0 =	sadd.s32 @!p0 $0x100000, s0  }
0x158: {  	[sflag:s0] =	ssyncadd.tile.s32 @!p0 $0x1;
	_ =	shalt  }
.Lfunc_end2:
_tile_overlayer_lowered:
.L_overlay_start_2:
0x159: {  	(tag) =	ssettag $0x2  }
0x15a: {  	s0 =	rddreg [dreg:$0x0];
	s2 =	stileid.u32  }
0x15b: {  	s1 =	rddreg [dreg:$0x1];
	p0 =	sne.s32 s2, $0x0  }
0x15c: {  	s3 =	rddreg [dreg:$0x2];
	[bflag:$0x3] =	sbarrier.arrive $0xFFFF;
	s2 =	simm.s32 @!p0 $0x1C05  }
0x15d: {  	[timem:s3], [sflag:s2] =	dma.local @!p0 [hbm:s0], s1  }
0x15e: {  	s0 =	simm.s32 @!p0 $0x5  }
0x15f: {  	_ =	swait.ge @!p0 [sflag:s0], s1  }
0x160: {  	s1 =	ssub.s32 @!p0 $0x0, s1;
	[sflag:s0] =	ssyncset.done @!p0 $0x0  }
0x161: {  	[sflag:s0] =	ssyncadd.s32 @!p0 s1  }
0x162: {  	[bflag:$0x3] =	sbarrier.arrive $0xFFFF  }
0x163: {  	_ =	shalt  }

// kernel: sparse-core-data-format-call.cloned.1.call-start
scs
called_computation_lowered:
.L_overlay_start_0:
0x0: {  	s2 =	sld [smem:$0x3FD9]  }
0x1: {  	s3 =	sld [smem:$0x3FFE];
	_ =	sdelay $0x1  }
0x2: {  	s1 =	srdreg.scid  }
0x3: {  	s0 =	sand.u32 $0x1, s1  }
0x4: {  	s18 =	sshll.u32 s0, $0xA;
	s2 =	sadd.s32 s3, s2  }
0x5: {  	s2 =	sadd.s32 s2, s18  }
0x6: {  	[smem:$0x3FC6] =	sst s2  }
0x7: {  	_ = 	snop  }
0x8: {  	s2 =	sld [smem:$0x3FD0];
	(tm) =	ssettm $0x1  }
0x9: {  	s19 =	sld [smem:$0x3FFB];
	_ =	sdelay $0x3  }
0xa: {  	_ =	strace s19  }
0xb: {  	s3 =	sld [smem:$0x3FFC];
	_ =	sdelay $0x3  }
0xc: {  	_ =	strace s3  }
0xd: {  	s3 =	sld [smem:$0x3FFD];
	_ =	sdelay $0x3  }
0xe: {  	_ =	strace s3  }
0xf: {  	_ =	strace $0x8FFFFFFF  }
0x10: {  	s20 =	sld [smem:$0x3FDB];
	_ =	sdelay $0x1  }
0x11: {  	s4 =	simm.s32 $_scs_section_size  }
0x12: {  	s5 =	simm.s32 $_size__tile_overlayer_lowered;
	s6 =	simm.s32 $_tile_overlayer_lowered  }
0x13: {  	s23 =	simm.s32 $0x1BFF;
	s22 =	sshll.u32 s6, $0x1;
	s3 =	sadd.s32 s4, s20  }
0x14: {  	s7 =	simm.s32 $0x0;
	s21 =	sshll.u32 s5, $0x1;
	s5 =	sadd.s32 s22, s3  }
0x15: {  	[timem:s7], [sflag:s23] =	dma.local [hbm:s5], s21  }
0x16: {  	_ =	swait.ge [sflag:s23], s21  }
0x17: {  	s4 =	ssub.s32 $0x0, s21;
	[sflag:s23] =	ssyncset.done $0x0  }
0x18: {  	[sflag:s23] =	ssyncadd.s32 s4;
	_ =	sdelay $0x1  }
0x19: {  	s24 =	simm.s32 $0x1B8B  }
0x1a: {  	_ =	swait.ge [sflag:s24], $0x1  }
0x1b: {  	[sflag:s24] =	ssyncset.done $0x0  }
0x1c: {  	s26 =	simm.s32 $0x1B8E;
	s25 =	sld [smem:$0x3FFE];
	[sflag:s24] =	ssyncadd.s32 $0xFFFFFFFF  }
0x1d: {  	s27 =	simm.s32 $execute0_lowered;
	[smem:$0x3FD2] =	sst s26  }
0x1e: {  	s5 =	sshll.u32 s27, $0x1;
	_ =	strace $0x8000004C;
	[dreg:$0x1] =	wrdreg $0xFFFFFFFF  }
0x1f: {  	s28 =	simm.s32 $_size_execute0_lowered;
	s3 =	sadd.s32 s3, s5;
	[dreg:$0x0] =	wrdreg $0x0  }
0x20: {  	s5 =	sshll.u32 s28, $0x1;
	[dreg:$0x2] =	wrdreg s3  }
0x21: {  	[dreg:$0x3] =	wrdreg s5  }
0x22: {  	[dreg:$0x4] =	wrdreg $0xC0  }
0x23: {  	_ =	task [dreg:s7], $0x5FFFF  }
0x24: {  	[dreg:$0x1] =	wrdreg $0xFFFFFFFF  }
0x25: {  	[dreg:$0x0] =	wrdreg $0x60  }
0x26: {  	[dreg:$0x2] =	wrdreg s25  }
0x27: {  	[dreg:$0x3] =	wrdreg s2  }
0x28: {  	[dreg:$0x4] =	wrdreg $0x9  }
0x29: {  	_ =	task.clear_ibuf [dreg:s7], $0x5FFFF;
	_ =	strace $0x9000004C  }
0x2a: {  	s29 =	simm.s32 $0x9;
	_ =	strace $0x8000004E  }
0x2b: {  	_ =	swait.ge [sflag:s29], $0x1  }
0x2c: {  	[sflag:s29] =	ssyncadd.s32 $0xFFFFFFFF  }
0x2d: {  	_ =	strace $0x9000004E  }
0x2e: {  	_ =	sfence  }
0x2f: {  	s30 =	sld [smem:$0x0];
	_ =	sdelay $0x2  }
0x30: {  	s31 =	sshll.u32 s1, $0xD;
	s1 =	sshrl.u32 s1, $0x2  }
0x31: {  	s3 =	sand.u32 $0x4000, s31;
	s1 =	sadd.s32 s1, s30  }
0x32: {  	s0 =	sor.u32 s3, s0;
	s1 =	sshll.u32 s1, $0x11  }
0x33: {  	s0 =	sor.u32 s1, s0  }
0x34: {  	s0 =	sadd.s32 $0x8F2B, s0  }
0x35: {  	[sflag:s0] =	ssyncadd.remote.s32 $0x1  }
0x36: {  	_ =	sfence.sel $0xFFFF  }
0x37: {  	[dreg:$0x0] =	wrdreg $0xFFFFFFFF;
	(pc) =	sbr.abs _section_cstart, $3  }
0x38: {  	[dreg:$0x1] =	wrdreg $0xFFFFFFFF  }
0x39: {  	_ =	task.clear_ibuf [dreg:s7], $0x2FFFF;
	_ =	strace $0x9FFFFFFF  }
0x3a: {  	(tm) =	ssettm $0x7FFFFFFF  }
0x3b: {  	_ =	shalt  }
tec
execute0_lowered:
.L_overlay_start_1:
0x0: {  	(tag) =	ssettag $0x1  }
0x1: {  	s0 =	srdreg.scid  }
0x2: {  	s1 =	sshll.u32 s0, $0x4  }
0x3: {  	s6 =	rddreg [dreg:$0x0];
	s0 =	stileid.u32;
	s1 =	sand.u32 $0x10, s1  }
0x4: {  	s3 =	rddreg [dreg:$0x1];
	s1 =	sor.u32 s0, s1  }
0x5: {  	s5 =	simm.s32 $0x1;
	s31 =	simm.s32 $0x2;
	s2 =	sshll.u32 s1, $0x7  }
0x6: {  	s15 =	simm.s32 $0x0;
	s8 =	simm.s32 $0x20000;
	s4 =	ssub.s32 $0x4000, s2  }
0x7: {  	s14 =	simm.s32 $0x0;
	s9 =	simm.s32 $0x0;
	s30 =	sand.u32 $0xF80, s4  }
0x8: {  	s10 =	simm.s32 $0x0;
	s11 =	simm.s32 $0x0;
	p0 =	sne.s32 s30, $0x0  }
.Ltmp0:
0x9: {  	s7 =	sshrl.u32 s4, $0xC;
	s5 =	simm.s32 @!p0 $0x0;
	(pc) =	sbr.rel .LBB1_1-.Ltmp0, $4  }
0xa: {  	s13 =	simm.s32 $0x0;
	s1 =	rddreg [dreg:$0x2];
	s5 =	sadd.s32 s5, s7  }
0xb: {  	_ =	strace $0x8000004D;
	s4 =	simm.s32 $0x1;
	s5 =	smul.u32 $0x5, s5  }
0xc: {  	s6 =	sadd.s32 $0xE00, s6;
	s12 =	smov.u32 s2;
	[sflag:s4] =	ssyncpa.u1 $0x0  }
0xd: {  	[sflag:s31] =	ssyncpa.u1 $0x0;
	p0 =	por $0x0, $0x0;
	s7 =	sadd.s32 $0x1, s5  }
.LBB1_4:
0xe: {  	s20 =	sshra.s32 s20, $0x2  }
0xf: {  	s28 =	sand.u32 $0x78, s10;
	s21 =	sshll.u32 s9, $0xE;
	s22 =	sshll.u32 s10, $0x3  }
0x10: {  	s24 =	sshll.u32 s9, $0x7;
	p1 =	sgt.s32 s9, $0x1F0;
	s30 =	sshra.s32 s9, $0x1F  }
0x11: {  	s26 =	sshra.s32 s10, $0x1F;
	s19 =	sadd.s32 s20, s19;
	s21 =	sand.u32 $0xFFFE0000, s21  }
0x12: {  	v5 =	vld [tilespmem:s17+$0xFFFFFFD0];
	[tilespmem:s18+$0x2040 ss:$0x81] =	vst.msk $0xffff, v4;
	s23 =	sand.u32 $0xFFFFFC00, s22;
	s29 =	sand.u32 $0x380, s24;
	s22 =	sand.u32 $0x3C00, s22  }
0x13: {  	v58 =	vld [tilespmem:s17+$0xFFFFFFE0];
	[tilespmem:s18+$0x2850 ss:$0x81] =	vst.msk $0xffff, v3;
	s21 =	sadd.s32 s23, s21;
	s20 =	sor.u32 s28, s22;
	s22 =	smov.u32 s9  }
0x14: {  	v59 =	vld [tilespmem:s17+$0xFFFFFFF0];
	[tilespmem:s18+$0x3060 ss:$0x81] =	vst.msk $0xffff, v2;
	s24 =	sand.u32 s30, s9;
	s21 =	sshrl.u32 s21, $0xE;
	s22 =	simm.s32 @!p1 $0x1F0  }
0x15: {  	v60 =	vld [tilespmem:s17+$0x0];
	[tilespmem:s18+$0x0 ss:$0x81] =	vst.msk $0xffff, v1;
	p1 =	sgt.s32 s10, $0x3F80;
	s31 =	ssub.s32 s22, s24;
	s22 =	smov.u32 s10  }
0x16: {  	v61 =	vld [tilespmem:s17+$0x10];
	[tilespmem:s19+$0x3870 ss:$0x81] =	vst.msk $0xffff, v0;
	s25 =	smulhi.u32 $0x690691, s21;
	s24 =	sand.u32 s26, s10;
	s22 =	simm.s32 @!p1 $0x3F80  }
0x17: {  	v62 =	vld [tilespmem:s17+$0x20];
	s20 =	sor.u32 s29, s20;
	[tilespmem:s19+$0x810 ss:$0x81] =	vst.msk $0xffff, v5;
	s27 =	sadd.s32 $0xFFFFFE10, s31;
	s22 =	ssub.s32 s22, s24  }
0x18: {  	v63 =	vld [tilespmem:s17+$0xFFFFFFC0];
	[tilespmem:s19+$0x1020 ss:$0x81] =	vst.msk $0xffff, v58;
	s18 =	ssub.s32 $0x270, s31;
	s28 =	smul.u32 $0x270, s25;
	s29 =	sadd.s32 $0xFFFFC080, s22  }
0x19: {  	[tilespmem:s19+$0x1830 ss:$0x81] =	vst.msk $0xffff, v59;
	p1 =	sgt.s32 s27, $0x7F;
	s22 =	ssub.s32 $0x4000, s22;
	p2 =	sgt.s32 s29, $0x7F  }
0x1a: {  	s30 =	sand.u32 $0x7, s10;
	[tilespmem:s19+$0x2040 ss:$0x81] =	vst.msk $0xffff, v60;
	s18 =	simm.s32 @p1 $0x0;
	s22 =	simm.s32 @p2 $0x0  }
0x1b: {  	s20 =	sshrl.u32 s20, $0x3;
	[tilespmem:s19+$0x2850 ss:$0x81] =	vst.msk $0xffff, v61;
	s17 =	ssub.s32 s21, s28;
	s18 =	smul.u32 s22, s18  }
0x1c: {  	[tilespmem:s19+$0x3060 ss:$0x81] =	vst.msk $0xffff, v62;
	s20 =	sadd.s32 s3, s20;
	s21 =	sshll.u32 s30, $0x12;
	s17 =	sshll.u32 s17, $0xB  }
0x1d: {  	[tilespmem:s19+$0x0 ss:$0x81] =	vst.msk $0xffff, v63;
	s31 =	sor.u32 $0x400, s21;
	s17 =	sadd.s32 s17, s20;
	s18 =	sand.u32 $0x3FFFFFFF, s18  }
0x1e: {  	[hbm4b:s17+s31] =	stream.strided.scatter [tilespmem:s16], [sflag:$0x2], s18, s8, s31, $0x20;
	[tilespmem:$0x10100] =	vst v63  }
.LBB1_5:
0x1f: {  	p1 =	slt.u32 s13, $0x2  }
0x20: {  	s17 =	smov.u32 s15;
	p2 =	sgt.s32 @!p1 s15, $0x1F0;
	s16 =	sshra.s32 @!p1 s15, $0x1F  }
0x21: {  	p3 =	sgt.s32 @!p1 s14, $0x3F80;
	s18 =	sshra.s32 @!p1 s14, $0x1F;
	p2 =	por !p2, p1  }
0x22: {  	s15 =	sand.u32 @!p1 s16, s15;
	p3 =	por !p3, p1;
	s16 =	smov.u32 s14  }
0x23: {  	s14 =	sand.u32 @!p1 s18, s14;
	s17 =	simm.s32 @p2 $0x1F0;
	s16 =	simm.s32 @p3 $0x3F80  }
0x24: {  	s15 =	ssub.s32 @!p1 s17, s15;
	s14 =	ssub.s32 @!p1 s16, s14  }
0x25: {  	s18 =	smov.u32 s12;
	s16 =	sadd.s32 @!p1 $0xFFFFFE10, s15;
	s17 =	sadd.s32 @!p1 $0xFFFFC080, s14  }
0x26: {  	s15 =	ssub.s32 @!p1 $0x270, s15;
	p2 =	sgt.s32 @!p1 s16, $0x7F;
	p3 =	sgt.s32 @!p1 s17, $0x7F  }
0x27: {  	s14 =	ssub.s32 @!p1 $0x4000, s14;
	p2 =	por !p2, p1;
	p3 =	por !p3, p1  }
0x28: {  	s16 =	sadd.s32 $0x80, s11;
	s15 =	simm.s32 @!p2 $0x0;
	s14 =	simm.s32 @!p3 $0x0  }
0x29: {  	p2 =	sgt.s32 s16, $0x26F;
	s14 =	smul.u32 @!p1 s14, s15;
	s15 =	sadd.s32 $0x1000, s12  }
0x2a: {  	s18 =	smov.u32 @p2 s15  }
0x2b: {  	s16 =	simm.s32 @p2 $0x0;
	p2 =	sgt.s32 s18, $0x3FFF  }
0x2c: {  	s18 =	smov.u32 @p2 s2;
	p2 =	sne.s32 s13, s7  }
.Ltmp1:
0x2d: {  	p0 =	por !p0, !p0;
	s17 =	simm.s32 @!p1 $0x2;
	(pc) =	sbr.rel @!p2 .LBB1_6-.Ltmp1, $4  }
0x2e: {  	s15 =	smov.u32 s9;
	s9 =	smov.u32 s11;
	s14 =	sand.u32 @!p1 $0x3FFFFFFF, s14  }
0x2f: {  	s11 =	smov.u32 s16;
	_ =	swait.ge @!p1 [sflag:s17], s14;
	s19 =	ssub.s32 @!p1 $0x0, s14  }
0x30: {  	s14 =	smov.u32 s10;
	s13 =	sadd.s32 $0x1, s13;
	[sflag:s17] =	ssyncset.done @!p1 $0x0  }
0x31: {  	s10 =	smov.u32 s12;
	s12 =	smov.u32 s18;
	[sflag:s17] =	ssyncadd.s32 @!p1 s19  }
.LBB1_1:
0x32: {  	p1 =	sge.u32 s13, s5  }
0x33: {  	s16 =	sshrl.u32 @!p1 s12, $0x3  }
0x34: {  	s17 =	sshll.u32 @!p1 s11, $0x3;
	s16 =	smul.u32 @!p1 $0x1400, s16  }
0x35: {  	s18 =	sshll.u32 @!p1 s12, $0x7;
	s17 =	sand.u32 @!p1 $0xFFFFFC00, s17  }
0x36: {  	s16 =	sadd.s32 @!p1 s16, s17;
	s17 =	sand.u32 @!p1 $0x380, s18  }
0x37: {  	s18 =	sand.u32 @!p1 $0x7F, s11;
	s16 =	sor.u32 @!p1 s17, s16  }
0x38: {  	s17 =	sor.u32 @!p1 s18, s16  }
0x39: {  	s18 =	smulhi.u32 @!p1 $0xCCCCCCCD, s17;
	_ =	sdelay $0x1  }
0x3a: {  	s16 =	smulhi.u32 @!p1 $0xCCCCCCCD, s16;
	s18 =	sshrl.u32 @!p1 s18, $0x9  }
0x3b: {  	s18 =	smul.u32 @!p1 $0x280, s18  }
0x3c: {  	s31 =	sadd.s32 $0xFFFFFFFF, s13;
	s19 =	sxor.u32 @!p1 $0xFFFFFFFF, s13;
	s16 =	sshrl.u32 @!p1 s16, $0x9  }
0x3d: {  	s19 =	sshll.u32 @!p1 s19, $0xE;
	s16 =	sand.u32 @!p1 $0x3FFF, s16;
	s17 =	ssub.s32 @!p1 s17, s18  }
0x3e: {  	s16 =	smul.u32 @!p1 $0x50, s16;
	s18 =	sshrl.u32 @!p1 s17, $0x3;
	s17 =	sand.u32 @!p1 $0x7, s17  }
0x3f: {  	s19 =	sand.u32 @!p1 $0x4000, s19;
	s18 =	sadd.s32 @!p1 s6, s18;
	s17 =	sshll.u32 @!p1 s17, $0x12  }
0x40: {  	s16 =	sadd.s32 @!p1 s16, s18;
	s17 =	sor.u32 @!p1 $0x400, s17;
	s18 =	simm.s32 @!p1 $0x1400  }
0x41: {  	[tilespmem:s19], [sflag:$0x1] =	stream.strided.gather @!p1 [hbm4b:s16+s17], $0x4000, s18, s17, $0x38;
	[tilespmem:$0x10100] =	vst v63  }
0x42: {  	p1 =	sge.u32 s31, s5  }
.Ltmp2:
0x43: {  	_ = 	snop;
	(pc) =	sbr.rel @p1 .LBB1_5-.Ltmp2, $1  }
0x44: {  	_ =	sdelay $0x3  }
0x45: {  	s16 =	simm.s32 $0x1  }
0x46: {  	_ =	swait.ge [sflag:s4], $0x4000;
	s16 =	simm.s32 @!p0 $0x0  }
0x47: {  	[sflag:s4] =	ssyncset.done $0x0;
	s17 =	sshll.u32 s16, $0xE  }
0x48: {  	[sflag:s4] =	ssyncadd.s32 $0xFFFFC000;
	s17 =	sor.u32 $0x40, s17  }
0x49: {  	s16 =	smul.u32 $0x10200, s16;
	v0 =	vld [tilespmem:s17+$0x30]  }
0x4a: {  	v1 =	vld [tilespmem:s17+$0xFFFFFFD0]  }
0x4b: {  	s16 =	sshrl.u32 s16, $0x2;
	v5 =	vld [tilespmem:s17+$0xFFFFFFE0]  }
0x4c: {  	v6 =	vld [tilespmem:s17+$0xFFFFFFF0];
	s19 =	sor.u32 $0x8000, s16  }
0x4d: {  	s31 =	sand.u32 $0x1, s13;
	v4 =	vld [tilespmem:s17+$0x0];
	s18 =	sadd.s32 $0x0, s19  }
0x4e: {  	v3 =	vld [tilespmem:s17+$0x10];
	s16 =	smul.u32 $0x10200, s31;
	[tilespmem:s18+$0x3870 ss:$0x81] =	vst.msk $0xffff, v0  }
0x4f: {  	v2 =	vld [tilespmem:s17+$0x20];
	[tilespmem:s18+$0x810 ss:$0x81] =	vst.msk $0xffff, v1  }
0x50: {  	s16 =	sshrl.u32 s16, $0x2;
	v1 =	vld [tilespmem:s17+$0xFFFFFFC0];
	[tilespmem:s18+$0x1020 ss:$0x81] =	vst.msk $0xffff, v5;
	s17 =	sadd.s32 $0x80, s17  }
0x51: {  	s20 =	simm.s32 $0x4;
	s21 =	simm.s32 $0x8;
	s16 =	sor.u32 $0x8000, s16;
	[tilespmem:s18+$0x1830 ss:$0x81] =	vst.msk $0xffff, v6;
	v0 =	vld [tilespmem:s17+$0x30]  }
.LBB1_3:
0x52: {  	p1 =	sne.s32 s21, $0x1FC;
	v5 =	vld [tilespmem:s17+$0xFFFFFFD0];
	[tilespmem:s18+$0x2040 ss:$0x81] =	vst.msk $0xffff, v4  }
0x53: {  	v6 =	vld [tilespmem:s17+$0xFFFFFFE0];
	[tilespmem:s18+$0x2850 ss:$0x81] =	vst.msk $0xffff, v3  }
0x54: {  	s22 =	sshra.s32 s20, $0x2;
	s20 =	smov.u32 s21;
	v7 =	vld [tilespmem:s17+$0xFFFFFFF0];
	[tilespmem:s18+$0x3060 ss:$0x81] =	vst.msk $0xffff, v2  }
.Ltmp3:
0x55: {  	v4 =	vld [tilespmem:s17+$0x0];
	[tilespmem:s18+$0x0 ss:$0x81] =	vst.msk $0xffff, v1;
	s18 =	sadd.s32 s22, s19;
	(pc) =	sbr.rel @p1 .LBB1_3-.Ltmp3, $4  }
0x56: {  	v3 =	vld [tilespmem:s17+$0x10];
	[tilespmem:s18+$0x3870 ss:$0x81] =	vst.msk $0xffff, v0  }
0x57: {  	[tilespmem:s18+$0x810 ss:$0x81] =	vst.msk $0xffff, v5;
	v2 =	vld [tilespmem:s17+$0x20]  }
0x58: {  	v1 =	vld [tilespmem:s17+$0xFFFFFFC0];
	[tilespmem:s18+$0x1020 ss:$0x81] =	vst.msk $0xffff, v6;
	s17 =	sadd.s32 $0x80, s17  }
0x59: {  	s21 =	sadd.s32 $0x4, s21;
	v0 =	vld [tilespmem:s17+$0x30];
	[tilespmem:s18+$0x1830 ss:$0x81] =	vst.msk $0xffff, v7  }
.Ltmp4:
0x5a: {  	_ = 	snop;
	(pc) =	sbr.rel .LBB1_4-.Ltmp4, $1  }
0x5b: {  	_ =	sdelay $0x3  }
.LBB1_6:
0x5c: {  	_ =	sfence.sel $0x180000  }
0x5d: {  	s2 =	simm.s32 $0x1;
	[bflag:$0x0] =	sbarrier.arrive $0xFFFF  }
0x5e: {  	s31 =	simm.s32 $0x2;
	[sflag:s2] =	ssyncpa.u1 $0x1  }
0x5f: {  	[sflag:s31] =	ssyncpa.u1 $0x1  }
0x60: {  	p0 =	sne.s32 s0, $0x0;
	_ =	strace $0x9000004D  }
0x61: {  	s0 =	sadd.s32 @!p0 $0x100000, s1;
	[bflag:$0x2] =	sbarrier.arrive $0xFFFF  }
0x62: {  	[sflag:s0] =	ssyncadd.tile.s32 @!p0 $0x1;
	_ =	shalt  }
.Lfunc_end1:
_tile_overlayer_lowered:
.L_overlay_start_2:
0x63: {  	(tag) =	ssettag $0x2  }
0x64: {  	s0 =	rddreg [dreg:$0x0];
	s2 =	stileid.u32  }
0x65: {  	s1 =	rddreg [dreg:$0x1];
	p0 =	sne.s32 s2, $0x0  }
0x66: {  	s3 =	rddreg [dreg:$0x2];
	[bflag:$0x3] =	sbarrier.arrive $0xFFFF;
	s2 =	simm.s32 @!p0 $0x1C01  }
0x67: {  	[timem:s3], [sflag:s2] =	dma.local @!p0 [hbm:s0], s1  }
0x68: {  	s0 =	simm.s32 @!p0 $0x1  }
0x69: {  	_ =	swait.ge @!p0 [sflag:s0], s1  }
0x6a: {  	s1 =	ssub.s32 @!p0 $0x0, s1;
	[sflag:s0] =	ssyncset.done @!p0 $0x0  }
0x6b: {  	[sflag:s0] =	ssyncadd.s32 @!p0 s1  }
0x6c: {  	[bflag:$0x3] =	sbarrier.arrive $0xFFFF  }
0x6d: {  	_ =	shalt  }

</sc_bundles>
